<compile_context>
chip_gen: v7x
topology: tpu7x:2x2x1
jax: 0.10.2.dev20260603
libtpu: 0.0.44.dev20260713+nightly
codegen_flags: <defaults>
</compile_context>

<pallas_src>
import functools

import jax
import jax.numpy as jnp
from jax import lax
from jax.experimental import pallas as pl
from jax.experimental.pallas import tpu as pltpu
from jax.experimental.pallas import tpu_sc as plsc

D = 256
L = 16
CHUNK = 96
N_WORKERS = 32


def _make_lane_sum():
    lane = lax.iota(jnp.int32, L)
    perms = [lane ^ (1 << k) for k in range(4)]
    dnums = lax.GatherDimensionNumbers(
        offset_dims=(), collapsed_slice_dims=(0,), start_index_map=(0,))

    def lane_sum(v):
        for p in perms:
            v = v + lax.gather(v, p[:, None], dnums, slice_sizes=(1,),
                               mode=lax.GatherScatterMode.PROMISE_IN_BOUNDS)
        return v

    return lane, lane_sum


_PERM_MERGE = None


def _pair_stage(srows, drows, stage, n_edges):
    lane = lax.iota(jnp.int32, L)
    perms = [lane ^ (1 << k) for k in range(4)]
    dnums = lax.GatherDimensionNumbers(
        offset_dims=(), collapsed_slice_dims=(0,), start_index_map=(0,))

    def vperm(v, p):
        return lax.gather(v, p[:, None], dnums, slice_sizes=(1,),
                          mode=lax.GatherScatterMode.PROMISE_IN_BOUNDS)

    even = (lane & 1) == 0

    @plsc.parallel_loop(0, n_edges // 2, unroll=2)
    def pair_body(q):
        e0 = q * 2
        acc = [None, None]
        for u in range(2):
            e = e0 + u
            a = srows[e, pl.ds(0, L)] * drows[e, pl.ds(0, L)]
            for j in range(1, D // L):
                a = a + srows[e, pl.ds(j * L, L)] * drows[e, pl.ds(j * L, L)]
            acc[u] = a
        za = acc[0] + vperm(acc[0], perms[0])
        zb = acc[1] + vperm(acc[1], perms[0])
        w = jnp.where(even, za, zb)
        for k in range(1, 4):
            w = w + vperm(w, perms[k])
        stage[pl.ds(q * L, L)] = w


def _merge_stage(stage, outv, out_base, n_edges):
    lane = lax.iota(jnp.int32, L)
    half_lane = lane >> 1
    n_groups = (n_edges + L - 1) // L

    def merge(g, _):
        scores = stage[pl.ds(g * (L * 8), L)]
        for q in range(1, 8):
            v = stage[pl.ds(g * (L * 8) + q * L, L)]
            scores = jnp.where(half_lane == q, v, scores)
        outv[pl.ds(out_base + g * L, L)] = 1.0 / (1.0 + jnp.exp(-scores))
        return _

    if n_groups == 1:
        merge(0, None)
    else:
        lax.fori_loop(0, n_groups, merge, None)


def kernel(z, edge_index):
    n_edges = edge_index.shape[1]
    per_w = n_edges // N_WORKERS
    n_chunks = per_w // CHUNK
    tail = per_w - n_chunks * CHUNK
    n_pairs = n_chunks // 2

    mesh = plsc.VectorSubcoreMesh(core_axis_name="c", subcore_axis_name="s")

    @functools.partial(
        pl.kernel,
        mesh=mesh,
        out_type=jax.ShapeDtypeStruct((n_edges,), jnp.float32),
        scratch_types=[
            pltpu.VMEM((CHUNK,), jnp.int32),
            pltpu.VMEM((CHUNK,), jnp.int32),
            pltpu.VMEM((CHUNK,), jnp.int32),
            pltpu.VMEM((CHUNK,), jnp.int32),
            pltpu.VMEM((CHUNK, D), jnp.float32),
            pltpu.VMEM((CHUNK, D), jnp.float32),
            pltpu.VMEM((CHUNK, D), jnp.float32),
            pltpu.VMEM((CHUNK, D), jnp.float32),
            pltpu.VMEM((tail,), jnp.int32),
            pltpu.VMEM((tail,), jnp.int32),
            pltpu.VMEM((tail, D), jnp.float32),
            pltpu.VMEM((tail, D), jnp.float32),
            pltpu.VMEM((((per_w + L - 1) // L) * L,), jnp.float32),
            pltpu.VMEM((CHUNK * 8,), jnp.float32),
            pltpu.VMEM((CHUNK * 8,), jnp.float32),
            pltpu.SemaphoreType.DMA,
            pltpu.SemaphoreType.DMA,
            pltpu.SemaphoreType.DMA,
            pltpu.SemaphoreType.DMA,
            pltpu.SemaphoreType.DMA,
            pltpu.SemaphoreType.DMA,
            pltpu.SemaphoreType.DMA,
            pltpu.SemaphoreType.DMA,
        ],
    )
    def sc_kernel(z_hbm, ei_hbm, out_hbm,
                  sidx0, didx0, sidx1, didx1,
                  srows0, drows0, srows1, drows1,
                  tsidx, tdidx, tsrows, tdrows,
                  outv, stage0, stage1,
                  semS0, semD0, semS1, semD1,
                  isemS0, isemD0, isemS1, isemD1):
        wid = lax.axis_index("s") * 2 + lax.axis_index("c")
        wbase = wid * per_w

        sidx = (sidx0, sidx1)
        didx = (didx0, didx1)
        srows = (srows0, srows1)
        drows = (drows0, drows1)
        semS = (semS0, semS1)
        semD = (semD0, semD1)
        isemS = (isemS0, isemS1)
        isemD = (isemD0, isemD1)

        def chunk_base(i):
            return wbase + jnp.minimum(i, n_chunks - 1) * CHUNK

        def fire_idx(i, p):
            b = chunk_base(i)
            pltpu.async_copy(ei_hbm.at[pl.ds(b, CHUNK)], sidx[p], isemS[p])
            pltpu.async_copy(ei_hbm.at[pl.ds(n_edges + b, CHUNK)], didx[p], isemD[p])

        def wait_idx(p):
            pltpu.make_async_copy(
                ei_hbm.at[pl.ds(0, CHUNK)], sidx[p], isemS[p]).wait()
            pltpu.make_async_copy(
                ei_hbm.at[pl.ds(0, CHUNK)], didx[p], isemD[p]).wait()

        def fire_gather(p):
            pltpu.async_copy(z_hbm.at[sidx[p]], srows[p], semS[p])
            pltpu.async_copy(z_hbm.at[didx[p]], drows[p], semD[p])

        def wait_gather(p):
            pltpu.make_async_copy(z_hbm.at[sidx[p]], srows[p], semS[p]).wait()
            pltpu.make_async_copy(z_hbm.at[didx[p]], drows[p], semD[p]).wait()

        stage = (stage0, stage1)

        def half(i, p):
            wait_idx(1 - p)
            fire_gather(1 - p)
            fire_idx(i + 2, p)

            @pl.when(i > 0)
            def _():
                _merge_stage(stage[1 - p], outv, (i - 1) * CHUNK, CHUNK)

            wait_gather(p)
            _pair_stage(srows[p], drows[p], stage[p], CHUNK)

        b0 = chunk_base(0)
        pltpu.sync_copy(ei_hbm.at[pl.ds(b0, CHUNK)], sidx0)
        pltpu.sync_copy(ei_hbm.at[pl.ds(n_edges + b0, CHUNK)], didx0)
        fire_gather(0)
        fire_idx(1, 1)

        def pair(j, _):
            half(2 * j, 0)
            half(2 * j + 1, 1)
            return _

        lax.fori_loop(0, n_pairs, pair, None)

        wait_idx(1)
        wait_gather(0)

        tb = wbase + n_chunks * CHUNK
        pltpu.sync_copy(ei_hbm.at[pl.ds(tb, tail)], tsidx)
        pltpu.sync_copy(ei_hbm.at[pl.ds(n_edges + tb, tail)], tdidx)
        cp_s = pltpu.async_copy(z_hbm.at[tsidx], tsrows, semS0)
        cp_d = pltpu.async_copy(z_hbm.at[tdidx], tdrows, semD0)
        _merge_stage(stage1, outv, (n_chunks - 1) * CHUNK, CHUNK)
        cp_s.wait()
        cp_d.wait()
        _pair_stage(tsrows, tdrows, stage0, tail)
        _merge_stage(stage0, outv, n_chunks * CHUNK, tail)

        pltpu.sync_copy(outv.at[pl.ds(0, per_w)], out_hbm.at[pl.ds(wbase, per_w)])

    return sc_kernel(z, edge_index.reshape(-1))

# --- scband reference (transcript-rebuilt; emitter-appended) ---
"""Pipeline reference for scband-inner-product-decoder-9783935500968 (READ-ONLY COPY).

The authoritative reference and input builder live on the scoring server;
editing this copy changes nothing except your own understanding.
"""

import jax, jax.numpy as jnp
import numpy as np

N_NODES = 10000
N_EDGES = 160000
D_FEAT = 256

def setup_inputs(seed: int = 0) -> dict:
    key = jax.random.key(seed)
    k1, k2 = jax.random.split(key)
    z = jax.random.normal(k1, (N_NODES, D_FEAT), dtype=jnp.float32)
    edge_index = jax.random.randint(k2, (2, N_EDGES), 0, N_NODES, dtype=jnp.int32)
    return {"z": z, "edge_index": edge_index}

def reference(z, edge_index):
    # InnerProductDecoder.forward with sigmoid=True
    src = jnp.take(z, edge_index[0], axis=0)
    dst = jnp.take(z, edge_index[1], axis=0)
    value = (src * dst).sum(axis=1)
    return jax.nn.sigmoid(value)

if __name__ == "__main__":
    import jax
    _d = setup_inputs()
    print(jax.jit(kernel)(*tuple(_d.values())))

</pallas_src>

<mosaic_0001>
#map = affine_map<(d0, d1) -> (0, 0)>
#map1 = affine_map<(d0, d1) -> (0)>
module attributes {stable_mosaic.version = 14 : i64} {
  func.func @sc_kernel(%arg0: i32, %arg1: i32, %arg2: memref<10000x256xf32, #tpu.memory_space<hbm>>, %arg3: memref<320000xi32, #tpu.memory_space<hbm>>, %arg4: memref<160000xf32, #tpu.memory_space<hbm>>, %arg5: memref<96xi32, #tpu.memory_space<vmem>>, %arg6: memref<96xi32, #tpu.memory_space<vmem>>, %arg7: memref<96xi32, #tpu.memory_space<vmem>>, %arg8: memref<96xi32, #tpu.memory_space<vmem>>, %arg9: memref<96x256xf32, #tpu.memory_space<vmem>>, %arg10: memref<96x256xf32, #tpu.memory_space<vmem>>, %arg11: memref<96x256xf32, #tpu.memory_space<vmem>>, %arg12: memref<96x256xf32, #tpu.memory_space<vmem>>, %arg13: memref<8xi32, #tpu.memory_space<vmem>>, %arg14: memref<8xi32, #tpu.memory_space<vmem>>, %arg15: memref<8x256xf32, #tpu.memory_space<vmem>>, %arg16: memref<8x256xf32, #tpu.memory_space<vmem>>, %arg17: memref<5008xf32, #tpu.memory_space<vmem>>, %arg18: memref<768xf32, #tpu.memory_space<vmem>>, %arg19: memref<768xf32, #tpu.memory_space<vmem>>, %arg20: memref<!tpu.dma_semaphore, #tpu.memory_space<semaphore_mem>>, %arg21: memref<!tpu.dma_semaphore, #tpu.memory_space<semaphore_mem>>, %arg22: memref<!tpu.dma_semaphore, #tpu.memory_space<semaphore_mem>>, %arg23: memref<!tpu.dma_semaphore, #tpu.memory_space<semaphore_mem>>, %arg24: memref<!tpu.dma_semaphore, #tpu.memory_space<semaphore_mem>>, %arg25: memref<!tpu.dma_semaphore, #tpu.memory_space<semaphore_mem>>, %arg26: memref<!tpu.dma_semaphore, #tpu.memory_space<semaphore_mem>>, %arg27: memref<!tpu.dma_semaphore, #tpu.memory_space<semaphore_mem>>) attributes {dimension_semantics = [#tpu.dimension_semantics<core_parallel>, #tpu.dimension_semantics<subcore_parallel>], iteration_bounds = array<i64: 2, 16>, scalar_prefetch = 0 : i64, scratch_operands = 23 : i64, tpu.core_type = #tpu.core_type<sc_vector_subcore>, window_params = [{transform_indices = #map}, {transform_indices = #map1}, {transform_indices = #map1}]} {
    %mul3A = arith.constant 2 : i32
    %mul3A_0 = arith.muli %arg1, %mul3A : i32
    %add3A = arith.addi %mul3A_0, %arg0 : i32
    %mul3A_1 = arith.constant 5000 : i32
    %mul3A_2 = arith.muli %add3A, %mul3A_1 : i32
    %min3A = arith.constant 0 : i32
    %min3A_3 = arith.constant 51 : i32
    %min3A_4 = arith.minsi %min3A, %min3A_3 : i32
    %mul3A_5 = arith.constant 96 : i32
    %mul3A_6 = arith.muli %min3A_4, %mul3A_5 : i32
    %add3A_7 = arith.addi %mul3A_2, %mul3A_6 : i32
    "tpu.region"() ({
      %run_scoped3A = tpu.sem_alloc : memref<!tpu.dma_semaphore, #tpu.memory_space<semaphore_mem>>
      %dma_start3A_149 = tpu.memref_slice %arg3[%add3A_7] : memref<320000xi32, #tpu.memory_space<hbm>> -> memref<96xi32, #tpu.memory_space<hbm>>
      %dma_start3A_150 = tpu.memref_slice %arg3[%add3A_7] : memref<320000xi32, #tpu.memory_space<hbm>> -> memref<96xi32, #tpu.memory_space<hbm>>
      tpu.enqueue_dma source(%dma_start3A_150 : memref<96xi32, #tpu.memory_space<hbm>>) target(%arg5 : memref<96xi32, #tpu.memory_space<vmem>>) target_semaphore(%run_scoped3A : memref<!tpu.dma_semaphore, #tpu.memory_space<semaphore_mem>>)
      %dma_wait3A_151 = tpu.memref_slice %arg3[%add3A_7] : memref<320000xi32, #tpu.memory_space<hbm>> -> memref<96xi32, #tpu.memory_space<hbm>>
      %dma_wait3A_152 = tpu.memref_slice %arg3[%add3A_7] : memref<320000xi32, #tpu.memory_space<hbm>> -> memref<96xi32, #tpu.memory_space<hbm>>
      tpu.wait_dma2 semaphore(%run_scoped3A : memref<!tpu.dma_semaphore, #tpu.memory_space<semaphore_mem>>) src(%dma_wait3A_152 : memref<96xi32, #tpu.memory_space<hbm>>) dst(%arg5 : memref<96xi32, #tpu.memory_space<vmem>>)
      tpu.yield
    }) : () -> ()
    %add3A_8 = arith.constant 160000 : i32
    %add3A_9 = arith.addi %add3A_8, %add3A_7 : i32
    "tpu.region"() ({
      %run_scoped3A = tpu.sem_alloc : memref<!tpu.dma_semaphore, #tpu.memory_space<semaphore_mem>>
      %dma_start3A_149 = tpu.memref_slice %arg3[%add3A_9] : memref<320000xi32, #tpu.memory_space<hbm>> -> memref<96xi32, #tpu.memory_space<hbm>>
      %dma_start3A_150 = tpu.memref_slice %arg3[%add3A_9] : memref<320000xi32, #tpu.memory_space<hbm>> -> memref<96xi32, #tpu.memory_space<hbm>>
      tpu.enqueue_dma source(%dma_start3A_150 : memref<96xi32, #tpu.memory_space<hbm>>) target(%arg6 : memref<96xi32, #tpu.memory_space<vmem>>) target_semaphore(%run_scoped3A : memref<!tpu.dma_semaphore, #tpu.memory_space<semaphore_mem>>)
      %dma_wait3A_151 = tpu.memref_slice %arg3[%add3A_9] : memref<320000xi32, #tpu.memory_space<hbm>> -> memref<96xi32, #tpu.memory_space<hbm>>
      %dma_wait3A_152 = tpu.memref_slice %arg3[%add3A_9] : memref<320000xi32, #tpu.memory_space<hbm>> -> memref<96xi32, #tpu.memory_space<hbm>>
      tpu.wait_dma2 semaphore(%run_scoped3A : memref<!tpu.dma_semaphore, #tpu.memory_space<semaphore_mem>>) src(%dma_wait3A_152 : memref<96xi32, #tpu.memory_space<hbm>>) dst(%arg6 : memref<96xi32, #tpu.memory_space<vmem>>)
      tpu.yield
    }) : () -> ()
    %dma_start3A = arith.constant 0 : i32
    %dma_start3A_10 = arith.constant 0 : i32
    %dma_start3A_11 = tpu.memref_slice %arg2[%dma_start3A, %dma_start3A_10] : memref<10000x256xf32, #tpu.memory_space<hbm>> -> memref<10000x256xf32, #tpu.memory_space<hbm>>
    tpu.enqueue_indirect_dma source(%dma_start3A_11 : memref<10000x256xf32, #tpu.memory_space<hbm>>) target(%arg9 : memref<96x256xf32, #tpu.memory_space<vmem>>) offsets(%arg5 : memref<96xi32, #tpu.memory_space<vmem>>) semaphore(%arg20 : memref<!tpu.dma_semaphore, #tpu.memory_space<semaphore_mem>>)
    %dma_start3A_12 = arith.constant 0 : i32
    %dma_start3A_13 = arith.constant 0 : i32
    %dma_start3A_14 = tpu.memref_slice %arg2[%dma_start3A_12, %dma_start3A_13] : memref<10000x256xf32, #tpu.memory_space<hbm>> -> memref<10000x256xf32, #tpu.memory_space<hbm>>
    tpu.enqueue_indirect_dma source(%dma_start3A_14 : memref<10000x256xf32, #tpu.memory_space<hbm>>) target(%arg10 : memref<96x256xf32, #tpu.memory_space<vmem>>) offsets(%arg6 : memref<96xi32, #tpu.memory_space<vmem>>) semaphore(%arg21 : memref<!tpu.dma_semaphore, #tpu.memory_space<semaphore_mem>>)
    %min3A_15 = arith.constant 1 : i32
    %min3A_16 = arith.constant 51 : i32
    %min3A_17 = arith.minsi %min3A_15, %min3A_16 : i32
    %mul3A_18 = arith.constant 96 : i32
    %mul3A_19 = arith.muli %min3A_17, %mul3A_18 : i32
    %add3A_20 = arith.addi %mul3A_2, %mul3A_19 : i32
    %dma_start3A_21 = tpu.memref_slice %arg3[%add3A_20] : memref<320000xi32, #tpu.memory_space<hbm>> -> memref<96xi32, #tpu.memory_space<hbm>>
    %dma_start3A_22 = tpu.memref_slice %arg3[%add3A_20] : memref<320000xi32, #tpu.memory_space<hbm>> -> memref<96xi32, #tpu.memory_space<hbm>>
    tpu.enqueue_dma source(%dma_start3A_22 : memref<96xi32, #tpu.memory_space<hbm>>) target(%arg7 : memref<96xi32, #tpu.memory_space<vmem>>) target_semaphore(%arg26 : memref<!tpu.dma_semaphore, #tpu.memory_space<semaphore_mem>>)
    %add3A_23 = arith.constant 160000 : i32
    %add3A_24 = arith.addi %add3A_23, %add3A_20 : i32
    %dma_start3A_25 = tpu.memref_slice %arg3[%add3A_24] : memref<320000xi32, #tpu.memory_space<hbm>> -> memref<96xi32, #tpu.memory_space<hbm>>
    %dma_start3A_26 = tpu.memref_slice %arg3[%add3A_24] : memref<320000xi32, #tpu.memory_space<hbm>> -> memref<96xi32, #tpu.memory_space<hbm>>
    tpu.enqueue_dma source(%dma_start3A_26 : memref<96xi32, #tpu.memory_space<hbm>>) target(%arg8 : memref<96xi32, #tpu.memory_space<vmem>>) target_semaphore(%arg27 : memref<!tpu.dma_semaphore, #tpu.memory_space<semaphore_mem>>)
    %scan3A = arith.constant 0 : i32
    %scan3A_27 = arith.constant 26 : i32
    %scan3A_28 = arith.addi %scan3A, %scan3A_27 : i32
    %scan3A_29 = arith.constant 1 : i32
    scf.for %scan3A_149 = %scan3A to %scan3A_28 step %scan3A_29  : i32 {
      %mul3A_150 = arith.constant 2 : i32
      %mul3A_151 = arith.muli %mul3A_150, %scan3A_149 : i32
      %dma_wait3A_152 = arith.constant 0 : i32
      %dma_wait3A_153 = tpu.memref_slice %arg3[%dma_wait3A_152] : memref<320000xi32, #tpu.memory_space<hbm>> -> memref<96xi32, #tpu.memory_space<hbm>>
      %dma_wait3A_154 = arith.constant 0 : i32
      %dma_wait3A_155 = tpu.memref_slice %arg3[%dma_wait3A_154] : memref<320000xi32, #tpu.memory_space<hbm>> -> memref<96xi32, #tpu.memory_space<hbm>>
      tpu.wait_dma2 semaphore(%arg26 : memref<!tpu.dma_semaphore, #tpu.memory_space<semaphore_mem>>) src(%dma_wait3A_155 : memref<96xi32, #tpu.memory_space<hbm>>) dst(%arg7 : memref<96xi32, #tpu.memory_space<vmem>>)
      %dma_wait3A_156 = arith.constant 0 : i32
      %dma_wait3A_157 = tpu.memref_slice %arg3[%dma_wait3A_156] : memref<320000xi32, #tpu.memory_space<hbm>> -> memref<96xi32, #tpu.memory_space<hbm>>
      %dma_wait3A_158 = arith.constant 0 : i32
      %dma_wait3A_159 = tpu.memref_slice %arg3[%dma_wait3A_158] : memref<320000xi32, #tpu.memory_space<hbm>> -> memref<96xi32, #tpu.memory_space<hbm>>
      tpu.wait_dma2 semaphore(%arg27 : memref<!tpu.dma_semaphore, #tpu.memory_space<semaphore_mem>>) src(%dma_wait3A_159 : memref<96xi32, #tpu.memory_space<hbm>>) dst(%arg8 : memref<96xi32, #tpu.memory_space<vmem>>)
      %dma_start3A_160 = arith.constant 0 : i32
      %dma_start3A_161 = arith.constant 0 : i32
      %dma_start3A_162 = tpu.memref_slice %arg2[%dma_start3A_160, %dma_start3A_161] : memref<10000x256xf32, #tpu.memory_space<hbm>> -> memref<10000x256xf32, #tpu.memory_space<hbm>>
      tpu.enqueue_indirect_dma source(%dma_start3A_162 : memref<10000x256xf32, #tpu.memory_space<hbm>>) target(%arg11 : memref<96x256xf32, #tpu.memory_space<vmem>>) offsets(%arg7 : memref<96xi32, #tpu.memory_space<vmem>>) semaphore(%arg22 : memref<!tpu.dma_semaphore, #tpu.memory_space<semaphore_mem>>)
      %dma_start3A_163 = arith.constant 0 : i32
      %dma_start3A_164 = arith.constant 0 : i32
      %dma_start3A_165 = tpu.memref_slice %arg2[%dma_start3A_163, %dma_start3A_164] : memref<10000x256xf32, #tpu.memory_space<hbm>> -> memref<10000x256xf32, #tpu.memory_space<hbm>>
      tpu.enqueue_indirect_dma source(%dma_start3A_165 : memref<10000x256xf32, #tpu.memory_space<hbm>>) target(%arg12 : memref<96x256xf32, #tpu.memory_space<vmem>>) offsets(%arg8 : memref<96xi32, #tpu.memory_space<vmem>>) semaphore(%arg23 : memref<!tpu.dma_semaphore, #tpu.memory_space<semaphore_mem>>)
      %add3A_166 = arith.constant 2 : i32
      %add3A_167 = arith.addi %mul3A_151, %add3A_166 : i32
      %min3A_168 = arith.constant 51 : i32
      %min3A_169 = arith.minsi %add3A_167, %min3A_168 : i32
      %mul3A_170 = arith.constant 96 : i32
      %mul3A_171 = arith.muli %min3A_169, %mul3A_170 : i32
      %add3A_172 = arith.addi %mul3A_2, %mul3A_171 : i32
      %dma_start3A_173 = tpu.memref_slice %arg3[%add3A_172] : memref<320000xi32, #tpu.memory_space<hbm>> -> memref<96xi32, #tpu.memory_space<hbm>>
      %dma_start3A_174 = tpu.memref_slice %arg3[%add3A_172] : memref<320000xi32, #tpu.memory_space<hbm>> -> memref<96xi32, #tpu.memory_space<hbm>>
      tpu.enqueue_dma source(%dma_start3A_174 : memref<96xi32, #tpu.memory_space<hbm>>) target(%arg5 : memref<96xi32, #tpu.memory_space<vmem>>) target_semaphore(%arg24 : memref<!tpu.dma_semaphore, #tpu.memory_space<semaphore_mem>>)
      %add3A_175 = arith.constant 160000 : i32
      %add3A_176 = arith.addi %add3A_175, %add3A_172 : i32
      %dma_start3A_177 = tpu.memref_slice %arg3[%add3A_176] : memref<320000xi32, #tpu.memory_space<hbm>> -> memref<96xi32, #tpu.memory_space<hbm>>
      %dma_start3A_178 = tpu.memref_slice %arg3[%add3A_176] : memref<320000xi32, #tpu.memory_space<hbm>> -> memref<96xi32, #tpu.memory_space<hbm>>
      tpu.enqueue_dma source(%dma_start3A_178 : memref<96xi32, #tpu.memory_space<hbm>>) target(%arg6 : memref<96xi32, #tpu.memory_space<vmem>>) target_semaphore(%arg25 : memref<!tpu.dma_semaphore, #tpu.memory_space<semaphore_mem>>)
      %gt3A = arith.constant 0 : i32
      %gt3A_179 = arith.cmpi sgt, %mul3A_151, %gt3A : i32
      %convert_element_type3A = arith.extui %gt3A_179 : i1 to i32
      %cond3A = arith.constant 0 : i32
      %cond3A_180 = arith.cmpi ne, %convert_element_type3A, %cond3A : i32
      scf.if %cond3A_180 {
        %sub3A = arith.constant 1 : i32
        %sub3A_273 = arith.subi %mul3A_151, %sub3A : i32
        %mul3A_274 = arith.constant 96 : i32
        %mul3A_275 = arith.muli %sub3A_273, %mul3A_274 : i32
        %iota3A_276 = tpu.iota {dimensions = array<i32: 0>} : vector<16xi32>
        %shift_right_arithmetic3A_277 = arith.constant 1 : i32
        %shift_right_arithmetic3A_278 = vector.broadcast %shift_right_arithmetic3A_277 : i32 to vector<16xi32>
        %shift_right_arithmetic3A_279 = arith.shrsi %iota3A_276, %shift_right_arithmetic3A_278 : vector<16xi32>
        %scan3A_280 = arith.constant 0 : i32
        %scan3A_281 = arith.constant 6 : i32
        %scan3A_282 = arith.addi %scan3A_280, %scan3A_281 : i32
        %scan3A_283 = arith.constant 1 : i32
        scf.for %scan3A_285 = %scan3A_280 to %scan3A_282 step %scan3A_283  : i32 {
          %mul3A_286 = arith.constant 128 : i32
          %mul3A_287 = arith.muli %scan3A_285, %mul3A_286 : i32
          %get3A_288 = arith.index_cast %mul3A_287 : i32 to index
          %get3A_289 = tpu.vector_load %arg19[%get3A_288] {strides = array<i32>} : memref<768xf32, #tpu.memory_space<vmem>>, vector<16xf32>,
          %get3A_290 = vector.shape_cast %get3A_289 : vector<16xf32> to vector<16xf32>
          %mul3A_291 = arith.constant 128 : i32
          %mul3A_292 = arith.muli %scan3A_285, %mul3A_291 : i32
          %add3A_293 = arith.constant 16 : i32
          %add3A_294 = arith.addi %mul3A_292, %add3A_293 : i32
          %get3A_295 = arith.index_cast %add3A_294 : i32 to index
          %get3A_296 = tpu.vector_load %arg19[%get3A_295] {strides = array<i32>} : memref<768xf32, #tpu.memory_space<vmem>>, vector<16xf32>,
          %get3A_297 = vector.shape_cast %get3A_296 : vector<16xf32> to vector<16xf32>
          %eq3A_298 = arith.constant 1 : i32
          %eq3A_299 = vector.broadcast %eq3A_298 : i32 to vector<16xi32>
          %eq3A_300 = arith.cmpi eq, %shift_right_arithmetic3A_279, %eq3A_299 : vector<16xi32>
          %select_n3A_301 = arith.select %eq3A_300, %get3A_297, %get3A_290 : vector<16xi1>, vector<16xf32>
          %mul3A_302 = arith.constant 128 : i32
          %mul3A_303 = arith.muli %scan3A_285, %mul3A_302 : i32
          %add3A_304 = arith.constant 32 : i32
          %add3A_305 = arith.addi %mul3A_303, %add3A_304 : i32
          %get3A_306 = arith.index_cast %add3A_305 : i32 to index
          %get3A_307 = tpu.vector_load %arg19[%get3A_306] {strides = array<i32>} : memref<768xf32, #tpu.memory_space<vmem>>, vector<16xf32>,
          %get3A_308 = vector.shape_cast %get3A_307 : vector<16xf32> to vector<16xf32>
          %eq3A_309 = arith.constant 2 : i32
          %eq3A_310 = vector.broadcast %eq3A_309 : i32 to vector<16xi32>
          %eq3A_311 = arith.cmpi eq, %shift_right_arithmetic3A_279, %eq3A_310 : vector<16xi32>
          %select_n3A_312 = arith.select %eq3A_311, %get3A_308, %select_n3A_301 : vector<16xi1>, vector<16xf32>
          %mul3A_313 = arith.constant 128 : i32
          %mul3A_314 = arith.muli %scan3A_285, %mul3A_313 : i32
          %add3A_315 = arith.constant 48 : i32
          %add3A_316 = arith.addi %mul3A_314, %add3A_315 : i32
          %get3A_317 = arith.index_cast %add3A_316 : i32 to index
          %get3A_318 = tpu.vector_load %arg19[%get3A_317] {strides = array<i32>} : memref<768xf32, #tpu.memory_space<vmem>>, vector<16xf32>,
          %get3A_319 = vector.shape_cast %get3A_318 : vector<16xf32> to vector<16xf32>
          %eq3A_320 = arith.constant 3 : i32
          %eq3A_321 = vector.broadcast %eq3A_320 : i32 to vector<16xi32>
          %eq3A_322 = arith.cmpi eq, %shift_right_arithmetic3A_279, %eq3A_321 : vector<16xi32>
          %select_n3A_323 = arith.select %eq3A_322, %get3A_319, %select_n3A_312 : vector<16xi1>, vector<16xf32>
          %mul3A_324 = arith.constant 128 : i32
          %mul3A_325 = arith.muli %scan3A_285, %mul3A_324 : i32
          %add3A_326 = arith.constant 64 : i32
          %add3A_327 = arith.addi %mul3A_325, %add3A_326 : i32
          %get3A_328 = arith.index_cast %add3A_327 : i32 to index
          %get3A_329 = tpu.vector_load %arg19[%get3A_328] {strides = array<i32>} : memref<768xf32, #tpu.memory_space<vmem>>, vector<16xf32>,
          %get3A_330 = vector.shape_cast %get3A_329 : vector<16xf32> to vector<16xf32>
          %eq3A_331 = arith.constant 4 : i32
          %eq3A_332 = vector.broadcast %eq3A_331 : i32 to vector<16xi32>
          %eq3A_333 = arith.cmpi eq, %shift_right_arithmetic3A_279, %eq3A_332 : vector<16xi32>
          %select_n3A_334 = arith.select %eq3A_333, %get3A_330, %select_n3A_323 : vector<16xi1>, vector<16xf32>
          %mul3A_335 = arith.constant 128 : i32
          %mul3A_336 = arith.muli %scan3A_285, %mul3A_335 : i32
          %add3A_337 = arith.constant 80 : i32
          %add3A_338 = arith.addi %mul3A_336, %add3A_337 : i32
          %get3A_339 = arith.index_cast %add3A_338 : i32 to index
          %get3A_340 = tpu.vector_load %arg19[%get3A_339] {strides = array<i32>} : memref<768xf32, #tpu.memory_space<vmem>>, vector<16xf32>,
          %get3A_341 = vector.shape_cast %get3A_340 : vector<16xf32> to vector<16xf32>
          %eq3A_342 = arith.constant 5 : i32
          %eq3A_343 = vector.broadcast %eq3A_342 : i32 to vector<16xi32>
          %eq3A_344 = arith.cmpi eq, %shift_right_arithmetic3A_279, %eq3A_343 : vector<16xi32>
          %select_n3A_345 = arith.select %eq3A_344, %get3A_341, %select_n3A_334 : vector<16xi1>, vector<16xf32>
          %mul3A_346 = arith.constant 128 : i32
          %mul3A_347 = arith.muli %scan3A_285, %mul3A_346 : i32
          %add3A_348 = arith.constant 96 : i32
          %add3A_349 = arith.addi %mul3A_347, %add3A_348 : i32
          %get3A_350 = arith.index_cast %add3A_349 : i32 to index
          %get3A_351 = tpu.vector_load %arg19[%get3A_350] {strides = array<i32>} : memref<768xf32, #tpu.memory_space<vmem>>, vector<16xf32>,
          %get3A_352 = vector.shape_cast %get3A_351 : vector<16xf32> to vector<16xf32>
          %eq3A_353 = arith.constant 6 : i32
          %eq3A_354 = vector.broadcast %eq3A_353 : i32 to vector<16xi32>
          %eq3A_355 = arith.cmpi eq, %shift_right_arithmetic3A_279, %eq3A_354 : vector<16xi32>
          %select_n3A_356 = arith.select %eq3A_355, %get3A_352, %select_n3A_345 : vector<16xi1>, vector<16xf32>
          %mul3A_357 = arith.constant 128 : i32
          %mul3A_358 = arith.muli %scan3A_285, %mul3A_357 : i32
          %add3A_359 = arith.constant 112 : i32
          %add3A_360 = arith.addi %mul3A_358, %add3A_359 : i32
          %get3A_361 = arith.index_cast %add3A_360 : i32 to index
          %get3A_362 = tpu.vector_load %arg19[%get3A_361] {strides = array<i32>} : memref<768xf32, #tpu.memory_space<vmem>>, vector<16xf32>,
          %get3A_363 = vector.shape_cast %get3A_362 : vector<16xf32> to vector<16xf32>
          %eq3A_364 = arith.constant 7 : i32
          %eq3A_365 = vector.broadcast %eq3A_364 : i32 to vector<16xi32>
          %eq3A_366 = arith.cmpi eq, %shift_right_arithmetic3A_279, %eq3A_365 : vector<16xi32>
          %select_n3A_367 = arith.select %eq3A_366, %get3A_363, %select_n3A_356 : vector<16xi1>, vector<16xf32>
          %neg3A_368 = arith.constant 0.000000e+00 : f32
          %neg3A_369 = vector.broadcast %neg3A_368 : f32 to vector<16xf32>
          %neg3A_370 = arith.subf %neg3A_369, %select_n3A_367 : vector<16xf32>
          %exp3A_371 = math.exp %neg3A_370 : vector<16xf32>
          %add3A_372 = arith.constant 1.000000e+00 : f32
          %add3A_373 = vector.broadcast %add3A_372 : f32 to vector<16xf32>
          %add3A_374 = arith.addf %add3A_373, %exp3A_371 : vector<16xf32>
          %div3A_375 = arith.constant 1.000000e+00 : f32
          %div3A_376 = vector.broadcast %div3A_375 : f32 to vector<16xf32>
          %div3A_377 = arith.divf %div3A_376, %add3A_374 : vector<16xf32>
          %mul3A_378 = arith.constant 16 : i32
          %mul3A_379 = arith.muli %scan3A_285, %mul3A_378 : i32
          %add3A_380 = arith.addi %mul3A_275, %mul3A_379 : i32
          %swap3A_381 = arith.index_cast %add3A_380 : i32 to index
          %swap3A_382 = tpu.vector_load %arg17[%swap3A_381] {strides = array<i32>} : memref<5008xf32, #tpu.memory_space<vmem>>, vector<16xf32>,
          %swap3A_383 = vector.shape_cast %swap3A_382 : vector<16xf32> to vector<16xf32>
          %swap3A_384 = vector.shape_cast %div3A_377 : vector<16xf32> to vector<16xf32>
          tpu.vector_store %arg17[%swap3A_381], %swap3A_384 {strides = array<i32>} : memref<5008xf32, #tpu.memory_space<vmem>>, vector<16xf32>,
        }
        %scan3A_284 = arith.constant 6 : i32
      } else {
      }
      %dma_wait3A_181 = arith.constant 0 : i32
      %dma_wait3A_182 = arith.constant 0 : i32
      %dma_wait3A_183 = tpu.memref_slice %arg2[%dma_wait3A_181, %dma_wait3A_182] : memref<10000x256xf32, #tpu.memory_space<hbm>> -> memref<10000x256xf32, #tpu.memory_space<hbm>>
      tpu.wait_indirect_dma semaphore(%arg20 : memref<!tpu.dma_semaphore, #tpu.memory_space<semaphore_mem>>) src(%dma_wait3A_183 : memref<10000x256xf32, #tpu.memory_space<hbm>>) dst(%arg9 : memref<96x256xf32, #tpu.memory_space<vmem>>)
      %dma_wait3A_184 = arith.constant 0 : i32
      %dma_wait3A_185 = arith.constant 0 : i32
      %dma_wait3A_186 = tpu.memref_slice %arg2[%dma_wait3A_184, %dma_wait3A_185] : memref<10000x256xf32, #tpu.memory_space<hbm>> -> memref<10000x256xf32, #tpu.memory_space<hbm>>
      tpu.wait_indirect_dma semaphore(%arg21 : memref<!tpu.dma_semaphore, #tpu.memory_space<semaphore_mem>>) src(%dma_wait3A_186 : memref<10000x256xf32, #tpu.memory_space<hbm>>) dst(%arg10 : memref<96x256xf32, #tpu.memory_space<vmem>>)
      %iota3A_187 = tpu.iota {dimensions = array<i32: 0>} : vector<16xi32>
      %xor3A_188 = arith.constant 1 : i32
      %xor3A_189 = vector.broadcast %xor3A_188 : i32 to vector<16xi32>
      %xor3A_190 = arith.xori %iota3A_187, %xor3A_189 : vector<16xi32>
      %xor3A_191 = arith.constant 2 : i32
      %xor3A_192 = vector.broadcast %xor3A_191 : i32 to vector<16xi32>
      %xor3A_193 = arith.xori %iota3A_187, %xor3A_192 : vector<16xi32>
      %xor3A_194 = arith.constant 4 : i32
      %xor3A_195 = vector.broadcast %xor3A_194 : i32 to vector<16xi32>
      %xor3A_196 = arith.xori %iota3A_187, %xor3A_195 : vector<16xi32>
      %xor3A_197 = arith.constant 8 : i32
      %xor3A_198 = vector.broadcast %xor3A_197 : i32 to vector<16xi32>
      %xor3A_199 = arith.xori %iota3A_187, %xor3A_198 : vector<16xi32>
      %and3A_200 = arith.constant 1 : i32
      %and3A_201 = vector.broadcast %and3A_200 : i32 to vector<16xi32>
      %and3A_202 = arith.andi %iota3A_187, %and3A_201 : vector<16xi32>
      %eq3A_203 = arith.constant 0 : i32
      %eq3A_204 = vector.broadcast %eq3A_203 : i32 to vector<16xi32>
      %eq3A_205 = arith.cmpi eq, %and3A_202, %eq3A_204 : vector<16xi32>
      %parallel_loop3A_206 = arith.constant 0 : i32
      %parallel_loop3A_207 = arith.constant 48 : i32
      %parallel_loop3A_208 = arith.constant 1 : i32
      scf.for %parallel_loop3A_273 = %parallel_loop3A_206 to %parallel_loop3A_207 step %parallel_loop3A_208  : i32 {
        %parallel_loop3A_274 = arith.constant 2 : i32
        %parallel_loop3A_275 = arith.muli %parallel_loop3A_273, %parallel_loop3A_274 : i32
        %parallel_loop3A_276 = arith.constant 0 : i32
        %parallel_loop3A_277 = arith.addi %parallel_loop3A_275, %parallel_loop3A_276 : i32
        %parallel_loop3A_278 = arith.index_cast %parallel_loop3A_277 : i32 to index
        %parallel_loop3A_279 = arith.constant 0 : index
        %parallel_loop3A_280 = tpu.vector_load %arg9[%parallel_loop3A_278, %parallel_loop3A_279] {strides = array<i32>} : memref<96x256xf32, #tpu.memory_space<vmem>>, vector<1x16xf32>,
        %parallel_loop3A_281 = vector.shape_cast %parallel_loop3A_280 : vector<1x16xf32> to vector<16xf32>
        %parallel_loop3A_282 = arith.index_cast %parallel_loop3A_277 : i32 to index
        %parallel_loop3A_283 = arith.constant 0 : index
        %parallel_loop3A_284 = tpu.vector_load %arg10[%parallel_loop3A_282, %parallel_loop3A_283] {strides = array<i32>} : memref<96x256xf32, #tpu.memory_space<vmem>>, vector<1x16xf32>,
        %parallel_loop3A_285 = vector.shape_cast %parallel_loop3A_284 : vector<1x16xf32> to vector<16xf32>
        %parallel_loop3A_286 = arith.mulf %parallel_loop3A_281, %parallel_loop3A_285 : vector<16xf32>
        %parallel_loop3A_287 = arith.index_cast %parallel_loop3A_277 : i32 to index
        %parallel_loop3A_288 = arith.constant 16 : index
        %parallel_loop3A_289 = tpu.vector_load %arg9[%parallel_loop3A_287, %parallel_loop3A_288] {strides = array<i32>} : memref<96x256xf32, #tpu.memory_space<vmem>>, vector<1x16xf32>,
        %parallel_loop3A_290 = vector.shape_cast %parallel_loop3A_289 : vector<1x16xf32> to vector<16xf32>
        %parallel_loop3A_291 = arith.index_cast %parallel_loop3A_277 : i32 to index
        %parallel_loop3A_292 = arith.constant 16 : index
        %parallel_loop3A_293 = tpu.vector_load %arg10[%parallel_loop3A_291, %parallel_loop3A_292] {strides = array<i32>} : memref<96x256xf32, #tpu.memory_space<vmem>>, vector<1x16xf32>,
        %parallel_loop3A_294 = vector.shape_cast %parallel_loop3A_293 : vector<1x16xf32> to vector<16xf32>
        %parallel_loop3A_295 = arith.mulf %parallel_loop3A_290, %parallel_loop3A_294 : vector<16xf32>
        %parallel_loop3A_296 = arith.addf %parallel_loop3A_286, %parallel_loop3A_295 : vector<16xf32>
        %parallel_loop3A_297 = arith.index_cast %parallel_loop3A_277 : i32 to index
        %parallel_loop3A_298 = arith.constant 32 : index
        %parallel_loop3A_299 = tpu.vector_load %arg9[%parallel_loop3A_297, %parallel_loop3A_298] {strides = array<i32>} : memref<96x256xf32, #tpu.memory_space<vmem>>, vector<1x16xf32>,
        %parallel_loop3A_300 = vector.shape_cast %parallel_loop3A_299 : vector<1x16xf32> to vector<16xf32>
        %parallel_loop3A_301 = arith.index_cast %parallel_loop3A_277 : i32 to index
        %parallel_loop3A_302 = arith.constant 32 : index
        %parallel_loop3A_303 = tpu.vector_load %arg10[%parallel_loop3A_301, %parallel_loop3A_302] {strides = array<i32>} : memref<96x256xf32, #tpu.memory_space<vmem>>, vector<1x16xf32>,
        %parallel_loop3A_304 = vector.shape_cast %parallel_loop3A_303 : vector<1x16xf32> to vector<16xf32>
        %parallel_loop3A_305 = arith.mulf %parallel_loop3A_300, %parallel_loop3A_304 : vector<16xf32>
        %parallel_loop3A_306 = arith.addf %parallel_loop3A_296, %parallel_loop3A_305 : vector<16xf32>
        %parallel_loop3A_307 = arith.index_cast %parallel_loop3A_277 : i32 to index
        %parallel_loop3A_308 = arith.constant 48 : index
        %parallel_loop3A_309 = tpu.vector_load %arg9[%parallel_loop3A_307, %parallel_loop3A_308] {strides = array<i32>} : memref<96x256xf32, #tpu.memory_space<vmem>>, vector<1x16xf32>,
        %parallel_loop3A_310 = vector.shape_cast %parallel_loop3A_309 : vector<1x16xf32> to vector<16xf32>
        %parallel_loop3A_311 = arith.index_cast %parallel_loop3A_277 : i32 to index
        %parallel_loop3A_312 = arith.constant 48 : index
        %parallel_loop3A_313 = tpu.vector_load %arg10[%parallel_loop3A_311, %parallel_loop3A_312] {strides = array<i32>} : memref<96x256xf32, #tpu.memory_space<vmem>>, vector<1x16xf32>,
        %parallel_loop3A_314 = vector.shape_cast %parallel_loop3A_313 : vector<1x16xf32> to vector<16xf32>
        %parallel_loop3A_315 = arith.mulf %parallel_loop3A_310, %parallel_loop3A_314 : vector<16xf32>
        %parallel_loop3A_316 = arith.addf %parallel_loop3A_306, %parallel_loop3A_315 : vector<16xf32>
        %parallel_loop3A_317 = arith.index_cast %parallel_loop3A_277 : i32 to index
        %parallel_loop3A_318 = arith.constant 64 : index
        %parallel_loop3A_319 = tpu.vector_load %arg9[%parallel_loop3A_317, %parallel_loop3A_318] {strides = array<i32>} : memref<96x256xf32, #tpu.memory_space<vmem>>, vector<1x16xf32>,
        %parallel_loop3A_320 = vector.shape_cast %parallel_loop3A_319 : vector<1x16xf32> to vector<16xf32>
        %parallel_loop3A_321 = arith.index_cast %parallel_loop3A_277 : i32 to index
        %parallel_loop3A_322 = arith.constant 64 : index
        %parallel_loop3A_323 = tpu.vector_load %arg10[%parallel_loop3A_321, %parallel_loop3A_322] {strides = array<i32>} : memref<96x256xf32, #tpu.memory_space<vmem>>, vector<1x16xf32>,
        %parallel_loop3A_324 = vector.shape_cast %parallel_loop3A_323 : vector<1x16xf32> to vector<16xf32>
        %parallel_loop3A_325 = arith.mulf %parallel_loop3A_320, %parallel_loop3A_324 : vector<16xf32>
        %parallel_loop3A_326 = arith.addf %parallel_loop3A_316, %parallel_loop3A_325 : vector<16xf32>
        %parallel_loop3A_327 = arith.index_cast %parallel_loop3A_277 : i32 to index
        %parallel_loop3A_328 = arith.constant 80 : index
        %parallel_loop3A_329 = tpu.vector_load %arg9[%parallel_loop3A_327, %parallel_loop3A_328] {strides = array<i32>} : memref<96x256xf32, #tpu.memory_space<vmem>>, vector<1x16xf32>,
        %parallel_loop3A_330 = vector.shape_cast %parallel_loop3A_329 : vector<1x16xf32> to vector<16xf32>
        %parallel_loop3A_331 = arith.index_cast %parallel_loop3A_277 : i32 to index
        %parallel_loop3A_332 = arith.constant 80 : index
        %parallel_loop3A_333 = tpu.vector_load %arg10[%parallel_loop3A_331, %parallel_loop3A_332] {strides = array<i32>} : memref<96x256xf32, #tpu.memory_space<vmem>>, vector<1x16xf32>,
        %parallel_loop3A_334 = vector.shape_cast %parallel_loop3A_333 : vector<1x16xf32> to vector<16xf32>
        %parallel_loop3A_335 = arith.mulf %parallel_loop3A_330, %parallel_loop3A_334 : vector<16xf32>
        %parallel_loop3A_336 = arith.addf %parallel_loop3A_326, %parallel_loop3A_335 : vector<16xf32>
        %parallel_loop3A_337 = arith.index_cast %parallel_loop3A_277 : i32 to index
        %parallel_loop3A_338 = arith.constant 96 : index
        %parallel_loop3A_339 = tpu.vector_load %arg9[%parallel_loop3A_337, %parallel_loop3A_338] {strides = array<i32>} : memref<96x256xf32, #tpu.memory_space<vmem>>, vector<1x16xf32>,
        %parallel_loop3A_340 = vector.shape_cast %parallel_loop3A_339 : vector<1x16xf32> to vector<16xf32>
        %parallel_loop3A_341 = arith.index_cast %parallel_loop3A_277 : i32 to index
        %parallel_loop3A_342 = arith.constant 96 : index
        %parallel_loop3A_343 = tpu.vector_load %arg10[%parallel_loop3A_341, %parallel_loop3A_342] {strides = array<i32>} : memref<96x256xf32, #tpu.memory_space<vmem>>, vector<1x16xf32>,
        %parallel_loop3A_344 = vector.shape_cast %parallel_loop3A_343 : vector<1x16xf32> to vector<16xf32>
        %parallel_loop3A_345 = arith.mulf %parallel_loop3A_340, %parallel_loop3A_344 : vector<16xf32>
        %parallel_loop3A_346 = arith.addf %parallel_loop3A_336, %parallel_loop3A_345 : vector<16xf32>
        %parallel_loop3A_347 = arith.index_cast %parallel_loop3A_277 : i32 to index
        %parallel_loop3A_348 = arith.constant 112 : index
        %parallel_loop3A_349 = tpu.vector_load %arg9[%parallel_loop3A_347, %parallel_loop3A_348] {strides = array<i32>} : memref<96x256xf32, #tpu.memory_space<vmem>>, vector<1x16xf32>,
        %parallel_loop3A_350 = vector.shape_cast %parallel_loop3A_349 : vector<1x16xf32> to vector<16xf32>
        %parallel_loop3A_351 = arith.index_cast %parallel_loop3A_277 : i32 to index
        %parallel_loop3A_352 = arith.constant 112 : index
        %parallel_loop3A_353 = tpu.vector_load %arg10[%parallel_loop3A_351, %parallel_loop3A_352] {strides = array<i32>} : memref<96x256xf32, #tpu.memory_space<vmem>>, vector<1x16xf32>,
        %parallel_loop3A_354 = vector.shape_cast %parallel_loop3A_353 : vector<1x16xf32> to vector<16xf32>
        %parallel_loop3A_355 = arith.mulf %parallel_loop3A_350, %parallel_loop3A_354 : vector<16xf32>
        %parallel_loop3A_356 = arith.addf %parallel_loop3A_346, %parallel_loop3A_355 : vector<16xf32>
        %parallel_loop3A_357 = arith.index_cast %parallel_loop3A_277 : i32 to index
        %parallel_loop3A_358 = arith.constant 128 : index
        %parallel_loop3A_359 = tpu.vector_load %arg9[%parallel_loop3A_357, %parallel_loop3A_358] {strides = array<i32>} : memref<96x256xf32, #tpu.memory_space<vmem>>, vector<1x16xf32>,
        %parallel_loop3A_360 = vector.shape_cast %parallel_loop3A_359 : vector<1x16xf32> to vector<16xf32>
        %parallel_loop3A_361 = arith.index_cast %parallel_loop3A_277 : i32 to index
        %parallel_loop3A_362 = arith.constant 128 : index
        %parallel_loop3A_363 = tpu.vector_load %arg10[%parallel_loop3A_361, %parallel_loop3A_362] {strides = array<i32>} : memref<96x256xf32, #tpu.memory_space<vmem>>, vector<1x16xf32>,
        %parallel_loop3A_364 = vector.shape_cast %parallel_loop3A_363 : vector<1x16xf32> to vector<16xf32>
        %parallel_loop3A_365 = arith.mulf %parallel_loop3A_360, %parallel_loop3A_364 : vector<16xf32>
        %parallel_loop3A_366 = arith.addf %parallel_loop3A_356, %parallel_loop3A_365 : vector<16xf32>
        %parallel_loop3A_367 = arith.index_cast %parallel_loop3A_277 : i32 to index
        %parallel_loop3A_368 = arith.constant 144 : index
        %parallel_loop3A_369 = tpu.vector_load %arg9[%parallel_loop3A_367, %parallel_loop3A_368] {strides = array<i32>} : memref<96x256xf32, #tpu.memory_space<vmem>>, vector<1x16xf32>,
        %parallel_loop3A_370 = vector.shape_cast %parallel_loop3A_369 : vector<1x16xf32> to vector<16xf32>
        %parallel_loop3A_371 = arith.index_cast %parallel_loop3A_277 : i32 to index
        %parallel_loop3A_372 = arith.constant 144 : index
        %parallel_loop3A_373 = tpu.vector_load %arg10[%parallel_loop3A_371, %parallel_loop3A_372] {strides = array<i32>} : memref<96x256xf32, #tpu.memory_space<vmem>>, vector<1x16xf32>,
        %parallel_loop3A_374 = vector.shape_cast %parallel_loop3A_373 : vector<1x16xf32> to vector<16xf32>
        %parallel_loop3A_375 = arith.mulf %parallel_loop3A_370, %parallel_loop3A_374 : vector<16xf32>
        %parallel_loop3A_376 = arith.addf %parallel_loop3A_366, %parallel_loop3A_375 : vector<16xf32>
        %parallel_loop3A_377 = arith.index_cast %parallel_loop3A_277 : i32 to index
        %parallel_loop3A_378 = arith.constant 160 : index
        %parallel_loop3A_379 = tpu.vector_load %arg9[%parallel_loop3A_377, %parallel_loop3A_378] {strides = array<i32>} : memref<96x256xf32, #tpu.memory_space<vmem>>, vector<1x16xf32>,
        %parallel_loop3A_380 = vector.shape_cast %parallel_loop3A_379 : vector<1x16xf32> to vector<16xf32>
        %parallel_loop3A_381 = arith.index_cast %parallel_loop3A_277 : i32 to index
        %parallel_loop3A_382 = arith.constant 160 : index
        %parallel_loop3A_383 = tpu.vector_load %arg10[%parallel_loop3A_381, %parallel_loop3A_382] {strides = array<i32>} : memref<96x256xf32, #tpu.memory_space<vmem>>, vector<1x16xf32>,
        %parallel_loop3A_384 = vector.shape_cast %parallel_loop3A_383 : vector<1x16xf32> to vector<16xf32>
        %parallel_loop3A_385 = arith.mulf %parallel_loop3A_380, %parallel_loop3A_384 : vector<16xf32>
        %parallel_loop3A_386 = arith.addf %parallel_loop3A_376, %parallel_loop3A_385 : vector<16xf32>
        %parallel_loop3A_387 = arith.index_cast %parallel_loop3A_277 : i32 to index
        %parallel_loop3A_388 = arith.constant 176 : index
        %parallel_loop3A_389 = tpu.vector_load %arg9[%parallel_loop3A_387, %parallel_loop3A_388] {strides = array<i32>} : memref<96x256xf32, #tpu.memory_space<vmem>>, vector<1x16xf32>,
        %parallel_loop3A_390 = vector.shape_cast %parallel_loop3A_389 : vector<1x16xf32> to vector<16xf32>
        %parallel_loop3A_391 = arith.index_cast %parallel_loop3A_277 : i32 to index
        %parallel_loop3A_392 = arith.constant 176 : index
        %parallel_loop3A_393 = tpu.vector_load %arg10[%parallel_loop3A_391, %parallel_loop3A_392] {strides = array<i32>} : memref<96x256xf32, #tpu.memory_space<vmem>>, vector<1x16xf32>,
        %parallel_loop3A_394 = vector.shape_cast %parallel_loop3A_393 : vector<1x16xf32> to vector<16xf32>
        %parallel_loop3A_395 = arith.mulf %parallel_loop3A_390, %parallel_loop3A_394 : vector<16xf32>
        %parallel_loop3A_396 = arith.addf %parallel_loop3A_386, %parallel_loop3A_395 : vector<16xf32>
        %parallel_loop3A_397 = arith.index_cast %parallel_loop3A_277 : i32 to index
        %parallel_loop3A_398 = arith.constant 192 : index
        %parallel_loop3A_399 = tpu.vector_load %arg9[%parallel_loop3A_397, %parallel_loop3A_398] {strides = array<i32>} : memref<96x256xf32, #tpu.memory_space<vmem>>, vector<1x16xf32>,
        %parallel_loop3A_400 = vector.shape_cast %parallel_loop3A_399 : vector<1x16xf32> to vector<16xf32>
        %parallel_loop3A_401 = arith.index_cast %parallel_loop3A_277 : i32 to index
        %parallel_loop3A_402 = arith.constant 192 : index
        %parallel_loop3A_403 = tpu.vector_load %arg10[%parallel_loop3A_401, %parallel_loop3A_402] {strides = array<i32>} : memref<96x256xf32, #tpu.memory_space<vmem>>, vector<1x16xf32>,
        %parallel_loop3A_404 = vector.shape_cast %parallel_loop3A_403 : vector<1x16xf32> to vector<16xf32>
        %parallel_loop3A_405 = arith.mulf %parallel_loop3A_400, %parallel_loop3A_404 : vector<16xf32>
        %parallel_loop3A_406 = arith.addf %parallel_loop3A_396, %parallel_loop3A_405 : vector<16xf32>
        %parallel_loop3A_407 = arith.index_cast %parallel_loop3A_277 : i32 to index
        %parallel_loop3A_408 = arith.constant 208 : index
        %parallel_loop3A_409 = tpu.vector_load %arg9[%parallel_loop3A_407, %parallel_loop3A_408] {strides = array<i32>} : memref<96x256xf32, #tpu.memory_space<vmem>>, vector<1x16xf32>,
        %parallel_loop3A_410 = vector.shape_cast %parallel_loop3A_409 : vector<1x16xf32> to vector<16xf32>
        %parallel_loop3A_411 = arith.index_cast %parallel_loop3A_277 : i32 to index
        %parallel_loop3A_412 = arith.constant 208 : index
        %parallel_loop3A_413 = tpu.vector_load %arg10[%parallel_loop3A_411, %parallel_loop3A_412] {strides = array<i32>} : memref<96x256xf32, #tpu.memory_space<vmem>>, vector<1x16xf32>,
        %parallel_loop3A_414 = vector.shape_cast %parallel_loop3A_413 : vector<1x16xf32> to vector<16xf32>
        %parallel_loop3A_415 = arith.mulf %parallel_loop3A_410, %parallel_loop3A_414 : vector<16xf32>
        %parallel_loop3A_416 = arith.addf %parallel_loop3A_406, %parallel_loop3A_415 : vector<16xf32>
        %parallel_loop3A_417 = arith.index_cast %parallel_loop3A_277 : i32 to index
        %parallel_loop3A_418 = arith.constant 224 : index
        %parallel_loop3A_419 = tpu.vector_load %arg9[%parallel_loop3A_417, %parallel_loop3A_418] {strides = array<i32>} : memref<96x256xf32, #tpu.memory_space<vmem>>, vector<1x16xf32>,
        %parallel_loop3A_420 = vector.shape_cast %parallel_loop3A_419 : vector<1x16xf32> to vector<16xf32>
        %parallel_loop3A_421 = arith.index_cast %parallel_loop3A_277 : i32 to index
        %parallel_loop3A_422 = arith.constant 224 : index
        %parallel_loop3A_423 = tpu.vector_load %arg10[%parallel_loop3A_421, %parallel_loop3A_422] {strides = array<i32>} : memref<96x256xf32, #tpu.memory_space<vmem>>, vector<1x16xf32>,
        %parallel_loop3A_424 = vector.shape_cast %parallel_loop3A_423 : vector<1x16xf32> to vector<16xf32>
        %parallel_loop3A_425 = arith.mulf %parallel_loop3A_420, %parallel_loop3A_424 : vector<16xf32>
        %parallel_loop3A_426 = arith.addf %parallel_loop3A_416, %parallel_loop3A_425 : vector<16xf32>
        %parallel_loop3A_427 = arith.index_cast %parallel_loop3A_277 : i32 to index
        %parallel_loop3A_428 = arith.constant 240 : index
        %parallel_loop3A_429 = tpu.vector_load %arg9[%parallel_loop3A_427, %parallel_loop3A_428] {strides = array<i32>} : memref<96x256xf32, #tpu.memory_space<vmem>>, vector<1x16xf32>,
        %parallel_loop3A_430 = vector.shape_cast %parallel_loop3A_429 : vector<1x16xf32> to vector<16xf32>
        %parallel_loop3A_431 = arith.index_cast %parallel_loop3A_277 : i32 to index
        %parallel_loop3A_432 = arith.constant 240 : index
        %parallel_loop3A_433 = tpu.vector_load %arg10[%parallel_loop3A_431, %parallel_loop3A_432] {strides = array<i32>} : memref<96x256xf32, #tpu.memory_space<vmem>>, vector<1x16xf32>,
        %parallel_loop3A_434 = vector.shape_cast %parallel_loop3A_433 : vector<1x16xf32> to vector<16xf32>
        %parallel_loop3A_435 = arith.mulf %parallel_loop3A_430, %parallel_loop3A_434 : vector<16xf32>
        %parallel_loop3A_436 = arith.addf %parallel_loop3A_426, %parallel_loop3A_435 : vector<16xf32>
        %parallel_loop3A_437 = arith.constant 1 : i32
        %parallel_loop3A_438 = arith.addi %parallel_loop3A_275, %parallel_loop3A_437 : i32
        %parallel_loop3A_439 = arith.index_cast %parallel_loop3A_438 : i32 to index
        %parallel_loop3A_440 = arith.constant 0 : index
        %parallel_loop3A_441 = tpu.vector_load %arg9[%parallel_loop3A_439, %parallel_loop3A_440] {strides = array<i32>} : memref<96x256xf32, #tpu.memory_space<vmem>>, vector<1x16xf32>,
        %parallel_loop3A_442 = vector.shape_cast %parallel_loop3A_441 : vector<1x16xf32> to vector<16xf32>
        %parallel_loop3A_443 = arith.index_cast %parallel_loop3A_438 : i32 to index
        %parallel_loop3A_444 = arith.constant 0 : index
        %parallel_loop3A_445 = tpu.vector_load %arg10[%parallel_loop3A_443, %parallel_loop3A_444] {strides = array<i32>} : memref<96x256xf32, #tpu.memory_space<vmem>>, vector<1x16xf32>,
        %parallel_loop3A_446 = vector.shape_cast %parallel_loop3A_445 : vector<1x16xf32> to vector<16xf32>
        %parallel_loop3A_447 = arith.mulf %parallel_loop3A_442, %parallel_loop3A_446 : vector<16xf32>
        %parallel_loop3A_448 = arith.index_cast %parallel_loop3A_438 : i32 to index
        %parallel_loop3A_449 = arith.constant 16 : index
        %parallel_loop3A_450 = tpu.vector_load %arg9[%parallel_loop3A_448, %parallel_loop3A_449] {strides = array<i32>} : memref<96x256xf32, #tpu.memory_space<vmem>>, vector<1x16xf32>,
        %parallel_loop3A_451 = vector.shape_cast %parallel_loop3A_450 : vector<1x16xf32> to vector<16xf32>
        %parallel_loop3A_452 = arith.index_cast %parallel_loop3A_438 : i32 to index
        %parallel_loop3A_453 = arith.constant 16 : index
        %parallel_loop3A_454 = tpu.vector_load %arg10[%parallel_loop3A_452, %parallel_loop3A_453] {strides = array<i32>} : memref<96x256xf32, #tpu.memory_space<vmem>>, vector<1x16xf32>,
        %parallel_loop3A_455 = vector.shape_cast %parallel_loop3A_454 : vector<1x16xf32> to vector<16xf32>
        %parallel_loop3A_456 = arith.mulf %parallel_loop3A_451, %parallel_loop3A_455 : vector<16xf32>
        %parallel_loop3A_457 = arith.addf %parallel_loop3A_447, %parallel_loop3A_456 : vector<16xf32>
        %parallel_loop3A_458 = arith.index_cast %parallel_loop3A_438 : i32 to index
        %parallel_loop3A_459 = arith.constant 32 : index
        %parallel_loop3A_460 = tpu.vector_load %arg9[%parallel_loop3A_458, %parallel_loop3A_459] {strides = array<i32>} : memref<96x256xf32, #tpu.memory_space<vmem>>, vector<1x16xf32>,
        %parallel_loop3A_461 = vector.shape_cast %parallel_loop3A_460 : vector<1x16xf32> to vector<16xf32>
        %parallel_loop3A_462 = arith.index_cast %parallel_loop3A_438 : i32 to index
        %parallel_loop3A_463 = arith.constant 32 : index
        %parallel_loop3A_464 = tpu.vector_load %arg10[%parallel_loop3A_462, %parallel_loop3A_463] {strides = array<i32>} : memref<96x256xf32, #tpu.memory_space<vmem>>, vector<1x16xf32>,
        %parallel_loop3A_465 = vector.shape_cast %parallel_loop3A_464 : vector<1x16xf32> to vector<16xf32>
        %parallel_loop3A_466 = arith.mulf %parallel_loop3A_461, %parallel_loop3A_465 : vector<16xf32>
        %parallel_loop3A_467 = arith.addf %parallel_loop3A_457, %parallel_loop3A_466 : vector<16xf32>
        %parallel_loop3A_468 = arith.index_cast %parallel_loop3A_438 : i32 to index
        %parallel_loop3A_469 = arith.constant 48 : index
        %parallel_loop3A_470 = tpu.vector_load %arg9[%parallel_loop3A_468, %parallel_loop3A_469] {strides = array<i32>} : memref<96x256xf32, #tpu.memory_space<vmem>>, vector<1x16xf32>,
        %parallel_loop3A_471 = vector.shape_cast %parallel_loop3A_470 : vector<1x16xf32> to vector<16xf32>
        %parallel_loop3A_472 = arith.index_cast %parallel_loop3A_438 : i32 to index
        %parallel_loop3A_473 = arith.constant 48 : index
        %parallel_loop3A_474 = tpu.vector_load %arg10[%parallel_loop3A_472, %parallel_loop3A_473] {strides = array<i32>} : memref<96x256xf32, #tpu.memory_space<vmem>>, vector<1x16xf32>,
        %parallel_loop3A_475 = vector.shape_cast %parallel_loop3A_474 : vector<1x16xf32> to vector<16xf32>
        %parallel_loop3A_476 = arith.mulf %parallel_loop3A_471, %parallel_loop3A_475 : vector<16xf32>
        %parallel_loop3A_477 = arith.addf %parallel_loop3A_467, %parallel_loop3A_476 : vector<16xf32>
        %parallel_loop3A_478 = arith.index_cast %parallel_loop3A_438 : i32 to index
        %parallel_loop3A_479 = arith.constant 64 : index
        %parallel_loop3A_480 = tpu.vector_load %arg9[%parallel_loop3A_478, %parallel_loop3A_479] {strides = array<i32>} : memref<96x256xf32, #tpu.memory_space<vmem>>, vector<1x16xf32>,
        %parallel_loop3A_481 = vector.shape_cast %parallel_loop3A_480 : vector<1x16xf32> to vector<16xf32>
        %parallel_loop3A_482 = arith.index_cast %parallel_loop3A_438 : i32 to index
        %parallel_loop3A_483 = arith.constant 64 : index
        %parallel_loop3A_484 = tpu.vector_load %arg10[%parallel_loop3A_482, %parallel_loop3A_483] {strides = array<i32>} : memref<96x256xf32, #tpu.memory_space<vmem>>, vector<1x16xf32>,
        %parallel_loop3A_485 = vector.shape_cast %parallel_loop3A_484 : vector<1x16xf32> to vector<16xf32>
        %parallel_loop3A_486 = arith.mulf %parallel_loop3A_481, %parallel_loop3A_485 : vector<16xf32>
        %parallel_loop3A_487 = arith.addf %parallel_loop3A_477, %parallel_loop3A_486 : vector<16xf32>
        %parallel_loop3A_488 = arith.index_cast %parallel_loop3A_438 : i32 to index
        %parallel_loop3A_489 = arith.constant 80 : index
        %parallel_loop3A_490 = tpu.vector_load %arg9[%parallel_loop3A_488, %parallel_loop3A_489] {strides = array<i32>} : memref<96x256xf32, #tpu.memory_space<vmem>>, vector<1x16xf32>,
        %parallel_loop3A_491 = vector.shape_cast %parallel_loop3A_490 : vector<1x16xf32> to vector<16xf32>
        %parallel_loop3A_492 = arith.index_cast %parallel_loop3A_438 : i32 to index
        %parallel_loop3A_493 = arith.constant 80 : index
        %parallel_loop3A_494 = tpu.vector_load %arg10[%parallel_loop3A_492, %parallel_loop3A_493] {strides = array<i32>} : memref<96x256xf32, #tpu.memory_space<vmem>>, vector<1x16xf32>,
        %parallel_loop3A_495 = vector.shape_cast %parallel_loop3A_494 : vector<1x16xf32> to vector<16xf32>
        %parallel_loop3A_496 = arith.mulf %parallel_loop3A_491, %parallel_loop3A_495 : vector<16xf32>
        %parallel_loop3A_497 = arith.addf %parallel_loop3A_487, %parallel_loop3A_496 : vector<16xf32>
        %parallel_loop3A_498 = arith.index_cast %parallel_loop3A_438 : i32 to index
        %parallel_loop3A_499 = arith.constant 96 : index
        %parallel_loop3A_500 = tpu.vector_load %arg9[%parallel_loop3A_498, %parallel_loop3A_499] {strides = array<i32>} : memref<96x256xf32, #tpu.memory_space<vmem>>, vector<1x16xf32>,
        %parallel_loop3A_501 = vector.shape_cast %parallel_loop3A_500 : vector<1x16xf32> to vector<16xf32>
        %parallel_loop3A_502 = arith.index_cast %parallel_loop3A_438 : i32 to index
        %parallel_loop3A_503 = arith.constant 96 : index
        %parallel_loop3A_504 = tpu.vector_load %arg10[%parallel_loop3A_502, %parallel_loop3A_503] {strides = array<i32>} : memref<96x256xf32, #tpu.memory_space<vmem>>, vector<1x16xf32>,
        %parallel_loop3A_505 = vector.shape_cast %parallel_loop3A_504 : vector<1x16xf32> to vector<16xf32>
        %parallel_loop3A_506 = arith.mulf %parallel_loop3A_501, %parallel_loop3A_505 : vector<16xf32>
        %parallel_loop3A_507 = arith.addf %parallel_loop3A_497, %parallel_loop3A_506 : vector<16xf32>
        %parallel_loop3A_508 = arith.index_cast %parallel_loop3A_438 : i32 to index
        %parallel_loop3A_509 = arith.constant 112 : index
        %parallel_loop3A_510 = tpu.vector_load %arg9[%parallel_loop3A_508, %parallel_loop3A_509] {strides = array<i32>} : memref<96x256xf32, #tpu.memory_space<vmem>>, vector<1x16xf32>,
        %parallel_loop3A_511 = vector.shape_cast %parallel_loop3A_510 : vector<1x16xf32> to vector<16xf32>
        %parallel_loop3A_512 = arith.index_cast %parallel_loop3A_438 : i32 to index
        %parallel_loop3A_513 = arith.constant 112 : index
        %parallel_loop3A_514 = tpu.vector_load %arg10[%parallel_loop3A_512, %parallel_loop3A_513] {strides = array<i32>} : memref<96x256xf32, #tpu.memory_space<vmem>>, vector<1x16xf32>,
        %parallel_loop3A_515 = vector.shape_cast %parallel_loop3A_514 : vector<1x16xf32> to vector<16xf32>
        %parallel_loop3A_516 = arith.mulf %parallel_loop3A_511, %parallel_loop3A_515 : vector<16xf32>
        %parallel_loop3A_517 = arith.addf %parallel_loop3A_507, %parallel_loop3A_516 : vector<16xf32>
        %parallel_loop3A_518 = arith.index_cast %parallel_loop3A_438 : i32 to index
        %parallel_loop3A_519 = arith.constant 128 : index
        %parallel_loop3A_520 = tpu.vector_load %arg9[%parallel_loop3A_518, %parallel_loop3A_519] {strides = array<i32>} : memref<96x256xf32, #tpu.memory_space<vmem>>, vector<1x16xf32>,
        %parallel_loop3A_521 = vector.shape_cast %parallel_loop3A_520 : vector<1x16xf32> to vector<16xf32>
        %parallel_loop3A_522 = arith.index_cast %parallel_loop3A_438 : i32 to index
        %parallel_loop3A_523 = arith.constant 128 : index
        %parallel_loop3A_524 = tpu.vector_load %arg10[%parallel_loop3A_522, %parallel_loop3A_523] {strides = array<i32>} : memref<96x256xf32, #tpu.memory_space<vmem>>, vector<1x16xf32>,
        %parallel_loop3A_525 = vector.shape_cast %parallel_loop3A_524 : vector<1x16xf32> to vector<16xf32>
        %parallel_loop3A_526 = arith.mulf %parallel_loop3A_521, %parallel_loop3A_525 : vector<16xf32>
        %parallel_loop3A_527 = arith.addf %parallel_loop3A_517, %parallel_loop3A_526 : vector<16xf32>
        %parallel_loop3A_528 = arith.index_cast %parallel_loop3A_438 : i32 to index
        %parallel_loop3A_529 = arith.constant 144 : index
        %parallel_loop3A_530 = tpu.vector_load %arg9[%parallel_loop3A_528, %parallel_loop3A_529] {strides = array<i32>} : memref<96x256xf32, #tpu.memory_space<vmem>>, vector<1x16xf32>,
        %parallel_loop3A_531 = vector.shape_cast %parallel_loop3A_530 : vector<1x16xf32> to vector<16xf32>
        %parallel_loop3A_532 = arith.index_cast %parallel_loop3A_438 : i32 to index
        %parallel_loop3A_533 = arith.constant 144 : index
        %parallel_loop3A_534 = tpu.vector_load %arg10[%parallel_loop3A_532, %parallel_loop3A_533] {strides = array<i32>} : memref<96x256xf32, #tpu.memory_space<vmem>>, vector<1x16xf32>,
        %parallel_loop3A_535 = vector.shape_cast %parallel_loop3A_534 : vector<1x16xf32> to vector<16xf32>
        %parallel_loop3A_536 = arith.mulf %parallel_loop3A_531, %parallel_loop3A_535 : vector<16xf32>
        %parallel_loop3A_537 = arith.addf %parallel_loop3A_527, %parallel_loop3A_536 : vector<16xf32>
        %parallel_loop3A_538 = arith.index_cast %parallel_loop3A_438 : i32 to index
        %parallel_loop3A_539 = arith.constant 160 : index
        %parallel_loop3A_540 = tpu.vector_load %arg9[%parallel_loop3A_538, %parallel_loop3A_539] {strides = array<i32>} : memref<96x256xf32, #tpu.memory_space<vmem>>, vector<1x16xf32>,
        %parallel_loop3A_541 = vector.shape_cast %parallel_loop3A_540 : vector<1x16xf32> to vector<16xf32>
        %parallel_loop3A_542 = arith.index_cast %parallel_loop3A_438 : i32 to index
        %parallel_loop3A_543 = arith.constant 160 : index
        %parallel_loop3A_544 = tpu.vector_load %arg10[%parallel_loop3A_542, %parallel_loop3A_543] {strides = array<i32>} : memref<96x256xf32, #tpu.memory_space<vmem>>, vector<1x16xf32>,
        %parallel_loop3A_545 = vector.shape_cast %parallel_loop3A_544 : vector<1x16xf32> to vector<16xf32>
        %parallel_loop3A_546 = arith.mulf %parallel_loop3A_541, %parallel_loop3A_545 : vector<16xf32>
        %parallel_loop3A_547 = arith.addf %parallel_loop3A_537, %parallel_loop3A_546 : vector<16xf32>
        %parallel_loop3A_548 = arith.index_cast %parallel_loop3A_438 : i32 to index
        %parallel_loop3A_549 = arith.constant 176 : index
        %parallel_loop3A_550 = tpu.vector_load %arg9[%parallel_loop3A_548, %parallel_loop3A_549] {strides = array<i32>} : memref<96x256xf32, #tpu.memory_space<vmem>>, vector<1x16xf32>,
        %parallel_loop3A_551 = vector.shape_cast %parallel_loop3A_550 : vector<1x16xf32> to vector<16xf32>
        %parallel_loop3A_552 = arith.index_cast %parallel_loop3A_438 : i32 to index
        %parallel_loop3A_553 = arith.constant 176 : index
        %parallel_loop3A_554 = tpu.vector_load %arg10[%parallel_loop3A_552, %parallel_loop3A_553] {strides = array<i32>} : memref<96x256xf32, #tpu.memory_space<vmem>>, vector<1x16xf32>,
        %parallel_loop3A_555 = vector.shape_cast %parallel_loop3A_554 : vector<1x16xf32> to vector<16xf32>
        %parallel_loop3A_556 = arith.mulf %parallel_loop3A_551, %parallel_loop3A_555 : vector<16xf32>
        %parallel_loop3A_557 = arith.addf %parallel_loop3A_547, %parallel_loop3A_556 : vector<16xf32>
        %parallel_loop3A_558 = arith.index_cast %parallel_loop3A_438 : i32 to index
        %parallel_loop3A_559 = arith.constant 192 : index
        %parallel_loop3A_560 = tpu.vector_load %arg9[%parallel_loop3A_558, %parallel_loop3A_559] {strides = array<i32>} : memref<96x256xf32, #tpu.memory_space<vmem>>, vector<1x16xf32>,
        %parallel_loop3A_561 = vector.shape_cast %parallel_loop3A_560 : vector<1x16xf32> to vector<16xf32>
        %parallel_loop3A_562 = arith.index_cast %parallel_loop3A_438 : i32 to index
        %parallel_loop3A_563 = arith.constant 192 : index
        %parallel_loop3A_564 = tpu.vector_load %arg10[%parallel_loop3A_562, %parallel_loop3A_563] {strides = array<i32>} : memref<96x256xf32, #tpu.memory_space<vmem>>, vector<1x16xf32>,
        %parallel_loop3A_565 = vector.shape_cast %parallel_loop3A_564 : vector<1x16xf32> to vector<16xf32>
        %parallel_loop3A_566 = arith.mulf %parallel_loop3A_561, %parallel_loop3A_565 : vector<16xf32>
        %parallel_loop3A_567 = arith.addf %parallel_loop3A_557, %parallel_loop3A_566 : vector<16xf32>
        %parallel_loop3A_568 = arith.index_cast %parallel_loop3A_438 : i32 to index
        %parallel_loop3A_569 = arith.constant 208 : index
        %parallel_loop3A_570 = tpu.vector_load %arg9[%parallel_loop3A_568, %parallel_loop3A_569] {strides = array<i32>} : memref<96x256xf32, #tpu.memory_space<vmem>>, vector<1x16xf32>,
        %parallel_loop3A_571 = vector.shape_cast %parallel_loop3A_570 : vector<1x16xf32> to vector<16xf32>
        %parallel_loop3A_572 = arith.index_cast %parallel_loop3A_438 : i32 to index
        %parallel_loop3A_573 = arith.constant 208 : index
        %parallel_loop3A_574 = tpu.vector_load %arg10[%parallel_loop3A_572, %parallel_loop3A_573] {strides = array<i32>} : memref<96x256xf32, #tpu.memory_space<vmem>>, vector<1x16xf32>,
        %parallel_loop3A_575 = vector.shape_cast %parallel_loop3A_574 : vector<1x16xf32> to vector<16xf32>
        %parallel_loop3A_576 = arith.mulf %parallel_loop3A_571, %parallel_loop3A_575 : vector<16xf32>
        %parallel_loop3A_577 = arith.addf %parallel_loop3A_567, %parallel_loop3A_576 : vector<16xf32>
        %parallel_loop3A_578 = arith.index_cast %parallel_loop3A_438 : i32 to index
        %parallel_loop3A_579 = arith.constant 224 : index
        %parallel_loop3A_580 = tpu.vector_load %arg9[%parallel_loop3A_578, %parallel_loop3A_579] {strides = array<i32>} : memref<96x256xf32, #tpu.memory_space<vmem>>, vector<1x16xf32>,
        %parallel_loop3A_581 = vector.shape_cast %parallel_loop3A_580 : vector<1x16xf32> to vector<16xf32>
        %parallel_loop3A_582 = arith.index_cast %parallel_loop3A_438 : i32 to index
        %parallel_loop3A_583 = arith.constant 224 : index
        %parallel_loop3A_584 = tpu.vector_load %arg10[%parallel_loop3A_582, %parallel_loop3A_583] {strides = array<i32>} : memref<96x256xf32, #tpu.memory_space<vmem>>, vector<1x16xf32>,
        %parallel_loop3A_585 = vector.shape_cast %parallel_loop3A_584 : vector<1x16xf32> to vector<16xf32>
        %parallel_loop3A_586 = arith.mulf %parallel_loop3A_581, %parallel_loop3A_585 : vector<16xf32>
        %parallel_loop3A_587 = arith.addf %parallel_loop3A_577, %parallel_loop3A_586 : vector<16xf32>
        %parallel_loop3A_588 = arith.index_cast %parallel_loop3A_438 : i32 to index
        %parallel_loop3A_589 = arith.constant 240 : index
        %parallel_loop3A_590 = tpu.vector_load %arg9[%parallel_loop3A_588, %parallel_loop3A_589] {strides = array<i32>} : memref<96x256xf32, #tpu.memory_space<vmem>>, vector<1x16xf32>,
        %parallel_loop3A_591 = vector.shape_cast %parallel_loop3A_590 : vector<1x16xf32> to vector<16xf32>
        %parallel_loop3A_592 = arith.index_cast %parallel_loop3A_438 : i32 to index
        %parallel_loop3A_593 = arith.constant 240 : index
        %parallel_loop3A_594 = tpu.vector_load %arg10[%parallel_loop3A_592, %parallel_loop3A_593] {strides = array<i32>} : memref<96x256xf32, #tpu.memory_space<vmem>>, vector<1x16xf32>,
        %parallel_loop3A_595 = vector.shape_cast %parallel_loop3A_594 : vector<1x16xf32> to vector<16xf32>
        %parallel_loop3A_596 = arith.mulf %parallel_loop3A_591, %parallel_loop3A_595 : vector<16xf32>
        %parallel_loop3A_597 = arith.addf %parallel_loop3A_587, %parallel_loop3A_596 : vector<16xf32>
        %parallel_loop3A_598 = vector.shape_cast %xor3A_190 : vector<16xi32> to vector<16x1xi32>
        %parallel_loop3A_599 = vector.shape_cast %parallel_loop3A_598 : vector<16x1xi32> to vector<16xi32>
        %parallel_loop3A_600 = tpu.dynamic_gather %parallel_loop3A_436[%parallel_loop3A_599] in [0] : vector<16xf32>, vector<16xi32> -> vector<16xf32>
        %parallel_loop3A_601 = arith.addf %parallel_loop3A_436, %parallel_loop3A_600 : vector<16xf32>
        %parallel_loop3A_602 = vector.shape_cast %xor3A_190 : vector<16xi32> to vector<16x1xi32>
        %parallel_loop3A_603 = vector.shape_cast %parallel_loop3A_602 : vector<16x1xi32> to vector<16xi32>
        %parallel_loop3A_604 = tpu.dynamic_gather %parallel_loop3A_597[%parallel_loop3A_603] in [0] : vector<16xf32>, vector<16xi32> -> vector<16xf32>
        %parallel_loop3A_605 = arith.addf %parallel_loop3A_597, %parallel_loop3A_604 : vector<16xf32>
        %parallel_loop3A_606 = arith.select %eq3A_205, %parallel_loop3A_601, %parallel_loop3A_605 : vector<16xi1>, vector<16xf32>
        %parallel_loop3A_607 = vector.shape_cast %xor3A_193 : vector<16xi32> to vector<16x1xi32>
        %parallel_loop3A_608 = vector.shape_cast %parallel_loop3A_607 : vector<16x1xi32> to vector<16xi32>
        %parallel_loop3A_609 = tpu.dynamic_gather %parallel_loop3A_606[%parallel_loop3A_608] in [0] : vector<16xf32>, vector<16xi32> -> vector<16xf32>
        %parallel_loop3A_610 = arith.addf %parallel_loop3A_606, %parallel_loop3A_609 : vector<16xf32>
        %parallel_loop3A_611 = vector.shape_cast %xor3A_196 : vector<16xi32> to vector<16x1xi32>
        %parallel_loop3A_612 = vector.shape_cast %parallel_loop3A_611 : vector<16x1xi32> to vector<16xi32>
        %parallel_loop3A_613 = tpu.dynamic_gather %parallel_loop3A_610[%parallel_loop3A_612] in [0] : vector<16xf32>, vector<16xi32> -> vector<16xf32>
        %parallel_loop3A_614 = arith.addf %parallel_loop3A_610, %parallel_loop3A_613 : vector<16xf32>
        %parallel_loop3A_615 = vector.shape_cast %xor3A_199 : vector<16xi32> to vector<16x1xi32>
        %parallel_loop3A_616 = vector.shape_cast %parallel_loop3A_615 : vector<16x1xi32> to vector<16xi32>
        %parallel_loop3A_617 = tpu.dynamic_gather %parallel_loop3A_614[%parallel_loop3A_616] in [0] : vector<16xf32>, vector<16xi32> -> vector<16xf32>
        %parallel_loop3A_618 = arith.addf %parallel_loop3A_614, %parallel_loop3A_617 : vector<16xf32>
        %parallel_loop3A_619 = arith.constant 16 : i32
        %parallel_loop3A_620 = arith.muli %parallel_loop3A_273, %parallel_loop3A_619 : i32
        %parallel_loop3A_621 = arith.index_cast %parallel_loop3A_620 : i32 to index
        %parallel_loop3A_622 = tpu.vector_load %arg18[%parallel_loop3A_621] {strides = array<i32>} : memref<768xf32, #tpu.memory_space<vmem>>, vector<16xf32>,
        %parallel_loop3A_623 = vector.shape_cast %parallel_loop3A_622 : vector<16xf32> to vector<16xf32>
        %parallel_loop3A_624 = vector.shape_cast %parallel_loop3A_618 : vector<16xf32> to vector<16xf32>
        tpu.vector_store %arg18[%parallel_loop3A_621], %parallel_loop3A_624 {strides = array<i32>} : memref<768xf32, #tpu.memory_space<vmem>>, vector<16xf32>,
      } {sc.loop_unroll_factor = 2 : i64, sc.parallel_access}
      %mul3A_209 = arith.constant 2 : i32
      %mul3A_210 = arith.muli %mul3A_209, %scan3A_149 : i32
      %add3A_211 = arith.constant 1 : i32
      %add3A_212 = arith.addi %mul3A_210, %add3A_211 : i32
      %dma_wait3A_213 = arith.constant 0 : i32
      %dma_wait3A_214 = tpu.memref_slice %arg3[%dma_wait3A_213] : memref<320000xi32, #tpu.memory_space<hbm>> -> memref<96xi32, #tpu.memory_space<hbm>>
      %dma_wait3A_215 = arith.constant 0 : i32
      %dma_wait3A_216 = tpu.memref_slice %arg3[%dma_wait3A_215] : memref<320000xi32, #tpu.memory_space<hbm>> -> memref<96xi32, #tpu.memory_space<hbm>>
      tpu.wait_dma2 semaphore(%arg24 : memref<!tpu.dma_semaphore, #tpu.memory_space<semaphore_mem>>) src(%dma_wait3A_216 : memref<96xi32, #tpu.memory_space<hbm>>) dst(%arg5 : memref<96xi32, #tpu.memory_space<vmem>>)
      %dma_wait3A_217 = arith.constant 0 : i32
      %dma_wait3A_218 = tpu.memref_slice %arg3[%dma_wait3A_217] : memref<320000xi32, #tpu.memory_space<hbm>> -> memref<96xi32, #tpu.memory_space<hbm>>
      %dma_wait3A_219 = arith.constant 0 : i32
      %dma_wait3A_220 = tpu.memref_slice %arg3[%dma_wait3A_219] : memref<320000xi32, #tpu.memory_space<hbm>> -> memref<96xi32, #tpu.memory_space<hbm>>
      tpu.wait_dma2 semaphore(%arg25 : memref<!tpu.dma_semaphore, #tpu.memory_space<semaphore_mem>>) src(%dma_wait3A_220 : memref<96xi32, #tpu.memory_space<hbm>>) dst(%arg6 : memref<96xi32, #tpu.memory_space<vmem>>)
      %dma_start3A_221 = arith.constant 0 : i32
      %dma_start3A_222 = arith.constant 0 : i32
      %dma_start3A_223 = tpu.memref_slice %arg2[%dma_start3A_221, %dma_start3A_222] : memref<10000x256xf32, #tpu.memory_space<hbm>> -> memref<10000x256xf32, #tpu.memory_space<hbm>>
      tpu.enqueue_indirect_dma source(%dma_start3A_223 : memref<10000x256xf32, #tpu.memory_space<hbm>>) target(%arg9 : memref<96x256xf32, #tpu.memory_space<vmem>>) offsets(%arg5 : memref<96xi32, #tpu.memory_space<vmem>>) semaphore(%arg20 : memref<!tpu.dma_semaphore, #tpu.memory_space<semaphore_mem>>)
      %dma_start3A_224 = arith.constant 0 : i32
      %dma_start3A_225 = arith.constant 0 : i32
      %dma_start3A_226 = tpu.memref_slice %arg2[%dma_start3A_224, %dma_start3A_225] : memref<10000x256xf32, #tpu.memory_space<hbm>> -> memref<10000x256xf32, #tpu.memory_space<hbm>>
      tpu.enqueue_indirect_dma source(%dma_start3A_226 : memref<10000x256xf32, #tpu.memory_space<hbm>>) target(%arg10 : memref<96x256xf32, #tpu.memory_space<vmem>>) offsets(%arg6 : memref<96xi32, #tpu.memory_space<vmem>>) semaphore(%arg21 : memref<!tpu.dma_semaphore, #tpu.memory_space<semaphore_mem>>)
      %add3A_227 = arith.constant 2 : i32
      %add3A_228 = arith.addi %add3A_212, %add3A_227 : i32
      %min3A_229 = arith.constant 51 : i32
      %min3A_230 = arith.minsi %add3A_228, %min3A_229 : i32
      %mul3A_231 = arith.constant 96 : i32
      %mul3A_232 = arith.muli %min3A_230, %mul3A_231 : i32
      %add3A_233 = arith.addi %mul3A_2, %mul3A_232 : i32
      %dma_start3A_234 = tpu.memref_slice %arg3[%add3A_233] : memref<320000xi32, #tpu.memory_space<hbm>> -> memref<96xi32, #tpu.memory_space<hbm>>
      %dma_start3A_235 = tpu.memref_slice %arg3[%add3A_233] : memref<320000xi32, #tpu.memory_space<hbm>> -> memref<96xi32, #tpu.memory_space<hbm>>
      tpu.enqueue_dma source(%dma_start3A_235 : memref<96xi32, #tpu.memory_space<hbm>>) target(%arg7 : memref<96xi32, #tpu.memory_space<vmem>>) target_semaphore(%arg26 : memref<!tpu.dma_semaphore, #tpu.memory_space<semaphore_mem>>)
      %add3A_236 = arith.constant 160000 : i32
      %add3A_237 = arith.addi %add3A_236, %add3A_233 : i32
      %dma_start3A_238 = tpu.memref_slice %arg3[%add3A_237] : memref<320000xi32, #tpu.memory_space<hbm>> -> memref<96xi32, #tpu.memory_space<hbm>>
      %dma_start3A_239 = tpu.memref_slice %arg3[%add3A_237] : memref<320000xi32, #tpu.memory_space<hbm>> -> memref<96xi32, #tpu.memory_space<hbm>>
      tpu.enqueue_dma source(%dma_start3A_239 : memref<96xi32, #tpu.memory_space<hbm>>) target(%arg8 : memref<96xi32, #tpu.memory_space<vmem>>) target_semaphore(%arg27 : memref<!tpu.dma_semaphore, #tpu.memory_space<semaphore_mem>>)
      %gt3A_240 = arith.constant 0 : i32
      %gt3A_241 = arith.cmpi sgt, %add3A_212, %gt3A_240 : i32
      %convert_element_type3A_242 = arith.extui %gt3A_241 : i1 to i32
      %cond3A_243 = arith.constant 0 : i32
      %cond3A_244 = arith.cmpi ne, %convert_element_type3A_242, %cond3A_243 : i32
      scf.if %cond3A_244 {
        %sub3A = arith.constant 1 : i32
        %sub3A_273 = arith.subi %add3A_212, %sub3A : i32
        %mul3A_274 = arith.constant 96 : i32
        %mul3A_275 = arith.muli %sub3A_273, %mul3A_274 : i32
        %iota3A_276 = tpu.iota {dimensions = array<i32: 0>} : vector<16xi32>
        %shift_right_arithmetic3A_277 = arith.constant 1 : i32
        %shift_right_arithmetic3A_278 = vector.broadcast %shift_right_arithmetic3A_277 : i32 to vector<16xi32>
        %shift_right_arithmetic3A_279 = arith.shrsi %iota3A_276, %shift_right_arithmetic3A_278 : vector<16xi32>
        %scan3A_280 = arith.constant 0 : i32
        %scan3A_281 = arith.constant 6 : i32
        %scan3A_282 = arith.addi %scan3A_280, %scan3A_281 : i32
        %scan3A_283 = arith.constant 1 : i32
        scf.for %scan3A_285 = %scan3A_280 to %scan3A_282 step %scan3A_283  : i32 {
          %mul3A_286 = arith.constant 128 : i32
          %mul3A_287 = arith.muli %scan3A_285, %mul3A_286 : i32
          %get3A_288 = arith.index_cast %mul3A_287 : i32 to index
          %get3A_289 = tpu.vector_load %arg18[%get3A_288] {strides = array<i32>} : memref<768xf32, #tpu.memory_space<vmem>>, vector<16xf32>,
          %get3A_290 = vector.shape_cast %get3A_289 : vector<16xf32> to vector<16xf32>
          %mul3A_291 = arith.constant 128 : i32
          %mul3A_292 = arith.muli %scan3A_285, %mul3A_291 : i32
          %add3A_293 = arith.constant 16 : i32
          %add3A_294 = arith.addi %mul3A_292, %add3A_293 : i32
          %get3A_295 = arith.index_cast %add3A_294 : i32 to index
          %get3A_296 = tpu.vector_load %arg18[%get3A_295] {strides = array<i32>} : memref<768xf32, #tpu.memory_space<vmem>>, vector<16xf32>,
          %get3A_297 = vector.shape_cast %get3A_296 : vector<16xf32> to vector<16xf32>
          %eq3A_298 = arith.constant 1 : i32
          %eq3A_299 = vector.broadcast %eq3A_298 : i32 to vector<16xi32>
          %eq3A_300 = arith.cmpi eq, %shift_right_arithmetic3A_279, %eq3A_299 : vector<16xi32>
          %select_n3A_301 = arith.select %eq3A_300, %get3A_297, %get3A_290 : vector<16xi1>, vector<16xf32>
          %mul3A_302 = arith.constant 128 : i32
          %mul3A_303 = arith.muli %scan3A_285, %mul3A_302 : i32
          %add3A_304 = arith.constant 32 : i32
          %add3A_305 = arith.addi %mul3A_303, %add3A_304 : i32
          %get3A_306 = arith.index_cast %add3A_305 : i32 to index
          %get3A_307 = tpu.vector_load %arg18[%get3A_306] {strides = array<i32>} : memref<768xf32, #tpu.memory_space<vmem>>, vector<16xf32>,
          %get3A_308 = vector.shape_cast %get3A_307 : vector<16xf32> to vector<16xf32>
          %eq3A_309 = arith.constant 2 : i32
          %eq3A_310 = vector.broadcast %eq3A_309 : i32 to vector<16xi32>
          %eq3A_311 = arith.cmpi eq, %shift_right_arithmetic3A_279, %eq3A_310 : vector<16xi32>
          %select_n3A_312 = arith.select %eq3A_311, %get3A_308, %select_n3A_301 : vector<16xi1>, vector<16xf32>
          %mul3A_313 = arith.constant 128 : i32
          %mul3A_314 = arith.muli %scan3A_285, %mul3A_313 : i32
          %add3A_315 = arith.constant 48 : i32
          %add3A_316 = arith.addi %mul3A_314, %add3A_315 : i32
          %get3A_317 = arith.index_cast %add3A_316 : i32 to index
          %get3A_318 = tpu.vector_load %arg18[%get3A_317] {strides = array<i32>} : memref<768xf32, #tpu.memory_space<vmem>>, vector<16xf32>,
          %get3A_319 = vector.shape_cast %get3A_318 : vector<16xf32> to vector<16xf32>
          %eq3A_320 = arith.constant 3 : i32
          %eq3A_321 = vector.broadcast %eq3A_320 : i32 to vector<16xi32>
          %eq3A_322 = arith.cmpi eq, %shift_right_arithmetic3A_279, %eq3A_321 : vector<16xi32>
          %select_n3A_323 = arith.select %eq3A_322, %get3A_319, %select_n3A_312 : vector<16xi1>, vector<16xf32>
          %mul3A_324 = arith.constant 128 : i32
          %mul3A_325 = arith.muli %scan3A_285, %mul3A_324 : i32
          %add3A_326 = arith.constant 64 : i32
          %add3A_327 = arith.addi %mul3A_325, %add3A_326 : i32
          %get3A_328 = arith.index_cast %add3A_327 : i32 to index
          %get3A_329 = tpu.vector_load %arg18[%get3A_328] {strides = array<i32>} : memref<768xf32, #tpu.memory_space<vmem>>, vector<16xf32>,
          %get3A_330 = vector.shape_cast %get3A_329 : vector<16xf32> to vector<16xf32>
          %eq3A_331 = arith.constant 4 : i32
          %eq3A_332 = vector.broadcast %eq3A_331 : i32 to vector<16xi32>
          %eq3A_333 = arith.cmpi eq, %shift_right_arithmetic3A_279, %eq3A_332 : vector<16xi32>
          %select_n3A_334 = arith.select %eq3A_333, %get3A_330, %select_n3A_323 : vector<16xi1>, vector<16xf32>
          %mul3A_335 = arith.constant 128 : i32
          %mul3A_336 = arith.muli %scan3A_285, %mul3A_335 : i32
          %add3A_337 = arith.constant 80 : i32
          %add3A_338 = arith.addi %mul3A_336, %add3A_337 : i32
          %get3A_339 = arith.index_cast %add3A_338 : i32 to index
          %get3A_340 = tpu.vector_load %arg18[%get3A_339] {strides = array<i32>} : memref<768xf32, #tpu.memory_space<vmem>>, vector<16xf32>,
          %get3A_341 = vector.shape_cast %get3A_340 : vector<16xf32> to vector<16xf32>
          %eq3A_342 = arith.constant 5 : i32
          %eq3A_343 = vector.broadcast %eq3A_342 : i32 to vector<16xi32>
          %eq3A_344 = arith.cmpi eq, %shift_right_arithmetic3A_279, %eq3A_343 : vector<16xi32>
          %select_n3A_345 = arith.select %eq3A_344, %get3A_341, %select_n3A_334 : vector<16xi1>, vector<16xf32>
          %mul3A_346 = arith.constant 128 : i32
          %mul3A_347 = arith.muli %scan3A_285, %mul3A_346 : i32
          %add3A_348 = arith.constant 96 : i32
          %add3A_349 = arith.addi %mul3A_347, %add3A_348 : i32
          %get3A_350 = arith.index_cast %add3A_349 : i32 to index
          %get3A_351 = tpu.vector_load %arg18[%get3A_350] {strides = array<i32>} : memref<768xf32, #tpu.memory_space<vmem>>, vector<16xf32>,
          %get3A_352 = vector.shape_cast %get3A_351 : vector<16xf32> to vector<16xf32>
          %eq3A_353 = arith.constant 6 : i32
          %eq3A_354 = vector.broadcast %eq3A_353 : i32 to vector<16xi32>
          %eq3A_355 = arith.cmpi eq, %shift_right_arithmetic3A_279, %eq3A_354 : vector<16xi32>
          %select_n3A_356 = arith.select %eq3A_355, %get3A_352, %select_n3A_345 : vector<16xi1>, vector<16xf32>
          %mul3A_357 = arith.constant 128 : i32
          %mul3A_358 = arith.muli %scan3A_285, %mul3A_357 : i32
          %add3A_359 = arith.constant 112 : i32
          %add3A_360 = arith.addi %mul3A_358, %add3A_359 : i32
          %get3A_361 = arith.index_cast %add3A_360 : i32 to index
          %get3A_362 = tpu.vector_load %arg18[%get3A_361] {strides = array<i32>} : memref<768xf32, #tpu.memory_space<vmem>>, vector<16xf32>,
          %get3A_363 = vector.shape_cast %get3A_362 : vector<16xf32> to vector<16xf32>
          %eq3A_364 = arith.constant 7 : i32
          %eq3A_365 = vector.broadcast %eq3A_364 : i32 to vector<16xi32>
          %eq3A_366 = arith.cmpi eq, %shift_right_arithmetic3A_279, %eq3A_365 : vector<16xi32>
          %select_n3A_367 = arith.select %eq3A_366, %get3A_363, %select_n3A_356 : vector<16xi1>, vector<16xf32>
          %neg3A_368 = arith.constant 0.000000e+00 : f32
          %neg3A_369 = vector.broadcast %neg3A_368 : f32 to vector<16xf32>
          %neg3A_370 = arith.subf %neg3A_369, %select_n3A_367 : vector<16xf32>
          %exp3A_371 = math.exp %neg3A_370 : vector<16xf32>
          %add3A_372 = arith.constant 1.000000e+00 : f32
          %add3A_373 = vector.broadcast %add3A_372 : f32 to vector<16xf32>
          %add3A_374 = arith.addf %add3A_373, %exp3A_371 : vector<16xf32>
          %div3A_375 = arith.constant 1.000000e+00 : f32
          %div3A_376 = vector.broadcast %div3A_375 : f32 to vector<16xf32>
          %div3A_377 = arith.divf %div3A_376, %add3A_374 : vector<16xf32>
          %mul3A_378 = arith.constant 16 : i32
          %mul3A_379 = arith.muli %scan3A_285, %mul3A_378 : i32
          %add3A_380 = arith.addi %mul3A_275, %mul3A_379 : i32
          %swap3A_381 = arith.index_cast %add3A_380 : i32 to index
          %swap3A_382 = tpu.vector_load %arg17[%swap3A_381] {strides = array<i32>} : memref<5008xf32, #tpu.memory_space<vmem>>, vector<16xf32>,
          %swap3A_383 = vector.shape_cast %swap3A_382 : vector<16xf32> to vector<16xf32>
          %swap3A_384 = vector.shape_cast %div3A_377 : vector<16xf32> to vector<16xf32>
          tpu.vector_store %arg17[%swap3A_381], %swap3A_384 {strides = array<i32>} : memref<5008xf32, #tpu.memory_space<vmem>>, vector<16xf32>,
        }
        %scan3A_284 = arith.constant 6 : i32
      } else {
      }
      %dma_wait3A_245 = arith.constant 0 : i32
      %dma_wait3A_246 = arith.constant 0 : i32
      %dma_wait3A_247 = tpu.memref_slice %arg2[%dma_wait3A_245, %dma_wait3A_246] : memref<10000x256xf32, #tpu.memory_space<hbm>> -> memref<10000x256xf32, #tpu.memory_space<hbm>>
      tpu.wait_indirect_dma semaphore(%arg22 : memref<!tpu.dma_semaphore, #tpu.memory_space<semaphore_mem>>) src(%dma_wait3A_247 : memref<10000x256xf32, #tpu.memory_space<hbm>>) dst(%arg11 : memref<96x256xf32, #tpu.memory_space<vmem>>)
      %dma_wait3A_248 = arith.constant 0 : i32
      %dma_wait3A_249 = arith.constant 0 : i32
      %dma_wait3A_250 = tpu.memref_slice %arg2[%dma_wait3A_248, %dma_wait3A_249] : memref<10000x256xf32, #tpu.memory_space<hbm>> -> memref<10000x256xf32, #tpu.memory_space<hbm>>
      tpu.wait_indirect_dma semaphore(%arg23 : memref<!tpu.dma_semaphore, #tpu.memory_space<semaphore_mem>>) src(%dma_wait3A_250 : memref<10000x256xf32, #tpu.memory_space<hbm>>) dst(%arg12 : memref<96x256xf32, #tpu.memory_space<vmem>>)
      %iota3A_251 = tpu.iota {dimensions = array<i32: 0>} : vector<16xi32>
      %xor3A_252 = arith.constant 1 : i32
      %xor3A_253 = vector.broadcast %xor3A_252 : i32 to vector<16xi32>
      %xor3A_254 = arith.xori %iota3A_251, %xor3A_253 : vector<16xi32>
      %xor3A_255 = arith.constant 2 : i32
      %xor3A_256 = vector.broadcast %xor3A_255 : i32 to vector<16xi32>
      %xor3A_257 = arith.xori %iota3A_251, %xor3A_256 : vector<16xi32>
      %xor3A_258 = arith.constant 4 : i32
      %xor3A_259 = vector.broadcast %xor3A_258 : i32 to vector<16xi32>
      %xor3A_260 = arith.xori %iota3A_251, %xor3A_259 : vector<16xi32>
      %xor3A_261 = arith.constant 8 : i32
      %xor3A_262 = vector.broadcast %xor3A_261 : i32 to vector<16xi32>
      %xor3A_263 = arith.xori %iota3A_251, %xor3A_262 : vector<16xi32>
      %and3A_264 = arith.constant 1 : i32
      %and3A_265 = vector.broadcast %and3A_264 : i32 to vector<16xi32>
      %and3A_266 = arith.andi %iota3A_251, %and3A_265 : vector<16xi32>
      %eq3A_267 = arith.constant 0 : i32
      %eq3A_268 = vector.broadcast %eq3A_267 : i32 to vector<16xi32>
      %eq3A_269 = arith.cmpi eq, %and3A_266, %eq3A_268 : vector<16xi32>
      %parallel_loop3A_270 = arith.constant 0 : i32
      %parallel_loop3A_271 = arith.constant 48 : i32
      %parallel_loop3A_272 = arith.constant 1 : i32
      scf.for %parallel_loop3A_273 = %parallel_loop3A_270 to %parallel_loop3A_271 step %parallel_loop3A_272  : i32 {
        %parallel_loop3A_274 = arith.constant 2 : i32
        %parallel_loop3A_275 = arith.muli %parallel_loop3A_273, %parallel_loop3A_274 : i32
        %parallel_loop3A_276 = arith.constant 0 : i32
        %parallel_loop3A_277 = arith.addi %parallel_loop3A_275, %parallel_loop3A_276 : i32
        %parallel_loop3A_278 = arith.index_cast %parallel_loop3A_277 : i32 to index
        %parallel_loop3A_279 = arith.constant 0 : index
        %parallel_loop3A_280 = tpu.vector_load %arg11[%parallel_loop3A_278, %parallel_loop3A_279] {strides = array<i32>} : memref<96x256xf32, #tpu.memory_space<vmem>>, vector<1x16xf32>,
        %parallel_loop3A_281 = vector.shape_cast %parallel_loop3A_280 : vector<1x16xf32> to vector<16xf32>
        %parallel_loop3A_282 = arith.index_cast %parallel_loop3A_277 : i32 to index
        %parallel_loop3A_283 = arith.constant 0 : index
        %parallel_loop3A_284 = tpu.vector_load %arg12[%parallel_loop3A_282, %parallel_loop3A_283] {strides = array<i32>} : memref<96x256xf32, #tpu.memory_space<vmem>>, vector<1x16xf32>,
        %parallel_loop3A_285 = vector.shape_cast %parallel_loop3A_284 : vector<1x16xf32> to vector<16xf32>
        %parallel_loop3A_286 = arith.mulf %parallel_loop3A_281, %parallel_loop3A_285 : vector<16xf32>
        %parallel_loop3A_287 = arith.index_cast %parallel_loop3A_277 : i32 to index
        %parallel_loop3A_288 = arith.constant 16 : index
        %parallel_loop3A_289 = tpu.vector_load %arg11[%parallel_loop3A_287, %parallel_loop3A_288] {strides = array<i32>} : memref<96x256xf32, #tpu.memory_space<vmem>>, vector<1x16xf32>,
        %parallel_loop3A_290 = vector.shape_cast %parallel_loop3A_289 : vector<1x16xf32> to vector<16xf32>
        %parallel_loop3A_291 = arith.index_cast %parallel_loop3A_277 : i32 to index
        %parallel_loop3A_292 = arith.constant 16 : index
        %parallel_loop3A_293 = tpu.vector_load %arg12[%parallel_loop3A_291, %parallel_loop3A_292] {strides = array<i32>} : memref<96x256xf32, #tpu.memory_space<vmem>>, vector<1x16xf32>,
        %parallel_loop3A_294 = vector.shape_cast %parallel_loop3A_293 : vector<1x16xf32> to vector<16xf32>
        %parallel_loop3A_295 = arith.mulf %parallel_loop3A_290, %parallel_loop3A_294 : vector<16xf32>
        %parallel_loop3A_296 = arith.addf %parallel_loop3A_286, %parallel_loop3A_295 : vector<16xf32>
        %parallel_loop3A_297 = arith.index_cast %parallel_loop3A_277 : i32 to index
        %parallel_loop3A_298 = arith.constant 32 : index
        %parallel_loop3A_299 = tpu.vector_load %arg11[%parallel_loop3A_297, %parallel_loop3A_298] {strides = array<i32>} : memref<96x256xf32, #tpu.memory_space<vmem>>, vector<1x16xf32>,
        %parallel_loop3A_300 = vector.shape_cast %parallel_loop3A_299 : vector<1x16xf32> to vector<16xf32>
        %parallel_loop3A_301 = arith.index_cast %parallel_loop3A_277 : i32 to index
        %parallel_loop3A_302 = arith.constant 32 : index
        %parallel_loop3A_303 = tpu.vector_load %arg12[%parallel_loop3A_301, %parallel_loop3A_302] {strides = array<i32>} : memref<96x256xf32, #tpu.memory_space<vmem>>, vector<1x16xf32>,
        %parallel_loop3A_304 = vector.shape_cast %parallel_loop3A_303 : vector<1x16xf32> to vector<16xf32>
        %parallel_loop3A_305 = arith.mulf %parallel_loop3A_300, %parallel_loop3A_304 : vector<16xf32>
        %parallel_loop3A_306 = arith.addf %parallel_loop3A_296, %parallel_loop3A_305 : vector<16xf32>
        %parallel_loop3A_307 = arith.index_cast %parallel_loop3A_277 : i32 to index
        %parallel_loop3A_308 = arith.constant 48 : index
        %parallel_loop3A_309 = tpu.vector_load %arg11[%parallel_loop3A_307, %parallel_loop3A_308] {strides = array<i32>} : memref<96x256xf32, #tpu.memory_space<vmem>>, vector<1x16xf32>,
        %parallel_loop3A_310 = vector.shape_cast %parallel_loop3A_309 : vector<1x16xf32> to vector<16xf32>
        %parallel_loop3A_311 = arith.index_cast %parallel_loop3A_277 : i32 to index
        %parallel_loop3A_312 = arith.constant 48 : index
        %parallel_loop3A_313 = tpu.vector_load %arg12[%parallel_loop3A_311, %parallel_loop3A_312] {strides = array<i32>} : memref<96x256xf32, #tpu.memory_space<vmem>>, vector<1x16xf32>,
        %parallel_loop3A_314 = vector.shape_cast %parallel_loop3A_313 : vector<1x16xf32> to vector<16xf32>
        %parallel_loop3A_315 = arith.mulf %parallel_loop3A_310, %parallel_loop3A_314 : vector<16xf32>
        %parallel_loop3A_316 = arith.addf %parallel_loop3A_306, %parallel_loop3A_315 : vector<16xf32>
        %parallel_loop3A_317 = arith.index_cast %parallel_loop3A_277 : i32 to index
        %parallel_loop3A_318 = arith.constant 64 : index
        %parallel_loop3A_319 = tpu.vector_load %arg11[%parallel_loop3A_317, %parallel_loop3A_318] {strides = array<i32>} : memref<96x256xf32, #tpu.memory_space<vmem>>, vector<1x16xf32>,
        %parallel_loop3A_320 = vector.shape_cast %parallel_loop3A_319 : vector<1x16xf32> to vector<16xf32>
        %parallel_loop3A_321 = arith.index_cast %parallel_loop3A_277 : i32 to index
        %parallel_loop3A_322 = arith.constant 64 : index
        %parallel_loop3A_323 = tpu.vector_load %arg12[%parallel_loop3A_321, %parallel_loop3A_322] {strides = array<i32>} : memref<96x256xf32, #tpu.memory_space<vmem>>, vector<1x16xf32>,
        %parallel_loop3A_324 = vector.shape_cast %parallel_loop3A_323 : vector<1x16xf32> to vector<16xf32>
        %parallel_loop3A_325 = arith.mulf %parallel_loop3A_320, %parallel_loop3A_324 : vector<16xf32>
        %parallel_loop3A_326 = arith.addf %parallel_loop3A_316, %parallel_loop3A_325 : vector<16xf32>
        %parallel_loop3A_327 = arith.index_cast %parallel_loop3A_277 : i32 to index
        %parallel_loop3A_328 = arith.constant 80 : index
        %parallel_loop3A_329 = tpu.vector_load %arg11[%parallel_loop3A_327, %parallel_loop3A_328] {strides = array<i32>} : memref<96x256xf32, #tpu.memory_space<vmem>>, vector<1x16xf32>,
        %parallel_loop3A_330 = vector.shape_cast %parallel_loop3A_329 : vector<1x16xf32> to vector<16xf32>
        %parallel_loop3A_331 = arith.index_cast %parallel_loop3A_277 : i32 to index
        %parallel_loop3A_332 = arith.constant 80 : index
        %parallel_loop3A_333 = tpu.vector_load %arg12[%parallel_loop3A_331, %parallel_loop3A_332] {strides = array<i32>} : memref<96x256xf32, #tpu.memory_space<vmem>>, vector<1x16xf32>,
        %parallel_loop3A_334 = vector.shape_cast %parallel_loop3A_333 : vector<1x16xf32> to vector<16xf32>
        %parallel_loop3A_335 = arith.mulf %parallel_loop3A_330, %parallel_loop3A_334 : vector<16xf32>
        %parallel_loop3A_336 = arith.addf %parallel_loop3A_326, %parallel_loop3A_335 : vector<16xf32>
        %parallel_loop3A_337 = arith.index_cast %parallel_loop3A_277 : i32 to index
        %parallel_loop3A_338 = arith.constant 96 : index
        %parallel_loop3A_339 = tpu.vector_load %arg11[%parallel_loop3A_337, %parallel_loop3A_338] {strides = array<i32>} : memref<96x256xf32, #tpu.memory_space<vmem>>, vector<1x16xf32>,
        %parallel_loop3A_340 = vector.shape_cast %parallel_loop3A_339 : vector<1x16xf32> to vector<16xf32>
        %parallel_loop3A_341 = arith.index_cast %parallel_loop3A_277 : i32 to index
        %parallel_loop3A_342 = arith.constant 96 : index
        %parallel_loop3A_343 = tpu.vector_load %arg12[%parallel_loop3A_341, %parallel_loop3A_342] {strides = array<i32>} : memref<96x256xf32, #tpu.memory_space<vmem>>, vector<1x16xf32>,
        %parallel_loop3A_344 = vector.shape_cast %parallel_loop3A_343 : vector<1x16xf32> to vector<16xf32>
        %parallel_loop3A_345 = arith.mulf %parallel_loop3A_340, %parallel_loop3A_344 : vector<16xf32>
        %parallel_loop3A_346 = arith.addf %parallel_loop3A_336, %parallel_loop3A_345 : vector<16xf32>
        %parallel_loop3A_347 = arith.index_cast %parallel_loop3A_277 : i32 to index
        %parallel_loop3A_348 = arith.constant 112 : index
        %parallel_loop3A_349 = tpu.vector_load %arg11[%parallel_loop3A_347, %parallel_loop3A_348] {strides = array<i32>} : memref<96x256xf32, #tpu.memory_space<vmem>>, vector<1x16xf32>,
        %parallel_loop3A_350 = vector.shape_cast %parallel_loop3A_349 : vector<1x16xf32> to vector<16xf32>
        %parallel_loop3A_351 = arith.index_cast %parallel_loop3A_277 : i32 to index
        %parallel_loop3A_352 = arith.constant 112 : index
        %parallel_loop3A_353 = tpu.vector_load %arg12[%parallel_loop3A_351, %parallel_loop3A_352] {strides = array<i32>} : memref<96x256xf32, #tpu.memory_space<vmem>>, vector<1x16xf32>,
        %parallel_loop3A_354 = vector.shape_cast %parallel_loop3A_353 : vector<1x16xf32> to vector<16xf32>
        %parallel_loop3A_355 = arith.mulf %parallel_loop3A_350, %parallel_loop3A_354 : vector<16xf32>
        %parallel_loop3A_356 = arith.addf %parallel_loop3A_346, %parallel_loop3A_355 : vector<16xf32>
        %parallel_loop3A_357 = arith.index_cast %parallel_loop3A_277 : i32 to index
        %parallel_loop3A_358 = arith.constant 128 : index
        %parallel_loop3A_359 = tpu.vector_load %arg11[%parallel_loop3A_357, %parallel_loop3A_358] {strides = array<i32>} : memref<96x256xf32, #tpu.memory_space<vmem>>, vector<1x16xf32>,
        %parallel_loop3A_360 = vector.shape_cast %parallel_loop3A_359 : vector<1x16xf32> to vector<16xf32>
        %parallel_loop3A_361 = arith.index_cast %parallel_loop3A_277 : i32 to index
        %parallel_loop3A_362 = arith.constant 128 : index
        %parallel_loop3A_363 = tpu.vector_load %arg12[%parallel_loop3A_361, %parallel_loop3A_362] {strides = array<i32>} : memref<96x256xf32, #tpu.memory_space<vmem>>, vector<1x16xf32>,
        %parallel_loop3A_364 = vector.shape_cast %parallel_loop3A_363 : vector<1x16xf32> to vector<16xf32>
        %parallel_loop3A_365 = arith.mulf %parallel_loop3A_360, %parallel_loop3A_364 : vector<16xf32>
        %parallel_loop3A_366 = arith.addf %parallel_loop3A_356, %parallel_loop3A_365 : vector<16xf32>
        %parallel_loop3A_367 = arith.index_cast %parallel_loop3A_277 : i32 to index
        %parallel_loop3A_368 = arith.constant 144 : index
        %parallel_loop3A_369 = tpu.vector_load %arg11[%parallel_loop3A_367, %parallel_loop3A_368] {strides = array<i32>} : memref<96x256xf32, #tpu.memory_space<vmem>>, vector<1x16xf32>,
        %parallel_loop3A_370 = vector.shape_cast %parallel_loop3A_369 : vector<1x16xf32> to vector<16xf32>
        %parallel_loop3A_371 = arith.index_cast %parallel_loop3A_277 : i32 to index
        %parallel_loop3A_372 = arith.constant 144 : index
        %parallel_loop3A_373 = tpu.vector_load %arg12[%parallel_loop3A_371, %parallel_loop3A_372] {strides = array<i32>} : memref<96x256xf32, #tpu.memory_space<vmem>>, vector<1x16xf32>,
        %parallel_loop3A_374 = vector.shape_cast %parallel_loop3A_373 : vector<1x16xf32> to vector<16xf32>
        %parallel_loop3A_375 = arith.mulf %parallel_loop3A_370, %parallel_loop3A_374 : vector<16xf32>
        %parallel_loop3A_376 = arith.addf %parallel_loop3A_366, %parallel_loop3A_375 : vector<16xf32>
        %parallel_loop3A_377 = arith.index_cast %parallel_loop3A_277 : i32 to index
        %parallel_loop3A_378 = arith.constant 160 : index
        %parallel_loop3A_379 = tpu.vector_load %arg11[%parallel_loop3A_377, %parallel_loop3A_378] {strides = array<i32>} : memref<96x256xf32, #tpu.memory_space<vmem>>, vector<1x16xf32>,
        %parallel_loop3A_380 = vector.shape_cast %parallel_loop3A_379 : vector<1x16xf32> to vector<16xf32>
        %parallel_loop3A_381 = arith.index_cast %parallel_loop3A_277 : i32 to index
        %parallel_loop3A_382 = arith.constant 160 : index
        %parallel_loop3A_383 = tpu.vector_load %arg12[%parallel_loop3A_381, %parallel_loop3A_382] {strides = array<i32>} : memref<96x256xf32, #tpu.memory_space<vmem>>, vector<1x16xf32>,
        %parallel_loop3A_384 = vector.shape_cast %parallel_loop3A_383 : vector<1x16xf32> to vector<16xf32>
        %parallel_loop3A_385 = arith.mulf %parallel_loop3A_380, %parallel_loop3A_384 : vector<16xf32>
        %parallel_loop3A_386 = arith.addf %parallel_loop3A_376, %parallel_loop3A_385 : vector<16xf32>
        %parallel_loop3A_387 = arith.index_cast %parallel_loop3A_277 : i32 to index
        %parallel_loop3A_388 = arith.constant 176 : index
        %parallel_loop3A_389 = tpu.vector_load %arg11[%parallel_loop3A_387, %parallel_loop3A_388] {strides = array<i32>} : memref<96x256xf32, #tpu.memory_space<vmem>>, vector<1x16xf32>,
        %parallel_loop3A_390 = vector.shape_cast %parallel_loop3A_389 : vector<1x16xf32> to vector<16xf32>
        %parallel_loop3A_391 = arith.index_cast %parallel_loop3A_277 : i32 to index
        %parallel_loop3A_392 = arith.constant 176 : index
        %parallel_loop3A_393 = tpu.vector_load %arg12[%parallel_loop3A_391, %parallel_loop3A_392] {strides = array<i32>} : memref<96x256xf32, #tpu.memory_space<vmem>>, vector<1x16xf32>,
        %parallel_loop3A_394 = vector.shape_cast %parallel_loop3A_393 : vector<1x16xf32> to vector<16xf32>
        %parallel_loop3A_395 = arith.mulf %parallel_loop3A_390, %parallel_loop3A_394 : vector<16xf32>
        %parallel_loop3A_396 = arith.addf %parallel_loop3A_386, %parallel_loop3A_395 : vector<16xf32>
        %parallel_loop3A_397 = arith.index_cast %parallel_loop3A_277 : i32 to index
        %parallel_loop3A_398 = arith.constant 192 : index
        %parallel_loop3A_399 = tpu.vector_load %arg11[%parallel_loop3A_397, %parallel_loop3A_398] {strides = array<i32>} : memref<96x256xf32, #tpu.memory_space<vmem>>, vector<1x16xf32>,
        %parallel_loop3A_400 = vector.shape_cast %parallel_loop3A_399 : vector<1x16xf32> to vector<16xf32>
        %parallel_loop3A_401 = arith.index_cast %parallel_loop3A_277 : i32 to index
        %parallel_loop3A_402 = arith.constant 192 : index
        %parallel_loop3A_403 = tpu.vector_load %arg12[%parallel_loop3A_401, %parallel_loop3A_402] {strides = array<i32>} : memref<96x256xf32, #tpu.memory_space<vmem>>, vector<1x16xf32>,
        %parallel_loop3A_404 = vector.shape_cast %parallel_loop3A_403 : vector<1x16xf32> to vector<16xf32>
        %parallel_loop3A_405 = arith.mulf %parallel_loop3A_400, %parallel_loop3A_404 : vector<16xf32>
        %parallel_loop3A_406 = arith.addf %parallel_loop3A_396, %parallel_loop3A_405 : vector<16xf32>
        %parallel_loop3A_407 = arith.index_cast %parallel_loop3A_277 : i32 to index
        %parallel_loop3A_408 = arith.constant 208 : index
        %parallel_loop3A_409 = tpu.vector_load %arg11[%parallel_loop3A_407, %parallel_loop3A_408] {strides = array<i32>} : memref<96x256xf32, #tpu.memory_space<vmem>>, vector<1x16xf32>,
        %parallel_loop3A_410 = vector.shape_cast %parallel_loop3A_409 : vector<1x16xf32> to vector<16xf32>
        %parallel_loop3A_411 = arith.index_cast %parallel_loop3A_277 : i32 to index
        %parallel_loop3A_412 = arith.constant 208 : index
        %parallel_loop3A_413 = tpu.vector_load %arg12[%parallel_loop3A_411, %parallel_loop3A_412] {strides = array<i32>} : memref<96x256xf32, #tpu.memory_space<vmem>>, vector<1x16xf32>,
        %parallel_loop3A_414 = vector.shape_cast %parallel_loop3A_413 : vector<1x16xf32> to vector<16xf32>
        %parallel_loop3A_415 = arith.mulf %parallel_loop3A_410, %parallel_loop3A_414 : vector<16xf32>
        %parallel_loop3A_416 = arith.addf %parallel_loop3A_406, %parallel_loop3A_415 : vector<16xf32>
        %parallel_loop3A_417 = arith.index_cast %parallel_loop3A_277 : i32 to index
        %parallel_loop3A_418 = arith.constant 224 : index
        %parallel_loop3A_419 = tpu.vector_load %arg11[%parallel_loop3A_417, %parallel_loop3A_418] {strides = array<i32>} : memref<96x256xf32, #tpu.memory_space<vmem>>, vector<1x16xf32>,
        %parallel_loop3A_420 = vector.shape_cast %parallel_loop3A_419 : vector<1x16xf32> to vector<16xf32>
        %parallel_loop3A_421 = arith.index_cast %parallel_loop3A_277 : i32 to index
        %parallel_loop3A_422 = arith.constant 224 : index
        %parallel_loop3A_423 = tpu.vector_load %arg12[%parallel_loop3A_421, %parallel_loop3A_422] {strides = array<i32>} : memref<96x256xf32, #tpu.memory_space<vmem>>, vector<1x16xf32>,
        %parallel_loop3A_424 = vector.shape_cast %parallel_loop3A_423 : vector<1x16xf32> to vector<16xf32>
        %parallel_loop3A_425 = arith.mulf %parallel_loop3A_420, %parallel_loop3A_424 : vector<16xf32>
        %parallel_loop3A_426 = arith.addf %parallel_loop3A_416, %parallel_loop3A_425 : vector<16xf32>
        %parallel_loop3A_427 = arith.index_cast %parallel_loop3A_277 : i32 to index
        %parallel_loop3A_428 = arith.constant 240 : index
        %parallel_loop3A_429 = tpu.vector_load %arg11[%parallel_loop3A_427, %parallel_loop3A_428] {strides = array<i32>} : memref<96x256xf32, #tpu.memory_space<vmem>>, vector<1x16xf32>,
        %parallel_loop3A_430 = vector.shape_cast %parallel_loop3A_429 : vector<1x16xf32> to vector<16xf32>
        %parallel_loop3A_431 = arith.index_cast %parallel_loop3A_277 : i32 to index
        %parallel_loop3A_432 = arith.constant 240 : index
        %parallel_loop3A_433 = tpu.vector_load %arg12[%parallel_loop3A_431, %parallel_loop3A_432] {strides = array<i32>} : memref<96x256xf32, #tpu.memory_space<vmem>>, vector<1x16xf32>,
        %parallel_loop3A_434 = vector.shape_cast %parallel_loop3A_433 : vector<1x16xf32> to vector<16xf32>
        %parallel_loop3A_435 = arith.mulf %parallel_loop3A_430, %parallel_loop3A_434 : vector<16xf32>
        %parallel_loop3A_436 = arith.addf %parallel_loop3A_426, %parallel_loop3A_435 : vector<16xf32>
        %parallel_loop3A_437 = arith.constant 1 : i32
        %parallel_loop3A_438 = arith.addi %parallel_loop3A_275, %parallel_loop3A_437 : i32
        %parallel_loop3A_439 = arith.index_cast %parallel_loop3A_438 : i32 to index
        %parallel_loop3A_440 = arith.constant 0 : index
        %parallel_loop3A_441 = tpu.vector_load %arg11[%parallel_loop3A_439, %parallel_loop3A_440] {strides = array<i32>} : memref<96x256xf32, #tpu.memory_space<vmem>>, vector<1x16xf32>,
        %parallel_loop3A_442 = vector.shape_cast %parallel_loop3A_441 : vector<1x16xf32> to vector<16xf32>
        %parallel_loop3A_443 = arith.index_cast %parallel_loop3A_438 : i32 to index
        %parallel_loop3A_444 = arith.constant 0 : index
        %parallel_loop3A_445 = tpu.vector_load %arg12[%parallel_loop3A_443, %parallel_loop3A_444] {strides = array<i32>} : memref<96x256xf32, #tpu.memory_space<vmem>>, vector<1x16xf32>,
        %parallel_loop3A_446 = vector.shape_cast %parallel_loop3A_445 : vector<1x16xf32> to vector<16xf32>
        %parallel_loop3A_447 = arith.mulf %parallel_loop3A_442, %parallel_loop3A_446 : vector<16xf32>
        %parallel_loop3A_448 = arith.index_cast %parallel_loop3A_438 : i32 to index
        %parallel_loop3A_449 = arith.constant 16 : index
        %parallel_loop3A_450 = tpu.vector_load %arg11[%parallel_loop3A_448, %parallel_loop3A_449] {strides = array<i32>} : memref<96x256xf32, #tpu.memory_space<vmem>>, vector<1x16xf32>,
        %parallel_loop3A_451 = vector.shape_cast %parallel_loop3A_450 : vector<1x16xf32> to vector<16xf32>
        %parallel_loop3A_452 = arith.index_cast %parallel_loop3A_438 : i32 to index
        %parallel_loop3A_453 = arith.constant 16 : index
        %parallel_loop3A_454 = tpu.vector_load %arg12[%parallel_loop3A_452, %parallel_loop3A_453] {strides = array<i32>} : memref<96x256xf32, #tpu.memory_space<vmem>>, vector<1x16xf32>,
        %parallel_loop3A_455 = vector.shape_cast %parallel_loop3A_454 : vector<1x16xf32> to vector<16xf32>
        %parallel_loop3A_456 = arith.mulf %parallel_loop3A_451, %parallel_loop3A_455 : vector<16xf32>
        %parallel_loop3A_457 = arith.addf %parallel_loop3A_447, %parallel_loop3A_456 : vector<16xf32>
        %parallel_loop3A_458 = arith.index_cast %parallel_loop3A_438 : i32 to index
        %parallel_loop3A_459 = arith.constant 32 : index
        %parallel_loop3A_460 = tpu.vector_load %arg11[%parallel_loop3A_458, %parallel_loop3A_459] {strides = array<i32>} : memref<96x256xf32, #tpu.memory_space<vmem>>, vector<1x16xf32>,
        %parallel_loop3A_461 = vector.shape_cast %parallel_loop3A_460 : vector<1x16xf32> to vector<16xf32>
        %parallel_loop3A_462 = arith.index_cast %parallel_loop3A_438 : i32 to index
        %parallel_loop3A_463 = arith.constant 32 : index
        %parallel_loop3A_464 = tpu.vector_load %arg12[%parallel_loop3A_462, %parallel_loop3A_463] {strides = array<i32>} : memref<96x256xf32, #tpu.memory_space<vmem>>, vector<1x16xf32>,
        %parallel_loop3A_465 = vector.shape_cast %parallel_loop3A_464 : vector<1x16xf32> to vector<16xf32>
        %parallel_loop3A_466 = arith.mulf %parallel_loop3A_461, %parallel_loop3A_465 : vector<16xf32>
        %parallel_loop3A_467 = arith.addf %parallel_loop3A_457, %parallel_loop3A_466 : vector<16xf32>
        %parallel_loop3A_468 = arith.index_cast %parallel_loop3A_438 : i32 to index
        %parallel_loop3A_469 = arith.constant 48 : index
        %parallel_loop3A_470 = tpu.vector_load %arg11[%parallel_loop3A_468, %parallel_loop3A_469] {strides = array<i32>} : memref<96x256xf32, #tpu.memory_space<vmem>>, vector<1x16xf32>,
        %parallel_loop3A_471 = vector.shape_cast %parallel_loop3A_470 : vector<1x16xf32> to vector<16xf32>
        %parallel_loop3A_472 = arith.index_cast %parallel_loop3A_438 : i32 to index
        %parallel_loop3A_473 = arith.constant 48 : index
        %parallel_loop3A_474 = tpu.vector_load %arg12[%parallel_loop3A_472, %parallel_loop3A_473] {strides = array<i32>} : memref<96x256xf32, #tpu.memory_space<vmem>>, vector<1x16xf32>,
        %parallel_loop3A_475 = vector.shape_cast %parallel_loop3A_474 : vector<1x16xf32> to vector<16xf32>
        %parallel_loop3A_476 = arith.mulf %parallel_loop3A_471, %parallel_loop3A_475 : vector<16xf32>
        %parallel_loop3A_477 = arith.addf %parallel_loop3A_467, %parallel_loop3A_476 : vector<16xf32>
        %parallel_loop3A_478 = arith.index_cast %parallel_loop3A_438 : i32 to index
        %parallel_loop3A_479 = arith.constant 64 : index
        %parallel_loop3A_480 = tpu.vector_load %arg11[%parallel_loop3A_478, %parallel_loop3A_479] {strides = array<i32>} : memref<96x256xf32, #tpu.memory_space<vmem>>, vector<1x16xf32>,
        %parallel_loop3A_481 = vector.shape_cast %parallel_loop3A_480 : vector<1x16xf32> to vector<16xf32>
        %parallel_loop3A_482 = arith.index_cast %parallel_loop3A_438 : i32 to index
        %parallel_loop3A_483 = arith.constant 64 : index
        %parallel_loop3A_484 = tpu.vector_load %arg12[%parallel_loop3A_482, %parallel_loop3A_483] {strides = array<i32>} : memref<96x256xf32, #tpu.memory_space<vmem>>, vector<1x16xf32>,
        %parallel_loop3A_485 = vector.shape_cast %parallel_loop3A_484 : vector<1x16xf32> to vector<16xf32>
        %parallel_loop3A_486 = arith.mulf %parallel_loop3A_481, %parallel_loop3A_485 : vector<16xf32>
        %parallel_loop3A_487 = arith.addf %parallel_loop3A_477, %parallel_loop3A_486 : vector<16xf32>
        %parallel_loop3A_488 = arith.index_cast %parallel_loop3A_438 : i32 to index
        %parallel_loop3A_489 = arith.constant 80 : index
        %parallel_loop3A_490 = tpu.vector_load %arg11[%parallel_loop3A_488, %parallel_loop3A_489] {strides = array<i32>} : memref<96x256xf32, #tpu.memory_space<vmem>>, vector<1x16xf32>,
        %parallel_loop3A_491 = vector.shape_cast %parallel_loop3A_490 : vector<1x16xf32> to vector<16xf32>
        %parallel_loop3A_492 = arith.index_cast %parallel_loop3A_438 : i32 to index
        %parallel_loop3A_493 = arith.constant 80 : index
        %parallel_loop3A_494 = tpu.vector_load %arg12[%parallel_loop3A_492, %parallel_loop3A_493] {strides = array<i32>} : memref<96x256xf32, #tpu.memory_space<vmem>>, vector<1x16xf32>,
        %parallel_loop3A_495 = vector.shape_cast %parallel_loop3A_494 : vector<1x16xf32> to vector<16xf32>
        %parallel_loop3A_496 = arith.mulf %parallel_loop3A_491, %parallel_loop3A_495 : vector<16xf32>
        %parallel_loop3A_497 = arith.addf %parallel_loop3A_487, %parallel_loop3A_496 : vector<16xf32>
        %parallel_loop3A_498 = arith.index_cast %parallel_loop3A_438 : i32 to index
        %parallel_loop3A_499 = arith.constant 96 : index
        %parallel_loop3A_500 = tpu.vector_load %arg11[%parallel_loop3A_498, %parallel_loop3A_499] {strides = array<i32>} : memref<96x256xf32, #tpu.memory_space<vmem>>, vector<1x16xf32>,
        %parallel_loop3A_501 = vector.shape_cast %parallel_loop3A_500 : vector<1x16xf32> to vector<16xf32>
        %parallel_loop3A_502 = arith.index_cast %parallel_loop3A_438 : i32 to index
        %parallel_loop3A_503 = arith.constant 96 : index
        %parallel_loop3A_504 = tpu.vector_load %arg12[%parallel_loop3A_502, %parallel_loop3A_503] {strides = array<i32>} : memref<96x256xf32, #tpu.memory_space<vmem>>, vector<1x16xf32>,
        %parallel_loop3A_505 = vector.shape_cast %parallel_loop3A_504 : vector<1x16xf32> to vector<16xf32>
        %parallel_loop3A_506 = arith.mulf %parallel_loop3A_501, %parallel_loop3A_505 : vector<16xf32>
        %parallel_loop3A_507 = arith.addf %parallel_loop3A_497, %parallel_loop3A_506 : vector<16xf32>
        %parallel_loop3A_508 = arith.index_cast %parallel_loop3A_438 : i32 to index
        %parallel_loop3A_509 = arith.constant 112 : index
        %parallel_loop3A_510 = tpu.vector_load %arg11[%parallel_loop3A_508, %parallel_loop3A_509] {strides = array<i32>} : memref<96x256xf32, #tpu.memory_space<vmem>>, vector<1x16xf32>,
        %parallel_loop3A_511 = vector.shape_cast %parallel_loop3A_510 : vector<1x16xf32> to vector<16xf32>
        %parallel_loop3A_512 = arith.index_cast %parallel_loop3A_438 : i32 to index
        %parallel_loop3A_513 = arith.constant 112 : index
        %parallel_loop3A_514 = tpu.vector_load %arg12[%parallel_loop3A_512, %parallel_loop3A_513] {strides = array<i32>} : memref<96x256xf32, #tpu.memory_space<vmem>>, vector<1x16xf32>,
        %parallel_loop3A_515 = vector.shape_cast %parallel_loop3A_514 : vector<1x16xf32> to vector<16xf32>
        %parallel_loop3A_516 = arith.mulf %parallel_loop3A_511, %parallel_loop3A_515 : vector<16xf32>
        %parallel_loop3A_517 = arith.addf %parallel_loop3A_507, %parallel_loop3A_516 : vector<16xf32>
        %parallel_loop3A_518 = arith.index_cast %parallel_loop3A_438 : i32 to index
        %parallel_loop3A_519 = arith.constant 128 : index
        %parallel_loop3A_520 = tpu.vector_load %arg11[%parallel_loop3A_518, %parallel_loop3A_519] {strides = array<i32>} : memref<96x256xf32, #tpu.memory_space<vmem>>, vector<1x16xf32>,
        %parallel_loop3A_521 = vector.shape_cast %parallel_loop3A_520 : vector<1x16xf32> to vector<16xf32>
        %parallel_loop3A_522 = arith.index_cast %parallel_loop3A_438 : i32 to index
        %parallel_loop3A_523 = arith.constant 128 : index
        %parallel_loop3A_524 = tpu.vector_load %arg12[%parallel_loop3A_522, %parallel_loop3A_523] {strides = array<i32>} : memref<96x256xf32, #tpu.memory_space<vmem>>, vector<1x16xf32>,
        %parallel_loop3A_525 = vector.shape_cast %parallel_loop3A_524 : vector<1x16xf32> to vector<16xf32>
        %parallel_loop3A_526 = arith.mulf %parallel_loop3A_521, %parallel_loop3A_525 : vector<16xf32>
        %parallel_loop3A_527 = arith.addf %parallel_loop3A_517, %parallel_loop3A_526 : vector<16xf32>
        %parallel_loop3A_528 = arith.index_cast %parallel_loop3A_438 : i32 to index
        %parallel_loop3A_529 = arith.constant 144 : index
        %parallel_loop3A_530 = tpu.vector_load %arg11[%parallel_loop3A_528, %parallel_loop3A_529] {strides = array<i32>} : memref<96x256xf32, #tpu.memory_space<vmem>>, vector<1x16xf32>,
        %parallel_loop3A_531 = vector.shape_cast %parallel_loop3A_530 : vector<1x16xf32> to vector<16xf32>
        %parallel_loop3A_532 = arith.index_cast %parallel_loop3A_438 : i32 to index
        %parallel_loop3A_533 = arith.constant 144 : index
        %parallel_loop3A_534 = tpu.vector_load %arg12[%parallel_loop3A_532, %parallel_loop3A_533] {strides = array<i32>} : memref<96x256xf32, #tpu.memory_space<vmem>>, vector<1x16xf32>,
        %parallel_loop3A_535 = vector.shape_cast %parallel_loop3A_534 : vector<1x16xf32> to vector<16xf32>
        %parallel_loop3A_536 = arith.mulf %parallel_loop3A_531, %parallel_loop3A_535 : vector<16xf32>
        %parallel_loop3A_537 = arith.addf %parallel_loop3A_527, %parallel_loop3A_536 : vector<16xf32>
        %parallel_loop3A_538 = arith.index_cast %parallel_loop3A_438 : i32 to index
        %parallel_loop3A_539 = arith.constant 160 : index
        %parallel_loop3A_540 = tpu.vector_load %arg11[%parallel_loop3A_538, %parallel_loop3A_539] {strides = array<i32>} : memref<96x256xf32, #tpu.memory_space<vmem>>, vector<1x16xf32>,
        %parallel_loop3A_541 = vector.shape_cast %parallel_loop3A_540 : vector<1x16xf32> to vector<16xf32>
        %parallel_loop3A_542 = arith.index_cast %parallel_loop3A_438 : i32 to index
        %parallel_loop3A_543 = arith.constant 160 : index
        %parallel_loop3A_544 = tpu.vector_load %arg12[%parallel_loop3A_542, %parallel_loop3A_543] {strides = array<i32>} : memref<96x256xf32, #tpu.memory_space<vmem>>, vector<1x16xf32>,
        %parallel_loop3A_545 = vector.shape_cast %parallel_loop3A_544 : vector<1x16xf32> to vector<16xf32>
        %parallel_loop3A_546 = arith.mulf %parallel_loop3A_541, %parallel_loop3A_545 : vector<16xf32>
        %parallel_loop3A_547 = arith.addf %parallel_loop3A_537, %parallel_loop3A_546 : vector<16xf32>
        %parallel_loop3A_548 = arith.index_cast %parallel_loop3A_438 : i32 to index
        %parallel_loop3A_549 = arith.constant 176 : index
        %parallel_loop3A_550 = tpu.vector_load %arg11[%parallel_loop3A_548, %parallel_loop3A_549] {strides = array<i32>} : memref<96x256xf32, #tpu.memory_space<vmem>>, vector<1x16xf32>,
        %parallel_loop3A_551 = vector.shape_cast %parallel_loop3A_550 : vector<1x16xf32> to vector<16xf32>
        %parallel_loop3A_552 = arith.index_cast %parallel_loop3A_438 : i32 to index
        %parallel_loop3A_553 = arith.constant 176 : index
        %parallel_loop3A_554 = tpu.vector_load %arg12[%parallel_loop3A_552, %parallel_loop3A_553] {strides = array<i32>} : memref<96x256xf32, #tpu.memory_space<vmem>>, vector<1x16xf32>,
        %parallel_loop3A_555 = vector.shape_cast %parallel_loop3A_554 : vector<1x16xf32> to vector<16xf32>
        %parallel_loop3A_556 = arith.mulf %parallel_loop3A_551, %parallel_loop3A_555 : vector<16xf32>
        %parallel_loop3A_557 = arith.addf %parallel_loop3A_547, %parallel_loop3A_556 : vector<16xf32>
        %parallel_loop3A_558 = arith.index_cast %parallel_loop3A_438 : i32 to index
        %parallel_loop3A_559 = arith.constant 192 : index
        %parallel_loop3A_560 = tpu.vector_load %arg11[%parallel_loop3A_558, %parallel_loop3A_559] {strides = array<i32>} : memref<96x256xf32, #tpu.memory_space<vmem>>, vector<1x16xf32>,
        %parallel_loop3A_561 = vector.shape_cast %parallel_loop3A_560 : vector<1x16xf32> to vector<16xf32>
        %parallel_loop3A_562 = arith.index_cast %parallel_loop3A_438 : i32 to index
        %parallel_loop3A_563 = arith.constant 192 : index
        %parallel_loop3A_564 = tpu.vector_load %arg12[%parallel_loop3A_562, %parallel_loop3A_563] {strides = array<i32>} : memref<96x256xf32, #tpu.memory_space<vmem>>, vector<1x16xf32>,
        %parallel_loop3A_565 = vector.shape_cast %parallel_loop3A_564 : vector<1x16xf32> to vector<16xf32>
        %parallel_loop3A_566 = arith.mulf %parallel_loop3A_561, %parallel_loop3A_565 : vector<16xf32>
        %parallel_loop3A_567 = arith.addf %parallel_loop3A_557, %parallel_loop3A_566 : vector<16xf32>
        %parallel_loop3A_568 = arith.index_cast %parallel_loop3A_438 : i32 to index
        %parallel_loop3A_569 = arith.constant 208 : index
        %parallel_loop3A_570 = tpu.vector_load %arg11[%parallel_loop3A_568, %parallel_loop3A_569] {strides = array<i32>} : memref<96x256xf32, #tpu.memory_space<vmem>>, vector<1x16xf32>,
        %parallel_loop3A_571 = vector.shape_cast %parallel_loop3A_570 : vector<1x16xf32> to vector<16xf32>
        %parallel_loop3A_572 = arith.index_cast %parallel_loop3A_438 : i32 to index
        %parallel_loop3A_573 = arith.constant 208 : index
        %parallel_loop3A_574 = tpu.vector_load %arg12[%parallel_loop3A_572, %parallel_loop3A_573] {strides = array<i32>} : memref<96x256xf32, #tpu.memory_space<vmem>>, vector<1x16xf32>,
        %parallel_loop3A_575 = vector.shape_cast %parallel_loop3A_574 : vector<1x16xf32> to vector<16xf32>
        %parallel_loop3A_576 = arith.mulf %parallel_loop3A_571, %parallel_loop3A_575 : vector<16xf32>
        %parallel_loop3A_577 = arith.addf %parallel_loop3A_567, %parallel_loop3A_576 : vector<16xf32>
        %parallel_loop3A_578 = arith.index_cast %parallel_loop3A_438 : i32 to index
        %parallel_loop3A_579 = arith.constant 224 : index
        %parallel_loop3A_580 = tpu.vector_load %arg11[%parallel_loop3A_578, %parallel_loop3A_579] {strides = array<i32>} : memref<96x256xf32, #tpu.memory_space<vmem>>, vector<1x16xf32>,
        %parallel_loop3A_581 = vector.shape_cast %parallel_loop3A_580 : vector<1x16xf32> to vector<16xf32>
        %parallel_loop3A_582 = arith.index_cast %parallel_loop3A_438 : i32 to index
        %parallel_loop3A_583 = arith.constant 224 : index
        %parallel_loop3A_584 = tpu.vector_load %arg12[%parallel_loop3A_582, %parallel_loop3A_583] {strides = array<i32>} : memref<96x256xf32, #tpu.memory_space<vmem>>, vector<1x16xf32>,
        %parallel_loop3A_585 = vector.shape_cast %parallel_loop3A_584 : vector<1x16xf32> to vector<16xf32>
        %parallel_loop3A_586 = arith.mulf %parallel_loop3A_581, %parallel_loop3A_585 : vector<16xf32>
        %parallel_loop3A_587 = arith.addf %parallel_loop3A_577, %parallel_loop3A_586 : vector<16xf32>
        %parallel_loop3A_588 = arith.index_cast %parallel_loop3A_438 : i32 to index
        %parallel_loop3A_589 = arith.constant 240 : index
        %parallel_loop3A_590 = tpu.vector_load %arg11[%parallel_loop3A_588, %parallel_loop3A_589] {strides = array<i32>} : memref<96x256xf32, #tpu.memory_space<vmem>>, vector<1x16xf32>,
        %parallel_loop3A_591 = vector.shape_cast %parallel_loop3A_590 : vector<1x16xf32> to vector<16xf32>
        %parallel_loop3A_592 = arith.index_cast %parallel_loop3A_438 : i32 to index
        %parallel_loop3A_593 = arith.constant 240 : index
        %parallel_loop3A_594 = tpu.vector_load %arg12[%parallel_loop3A_592, %parallel_loop3A_593] {strides = array<i32>} : memref<96x256xf32, #tpu.memory_space<vmem>>, vector<1x16xf32>,
        %parallel_loop3A_595 = vector.shape_cast %parallel_loop3A_594 : vector<1x16xf32> to vector<16xf32>
        %parallel_loop3A_596 = arith.mulf %parallel_loop3A_591, %parallel_loop3A_595 : vector<16xf32>
        %parallel_loop3A_597 = arith.addf %parallel_loop3A_587, %parallel_loop3A_596 : vector<16xf32>
        %parallel_loop3A_598 = vector.shape_cast %xor3A_254 : vector<16xi32> to vector<16x1xi32>
        %parallel_loop3A_599 = vector.shape_cast %parallel_loop3A_598 : vector<16x1xi32> to vector<16xi32>
        %parallel_loop3A_600 = tpu.dynamic_gather %parallel_loop3A_436[%parallel_loop3A_599] in [0] : vector<16xf32>, vector<16xi32> -> vector<16xf32>
        %parallel_loop3A_601 = arith.addf %parallel_loop3A_436, %parallel_loop3A_600 : vector<16xf32>
        %parallel_loop3A_602 = vector.shape_cast %xor3A_254 : vector<16xi32> to vector<16x1xi32>
        %parallel_loop3A_603 = vector.shape_cast %parallel_loop3A_602 : vector<16x1xi32> to vector<16xi32>
        %parallel_loop3A_604 = tpu.dynamic_gather %parallel_loop3A_597[%parallel_loop3A_603] in [0] : vector<16xf32>, vector<16xi32> -> vector<16xf32>
        %parallel_loop3A_605 = arith.addf %parallel_loop3A_597, %parallel_loop3A_604 : vector<16xf32>
        %parallel_loop3A_606 = arith.select %eq3A_269, %parallel_loop3A_601, %parallel_loop3A_605 : vector<16xi1>, vector<16xf32>
        %parallel_loop3A_607 = vector.shape_cast %xor3A_257 : vector<16xi32> to vector<16x1xi32>
        %parallel_loop3A_608 = vector.shape_cast %parallel_loop3A_607 : vector<16x1xi32> to vector<16xi32>
        %parallel_loop3A_609 = tpu.dynamic_gather %parallel_loop3A_606[%parallel_loop3A_608] in [0] : vector<16xf32>, vector<16xi32> -> vector<16xf32>
        %parallel_loop3A_610 = arith.addf %parallel_loop3A_606, %parallel_loop3A_609 : vector<16xf32>
        %parallel_loop3A_611 = vector.shape_cast %xor3A_260 : vector<16xi32> to vector<16x1xi32>
        %parallel_loop3A_612 = vector.shape_cast %parallel_loop3A_611 : vector<16x1xi32> to vector<16xi32>
        %parallel_loop3A_613 = tpu.dynamic_gather %parallel_loop3A_610[%parallel_loop3A_612] in [0] : vector<16xf32>, vector<16xi32> -> vector<16xf32>
        %parallel_loop3A_614 = arith.addf %parallel_loop3A_610, %parallel_loop3A_613 : vector<16xf32>
        %parallel_loop3A_615 = vector.shape_cast %xor3A_263 : vector<16xi32> to vector<16x1xi32>
        %parallel_loop3A_616 = vector.shape_cast %parallel_loop3A_615 : vector<16x1xi32> to vector<16xi32>
        %parallel_loop3A_617 = tpu.dynamic_gather %parallel_loop3A_614[%parallel_loop3A_616] in [0] : vector<16xf32>, vector<16xi32> -> vector<16xf32>
        %parallel_loop3A_618 = arith.addf %parallel_loop3A_614, %parallel_loop3A_617 : vector<16xf32>
        %parallel_loop3A_619 = arith.constant 16 : i32
        %parallel_loop3A_620 = arith.muli %parallel_loop3A_273, %parallel_loop3A_619 : i32
        %parallel_loop3A_621 = arith.index_cast %parallel_loop3A_620 : i32 to index
        %parallel_loop3A_622 = tpu.vector_load %arg19[%parallel_loop3A_621] {strides = array<i32>} : memref<768xf32, #tpu.memory_space<vmem>>, vector<16xf32>,
        %parallel_loop3A_623 = vector.shape_cast %parallel_loop3A_622 : vector<16xf32> to vector<16xf32>
        %parallel_loop3A_624 = vector.shape_cast %parallel_loop3A_618 : vector<16xf32> to vector<16xf32>
        tpu.vector_store %arg19[%parallel_loop3A_621], %parallel_loop3A_624 {strides = array<i32>} : memref<768xf32, #tpu.memory_space<vmem>>, vector<16xf32>,
      } {sc.loop_unroll_factor = 2 : i64, sc.parallel_access}
    }
    %scan3A_30 = arith.constant 26 : i32
    %dma_wait3A = arith.constant 0 : i32
    %dma_wait3A_31 = tpu.memref_slice %arg3[%dma_wait3A] : memref<320000xi32, #tpu.memory_space<hbm>> -> memref<96xi32, #tpu.memory_space<hbm>>
    %dma_wait3A_32 = arith.constant 0 : i32
    %dma_wait3A_33 = tpu.memref_slice %arg3[%dma_wait3A_32] : memref<320000xi32, #tpu.memory_space<hbm>> -> memref<96xi32, #tpu.memory_space<hbm>>
    tpu.wait_dma2 semaphore(%arg26 : memref<!tpu.dma_semaphore, #tpu.memory_space<semaphore_mem>>) src(%dma_wait3A_33 : memref<96xi32, #tpu.memory_space<hbm>>) dst(%arg7 : memref<96xi32, #tpu.memory_space<vmem>>)
    %dma_wait3A_34 = arith.constant 0 : i32
    %dma_wait3A_35 = tpu.memref_slice %arg3[%dma_wait3A_34] : memref<320000xi32, #tpu.memory_space<hbm>> -> memref<96xi32, #tpu.memory_space<hbm>>
    %dma_wait3A_36 = arith.constant 0 : i32
    %dma_wait3A_37 = tpu.memref_slice %arg3[%dma_wait3A_36] : memref<320000xi32, #tpu.memory_space<hbm>> -> memref<96xi32, #tpu.memory_space<hbm>>
    tpu.wait_dma2 semaphore(%arg27 : memref<!tpu.dma_semaphore, #tpu.memory_space<semaphore_mem>>) src(%dma_wait3A_37 : memref<96xi32, #tpu.memory_space<hbm>>) dst(%arg8 : memref<96xi32, #tpu.memory_space<vmem>>)
    %dma_wait3A_38 = arith.constant 0 : i32
    %dma_wait3A_39 = arith.constant 0 : i32
    %dma_wait3A_40 = tpu.memref_slice %arg2[%dma_wait3A_38, %dma_wait3A_39] : memref<10000x256xf32, #tpu.memory_space<hbm>> -> memref<10000x256xf32, #tpu.memory_space<hbm>>
    tpu.wait_indirect_dma semaphore(%arg20 : memref<!tpu.dma_semaphore, #tpu.memory_space<semaphore_mem>>) src(%dma_wait3A_40 : memref<10000x256xf32, #tpu.memory_space<hbm>>) dst(%arg9 : memref<96x256xf32, #tpu.memory_space<vmem>>)
    %dma_wait3A_41 = arith.constant 0 : i32
    %dma_wait3A_42 = arith.constant 0 : i32
    %dma_wait3A_43 = tpu.memref_slice %arg2[%dma_wait3A_41, %dma_wait3A_42] : memref<10000x256xf32, #tpu.memory_space<hbm>> -> memref<10000x256xf32, #tpu.memory_space<hbm>>
    tpu.wait_indirect_dma semaphore(%arg21 : memref<!tpu.dma_semaphore, #tpu.memory_space<semaphore_mem>>) src(%dma_wait3A_43 : memref<10000x256xf32, #tpu.memory_space<hbm>>) dst(%arg10 : memref<96x256xf32, #tpu.memory_space<vmem>>)
    %add3A_44 = arith.constant 4992 : i32
    %add3A_45 = arith.addi %mul3A_2, %add3A_44 : i32
    "tpu.region"() ({
      %run_scoped3A = tpu.sem_alloc : memref<!tpu.dma_semaphore, #tpu.memory_space<semaphore_mem>>
      %dma_start3A_149 = tpu.memref_slice %arg3[%add3A_45] : memref<320000xi32, #tpu.memory_space<hbm>> -> memref<8xi32, #tpu.memory_space<hbm>>
      %dma_start3A_150 = tpu.memref_slice %arg3[%add3A_45] : memref<320000xi32, #tpu.memory_space<hbm>> -> memref<8xi32, #tpu.memory_space<hbm>>
      tpu.enqueue_dma source(%dma_start3A_150 : memref<8xi32, #tpu.memory_space<hbm>>) target(%arg13 : memref<8xi32, #tpu.memory_space<vmem>>) target_semaphore(%run_scoped3A : memref<!tpu.dma_semaphore, #tpu.memory_space<semaphore_mem>>)
      %dma_wait3A_151 = tpu.memref_slice %arg3[%add3A_45] : memref<320000xi32, #tpu.memory_space<hbm>> -> memref<8xi32, #tpu.memory_space<hbm>>
      %dma_wait3A_152 = tpu.memref_slice %arg3[%add3A_45] : memref<320000xi32, #tpu.memory_space<hbm>> -> memref<8xi32, #tpu.memory_space<hbm>>
      tpu.wait_dma2 semaphore(%run_scoped3A : memref<!tpu.dma_semaphore, #tpu.memory_space<semaphore_mem>>) src(%dma_wait3A_152 : memref<8xi32, #tpu.memory_space<hbm>>) dst(%arg13 : memref<8xi32, #tpu.memory_space<vmem>>)
      tpu.yield
    }) : () -> ()
    %add3A_46 = arith.constant 160000 : i32
    %add3A_47 = arith.addi %add3A_46, %add3A_45 : i32
    "tpu.region"() ({
      %run_scoped3A = tpu.sem_alloc : memref<!tpu.dma_semaphore, #tpu.memory_space<semaphore_mem>>
      %dma_start3A_149 = tpu.memref_slice %arg3[%add3A_47] : memref<320000xi32, #tpu.memory_space<hbm>> -> memref<8xi32, #tpu.memory_space<hbm>>
      %dma_start3A_150 = tpu.memref_slice %arg3[%add3A_47] : memref<320000xi32, #tpu.memory_space<hbm>> -> memref<8xi32, #tpu.memory_space<hbm>>
      tpu.enqueue_dma source(%dma_start3A_150 : memref<8xi32, #tpu.memory_space<hbm>>) target(%arg14 : memref<8xi32, #tpu.memory_space<vmem>>) target_semaphore(%run_scoped3A : memref<!tpu.dma_semaphore, #tpu.memory_space<semaphore_mem>>)
      %dma_wait3A_151 = tpu.memref_slice %arg3[%add3A_47] : memref<320000xi32, #tpu.memory_space<hbm>> -> memref<8xi32, #tpu.memory_space<hbm>>
      %dma_wait3A_152 = tpu.memref_slice %arg3[%add3A_47] : memref<320000xi32, #tpu.memory_space<hbm>> -> memref<8xi32, #tpu.memory_space<hbm>>
      tpu.wait_dma2 semaphore(%run_scoped3A : memref<!tpu.dma_semaphore, #tpu.memory_space<semaphore_mem>>) src(%dma_wait3A_152 : memref<8xi32, #tpu.memory_space<hbm>>) dst(%arg14 : memref<8xi32, #tpu.memory_space<vmem>>)
      tpu.yield
    }) : () -> ()
    %dma_start3A_48 = arith.constant 0 : i32
    %dma_start3A_49 = arith.constant 0 : i32
    %dma_start3A_50 = tpu.memref_slice %arg2[%dma_start3A_48, %dma_start3A_49] : memref<10000x256xf32, #tpu.memory_space<hbm>> -> memref<10000x256xf32, #tpu.memory_space<hbm>>
    tpu.enqueue_indirect_dma source(%dma_start3A_50 : memref<10000x256xf32, #tpu.memory_space<hbm>>) target(%arg15 : memref<8x256xf32, #tpu.memory_space<vmem>>) offsets(%arg13 : memref<8xi32, #tpu.memory_space<vmem>>) semaphore(%arg20 : memref<!tpu.dma_semaphore, #tpu.memory_space<semaphore_mem>>)
    %dma_start3A_51 = arith.constant 0 : i32
    %dma_start3A_52 = arith.constant 0 : i32
    %dma_start3A_53 = tpu.memref_slice %arg2[%dma_start3A_51, %dma_start3A_52] : memref<10000x256xf32, #tpu.memory_space<hbm>> -> memref<10000x256xf32, #tpu.memory_space<hbm>>
    tpu.enqueue_indirect_dma source(%dma_start3A_53 : memref<10000x256xf32, #tpu.memory_space<hbm>>) target(%arg16 : memref<8x256xf32, #tpu.memory_space<vmem>>) offsets(%arg14 : memref<8xi32, #tpu.memory_space<vmem>>) semaphore(%arg21 : memref<!tpu.dma_semaphore, #tpu.memory_space<semaphore_mem>>)
    %iota3A = tpu.iota {dimensions = array<i32: 0>} : vector<16xi32>
    %shift_right_arithmetic3A = arith.constant 1 : i32
    %shift_right_arithmetic3A_54 = vector.broadcast %shift_right_arithmetic3A : i32 to vector<16xi32>
    %shift_right_arithmetic3A_55 = arith.shrsi %iota3A, %shift_right_arithmetic3A_54 : vector<16xi32>
    %scan3A_56 = arith.constant 0 : i32
    %scan3A_57 = arith.constant 6 : i32
    %scan3A_58 = arith.addi %scan3A_56, %scan3A_57 : i32
    %scan3A_59 = arith.constant 1 : i32
    scf.for %scan3A_149 = %scan3A_56 to %scan3A_58 step %scan3A_59  : i32 {
      %mul3A_150 = arith.constant 128 : i32
      %mul3A_151 = arith.muli %scan3A_149, %mul3A_150 : i32
      %get3A_152 = arith.index_cast %mul3A_151 : i32 to index
      %get3A_153 = tpu.vector_load %arg19[%get3A_152] {strides = array<i32>} : memref<768xf32, #tpu.memory_space<vmem>>, vector<16xf32>,
      %get3A_154 = vector.shape_cast %get3A_153 : vector<16xf32> to vector<16xf32>
      %mul3A_155 = arith.constant 128 : i32
      %mul3A_156 = arith.muli %scan3A_149, %mul3A_155 : i32
      %add3A_157 = arith.constant 16 : i32
      %add3A_158 = arith.addi %mul3A_156, %add3A_157 : i32
      %get3A_159 = arith.index_cast %add3A_158 : i32 to index
      %get3A_160 = tpu.vector_load %arg19[%get3A_159] {strides = array<i32>} : memref<768xf32, #tpu.memory_space<vmem>>, vector<16xf32>,
      %get3A_161 = vector.shape_cast %get3A_160 : vector<16xf32> to vector<16xf32>
      %eq3A_162 = arith.constant 1 : i32
      %eq3A_163 = vector.broadcast %eq3A_162 : i32 to vector<16xi32>
      %eq3A_164 = arith.cmpi eq, %shift_right_arithmetic3A_55, %eq3A_163 : vector<16xi32>
      %select_n3A_165 = arith.select %eq3A_164, %get3A_161, %get3A_154 : vector<16xi1>, vector<16xf32>
      %mul3A_166 = arith.constant 128 : i32
      %mul3A_167 = arith.muli %scan3A_149, %mul3A_166 : i32
      %add3A_168 = arith.constant 32 : i32
      %add3A_169 = arith.addi %mul3A_167, %add3A_168 : i32
      %get3A_170 = arith.index_cast %add3A_169 : i32 to index
      %get3A_171 = tpu.vector_load %arg19[%get3A_170] {strides = array<i32>} : memref<768xf32, #tpu.memory_space<vmem>>, vector<16xf32>,
      %get3A_172 = vector.shape_cast %get3A_171 : vector<16xf32> to vector<16xf32>
      %eq3A_173 = arith.constant 2 : i32
      %eq3A_174 = vector.broadcast %eq3A_173 : i32 to vector<16xi32>
      %eq3A_175 = arith.cmpi eq, %shift_right_arithmetic3A_55, %eq3A_174 : vector<16xi32>
      %select_n3A_176 = arith.select %eq3A_175, %get3A_172, %select_n3A_165 : vector<16xi1>, vector<16xf32>
      %mul3A_177 = arith.constant 128 : i32
      %mul3A_178 = arith.muli %scan3A_149, %mul3A_177 : i32
      %add3A_179 = arith.constant 48 : i32
      %add3A_180 = arith.addi %mul3A_178, %add3A_179 : i32
      %get3A_181 = arith.index_cast %add3A_180 : i32 to index
      %get3A_182 = tpu.vector_load %arg19[%get3A_181] {strides = array<i32>} : memref<768xf32, #tpu.memory_space<vmem>>, vector<16xf32>,
      %get3A_183 = vector.shape_cast %get3A_182 : vector<16xf32> to vector<16xf32>
      %eq3A_184 = arith.constant 3 : i32
      %eq3A_185 = vector.broadcast %eq3A_184 : i32 to vector<16xi32>
      %eq3A_186 = arith.cmpi eq, %shift_right_arithmetic3A_55, %eq3A_185 : vector<16xi32>
      %select_n3A_187 = arith.select %eq3A_186, %get3A_183, %select_n3A_176 : vector<16xi1>, vector<16xf32>
      %mul3A_188 = arith.constant 128 : i32
      %mul3A_189 = arith.muli %scan3A_149, %mul3A_188 : i32
      %add3A_190 = arith.constant 64 : i32
      %add3A_191 = arith.addi %mul3A_189, %add3A_190 : i32
      %get3A_192 = arith.index_cast %add3A_191 : i32 to index
      %get3A_193 = tpu.vector_load %arg19[%get3A_192] {strides = array<i32>} : memref<768xf32, #tpu.memory_space<vmem>>, vector<16xf32>,
      %get3A_194 = vector.shape_cast %get3A_193 : vector<16xf32> to vector<16xf32>
      %eq3A_195 = arith.constant 4 : i32
      %eq3A_196 = vector.broadcast %eq3A_195 : i32 to vector<16xi32>
      %eq3A_197 = arith.cmpi eq, %shift_right_arithmetic3A_55, %eq3A_196 : vector<16xi32>
      %select_n3A_198 = arith.select %eq3A_197, %get3A_194, %select_n3A_187 : vector<16xi1>, vector<16xf32>
      %mul3A_199 = arith.constant 128 : i32
      %mul3A_200 = arith.muli %scan3A_149, %mul3A_199 : i32
      %add3A_201 = arith.constant 80 : i32
      %add3A_202 = arith.addi %mul3A_200, %add3A_201 : i32
      %get3A_203 = arith.index_cast %add3A_202 : i32 to index
      %get3A_204 = tpu.vector_load %arg19[%get3A_203] {strides = array<i32>} : memref<768xf32, #tpu.memory_space<vmem>>, vector<16xf32>,
      %get3A_205 = vector.shape_cast %get3A_204 : vector<16xf32> to vector<16xf32>
      %eq3A_206 = arith.constant 5 : i32
      %eq3A_207 = vector.broadcast %eq3A_206 : i32 to vector<16xi32>
      %eq3A_208 = arith.cmpi eq, %shift_right_arithmetic3A_55, %eq3A_207 : vector<16xi32>
      %select_n3A_209 = arith.select %eq3A_208, %get3A_205, %select_n3A_198 : vector<16xi1>, vector<16xf32>
      %mul3A_210 = arith.constant 128 : i32
      %mul3A_211 = arith.muli %scan3A_149, %mul3A_210 : i32
      %add3A_212 = arith.constant 96 : i32
      %add3A_213 = arith.addi %mul3A_211, %add3A_212 : i32
      %get3A_214 = arith.index_cast %add3A_213 : i32 to index
      %get3A_215 = tpu.vector_load %arg19[%get3A_214] {strides = array<i32>} : memref<768xf32, #tpu.memory_space<vmem>>, vector<16xf32>,
      %get3A_216 = vector.shape_cast %get3A_215 : vector<16xf32> to vector<16xf32>
      %eq3A_217 = arith.constant 6 : i32
      %eq3A_218 = vector.broadcast %eq3A_217 : i32 to vector<16xi32>
      %eq3A_219 = arith.cmpi eq, %shift_right_arithmetic3A_55, %eq3A_218 : vector<16xi32>
      %select_n3A_220 = arith.select %eq3A_219, %get3A_216, %select_n3A_209 : vector<16xi1>, vector<16xf32>
      %mul3A_221 = arith.constant 128 : i32
      %mul3A_222 = arith.muli %scan3A_149, %mul3A_221 : i32
      %add3A_223 = arith.constant 112 : i32
      %add3A_224 = arith.addi %mul3A_222, %add3A_223 : i32
      %get3A_225 = arith.index_cast %add3A_224 : i32 to index
      %get3A_226 = tpu.vector_load %arg19[%get3A_225] {strides = array<i32>} : memref<768xf32, #tpu.memory_space<vmem>>, vector<16xf32>,
      %get3A_227 = vector.shape_cast %get3A_226 : vector<16xf32> to vector<16xf32>
      %eq3A_228 = arith.constant 7 : i32
      %eq3A_229 = vector.broadcast %eq3A_228 : i32 to vector<16xi32>
      %eq3A_230 = arith.cmpi eq, %shift_right_arithmetic3A_55, %eq3A_229 : vector<16xi32>
      %select_n3A_231 = arith.select %eq3A_230, %get3A_227, %select_n3A_220 : vector<16xi1>, vector<16xf32>
      %neg3A_232 = arith.constant 0.000000e+00 : f32
      %neg3A_233 = vector.broadcast %neg3A_232 : f32 to vector<16xf32>
      %neg3A_234 = arith.subf %neg3A_233, %select_n3A_231 : vector<16xf32>
      %exp3A_235 = math.exp %neg3A_234 : vector<16xf32>
      %add3A_236 = arith.constant 1.000000e+00 : f32
      %add3A_237 = vector.broadcast %add3A_236 : f32 to vector<16xf32>
      %add3A_238 = arith.addf %add3A_237, %exp3A_235 : vector<16xf32>
      %div3A_239 = arith.constant 1.000000e+00 : f32
      %div3A_240 = vector.broadcast %div3A_239 : f32 to vector<16xf32>
      %div3A_241 = arith.divf %div3A_240, %add3A_238 : vector<16xf32>
      %mul3A_242 = arith.constant 16 : i32
      %mul3A_243 = arith.muli %scan3A_149, %mul3A_242 : i32
      %add3A_244 = arith.constant 4896 : i32
      %add3A_245 = arith.addi %add3A_244, %mul3A_243 : i32
      %swap3A_246 = arith.index_cast %add3A_245 : i32 to index
      %swap3A_247 = tpu.vector_load %arg17[%swap3A_246] {strides = array<i32>} : memref<5008xf32, #tpu.memory_space<vmem>>, vector<16xf32>,
      %swap3A_248 = vector.shape_cast %swap3A_247 : vector<16xf32> to vector<16xf32>
      %swap3A_249 = vector.shape_cast %div3A_241 : vector<16xf32> to vector<16xf32>
      tpu.vector_store %arg17[%swap3A_246], %swap3A_249 {strides = array<i32>} : memref<5008xf32, #tpu.memory_space<vmem>>, vector<16xf32>,
    }
    %scan3A_60 = arith.constant 6 : i32
    %dma_wait3A_61 = arith.constant 0 : i32
    %dma_wait3A_62 = arith.constant 0 : i32
    %dma_wait3A_63 = tpu.memref_slice %arg2[%dma_wait3A_61, %dma_wait3A_62] : memref<10000x256xf32, #tpu.memory_space<hbm>> -> memref<10000x256xf32, #tpu.memory_space<hbm>>
    tpu.wait_indirect_dma semaphore(%arg20 : memref<!tpu.dma_semaphore, #tpu.memory_space<semaphore_mem>>) src(%dma_wait3A_63 : memref<10000x256xf32, #tpu.memory_space<hbm>>) dst(%arg15 : memref<8x256xf32, #tpu.memory_space<vmem>>)
    %dma_wait3A_64 = arith.constant 0 : i32
    %dma_wait3A_65 = arith.constant 0 : i32
    %dma_wait3A_66 = tpu.memref_slice %arg2[%dma_wait3A_64, %dma_wait3A_65] : memref<10000x256xf32, #tpu.memory_space<hbm>> -> memref<10000x256xf32, #tpu.memory_space<hbm>>
    tpu.wait_indirect_dma semaphore(%arg21 : memref<!tpu.dma_semaphore, #tpu.memory_space<semaphore_mem>>) src(%dma_wait3A_66 : memref<10000x256xf32, #tpu.memory_space<hbm>>) dst(%arg16 : memref<8x256xf32, #tpu.memory_space<vmem>>)
    %iota3A_67 = tpu.iota {dimensions = array<i32: 0>} : vector<16xi32>
    %xor3A = arith.constant 1 : i32
    %xor3A_68 = vector.broadcast %xor3A : i32 to vector<16xi32>
    %xor3A_69 = arith.xori %iota3A_67, %xor3A_68 : vector<16xi32>
    %xor3A_70 = arith.constant 2 : i32
    %xor3A_71 = vector.broadcast %xor3A_70 : i32 to vector<16xi32>
    %xor3A_72 = arith.xori %iota3A_67, %xor3A_71 : vector<16xi32>
    %xor3A_73 = arith.constant 4 : i32
    %xor3A_74 = vector.broadcast %xor3A_73 : i32 to vector<16xi32>
    %xor3A_75 = arith.xori %iota3A_67, %xor3A_74 : vector<16xi32>
    %xor3A_76 = arith.constant 8 : i32
    %xor3A_77 = vector.broadcast %xor3A_76 : i32 to vector<16xi32>
    %xor3A_78 = arith.xori %iota3A_67, %xor3A_77 : vector<16xi32>
    %and3A = arith.constant 1 : i32
    %and3A_79 = vector.broadcast %and3A : i32 to vector<16xi32>
    %and3A_80 = arith.andi %iota3A_67, %and3A_79 : vector<16xi32>
    %eq3A = arith.constant 0 : i32
    %eq3A_81 = vector.broadcast %eq3A : i32 to vector<16xi32>
    %eq3A_82 = arith.cmpi eq, %and3A_80, %eq3A_81 : vector<16xi32>
    %parallel_loop3A = arith.constant 0 : i32
    %parallel_loop3A_83 = arith.constant 4 : i32
    %parallel_loop3A_84 = arith.constant 1 : i32
    scf.for %parallel_loop3A_149 = %parallel_loop3A to %parallel_loop3A_83 step %parallel_loop3A_84  : i32 {
      %parallel_loop3A_150 = arith.constant 2 : i32
      %parallel_loop3A_151 = arith.muli %parallel_loop3A_149, %parallel_loop3A_150 : i32
      %parallel_loop3A_152 = arith.constant 0 : i32
      %parallel_loop3A_153 = arith.addi %parallel_loop3A_151, %parallel_loop3A_152 : i32
      %parallel_loop3A_154 = arith.index_cast %parallel_loop3A_153 : i32 to index
      %parallel_loop3A_155 = arith.constant 0 : index
      %parallel_loop3A_156 = tpu.vector_load %arg15[%parallel_loop3A_154, %parallel_loop3A_155] {strides = array<i32>} : memref<8x256xf32, #tpu.memory_space<vmem>>, vector<1x16xf32>,
      %parallel_loop3A_157 = vector.shape_cast %parallel_loop3A_156 : vector<1x16xf32> to vector<16xf32>
      %parallel_loop3A_158 = arith.index_cast %parallel_loop3A_153 : i32 to index
      %parallel_loop3A_159 = arith.constant 0 : index
      %parallel_loop3A_160 = tpu.vector_load %arg16[%parallel_loop3A_158, %parallel_loop3A_159] {strides = array<i32>} : memref<8x256xf32, #tpu.memory_space<vmem>>, vector<1x16xf32>,
      %parallel_loop3A_161 = vector.shape_cast %parallel_loop3A_160 : vector<1x16xf32> to vector<16xf32>
      %parallel_loop3A_162 = arith.mulf %parallel_loop3A_157, %parallel_loop3A_161 : vector<16xf32>
      %parallel_loop3A_163 = arith.index_cast %parallel_loop3A_153 : i32 to index
      %parallel_loop3A_164 = arith.constant 16 : index
      %parallel_loop3A_165 = tpu.vector_load %arg15[%parallel_loop3A_163, %parallel_loop3A_164] {strides = array<i32>} : memref<8x256xf32, #tpu.memory_space<vmem>>, vector<1x16xf32>,
      %parallel_loop3A_166 = vector.shape_cast %parallel_loop3A_165 : vector<1x16xf32> to vector<16xf32>
      %parallel_loop3A_167 = arith.index_cast %parallel_loop3A_153 : i32 to index
      %parallel_loop3A_168 = arith.constant 16 : index
      %parallel_loop3A_169 = tpu.vector_load %arg16[%parallel_loop3A_167, %parallel_loop3A_168] {strides = array<i32>} : memref<8x256xf32, #tpu.memory_space<vmem>>, vector<1x16xf32>,
      %parallel_loop3A_170 = vector.shape_cast %parallel_loop3A_169 : vector<1x16xf32> to vector<16xf32>
      %parallel_loop3A_171 = arith.mulf %parallel_loop3A_166, %parallel_loop3A_170 : vector<16xf32>
      %parallel_loop3A_172 = arith.addf %parallel_loop3A_162, %parallel_loop3A_171 : vector<16xf32>
      %parallel_loop3A_173 = arith.index_cast %parallel_loop3A_153 : i32 to index
      %parallel_loop3A_174 = arith.constant 32 : index
      %parallel_loop3A_175 = tpu.vector_load %arg15[%parallel_loop3A_173, %parallel_loop3A_174] {strides = array<i32>} : memref<8x256xf32, #tpu.memory_space<vmem>>, vector<1x16xf32>,
      %parallel_loop3A_176 = vector.shape_cast %parallel_loop3A_175 : vector<1x16xf32> to vector<16xf32>
      %parallel_loop3A_177 = arith.index_cast %parallel_loop3A_153 : i32 to index
      %parallel_loop3A_178 = arith.constant 32 : index
      %parallel_loop3A_179 = tpu.vector_load %arg16[%parallel_loop3A_177, %parallel_loop3A_178] {strides = array<i32>} : memref<8x256xf32, #tpu.memory_space<vmem>>, vector<1x16xf32>,
      %parallel_loop3A_180 = vector.shape_cast %parallel_loop3A_179 : vector<1x16xf32> to vector<16xf32>
      %parallel_loop3A_181 = arith.mulf %parallel_loop3A_176, %parallel_loop3A_180 : vector<16xf32>
      %parallel_loop3A_182 = arith.addf %parallel_loop3A_172, %parallel_loop3A_181 : vector<16xf32>
      %parallel_loop3A_183 = arith.index_cast %parallel_loop3A_153 : i32 to index
      %parallel_loop3A_184 = arith.constant 48 : index
      %parallel_loop3A_185 = tpu.vector_load %arg15[%parallel_loop3A_183, %parallel_loop3A_184] {strides = array<i32>} : memref<8x256xf32, #tpu.memory_space<vmem>>, vector<1x16xf32>,
      %parallel_loop3A_186 = vector.shape_cast %parallel_loop3A_185 : vector<1x16xf32> to vector<16xf32>
      %parallel_loop3A_187 = arith.index_cast %parallel_loop3A_153 : i32 to index
      %parallel_loop3A_188 = arith.constant 48 : index
      %parallel_loop3A_189 = tpu.vector_load %arg16[%parallel_loop3A_187, %parallel_loop3A_188] {strides = array<i32>} : memref<8x256xf32, #tpu.memory_space<vmem>>, vector<1x16xf32>,
      %parallel_loop3A_190 = vector.shape_cast %parallel_loop3A_189 : vector<1x16xf32> to vector<16xf32>
      %parallel_loop3A_191 = arith.mulf %parallel_loop3A_186, %parallel_loop3A_190 : vector<16xf32>
      %parallel_loop3A_192 = arith.addf %parallel_loop3A_182, %parallel_loop3A_191 : vector<16xf32>
      %parallel_loop3A_193 = arith.index_cast %parallel_loop3A_153 : i32 to index
      %parallel_loop3A_194 = arith.constant 64 : index
      %parallel_loop3A_195 = tpu.vector_load %arg15[%parallel_loop3A_193, %parallel_loop3A_194] {strides = array<i32>} : memref<8x256xf32, #tpu.memory_space<vmem>>, vector<1x16xf32>,
      %parallel_loop3A_196 = vector.shape_cast %parallel_loop3A_195 : vector<1x16xf32> to vector<16xf32>
      %parallel_loop3A_197 = arith.index_cast %parallel_loop3A_153 : i32 to index
      %parallel_loop3A_198 = arith.constant 64 : index
      %parallel_loop3A_199 = tpu.vector_load %arg16[%parallel_loop3A_197, %parallel_loop3A_198] {strides = array<i32>} : memref<8x256xf32, #tpu.memory_space<vmem>>, vector<1x16xf32>,
      %parallel_loop3A_200 = vector.shape_cast %parallel_loop3A_199 : vector<1x16xf32> to vector<16xf32>
      %parallel_loop3A_201 = arith.mulf %parallel_loop3A_196, %parallel_loop3A_200 : vector<16xf32>
      %parallel_loop3A_202 = arith.addf %parallel_loop3A_192, %parallel_loop3A_201 : vector<16xf32>
      %parallel_loop3A_203 = arith.index_cast %parallel_loop3A_153 : i32 to index
      %parallel_loop3A_204 = arith.constant 80 : index
      %parallel_loop3A_205 = tpu.vector_load %arg15[%parallel_loop3A_203, %parallel_loop3A_204] {strides = array<i32>} : memref<8x256xf32, #tpu.memory_space<vmem>>, vector<1x16xf32>,
      %parallel_loop3A_206 = vector.shape_cast %parallel_loop3A_205 : vector<1x16xf32> to vector<16xf32>
      %parallel_loop3A_207 = arith.index_cast %parallel_loop3A_153 : i32 to index
      %parallel_loop3A_208 = arith.constant 80 : index
      %parallel_loop3A_209 = tpu.vector_load %arg16[%parallel_loop3A_207, %parallel_loop3A_208] {strides = array<i32>} : memref<8x256xf32, #tpu.memory_space<vmem>>, vector<1x16xf32>,
      %parallel_loop3A_210 = vector.shape_cast %parallel_loop3A_209 : vector<1x16xf32> to vector<16xf32>
      %parallel_loop3A_211 = arith.mulf %parallel_loop3A_206, %parallel_loop3A_210 : vector<16xf32>
      %parallel_loop3A_212 = arith.addf %parallel_loop3A_202, %parallel_loop3A_211 : vector<16xf32>
      %parallel_loop3A_213 = arith.index_cast %parallel_loop3A_153 : i32 to index
      %parallel_loop3A_214 = arith.constant 96 : index
      %parallel_loop3A_215 = tpu.vector_load %arg15[%parallel_loop3A_213, %parallel_loop3A_214] {strides = array<i32>} : memref<8x256xf32, #tpu.memory_space<vmem>>, vector<1x16xf32>,
      %parallel_loop3A_216 = vector.shape_cast %parallel_loop3A_215 : vector<1x16xf32> to vector<16xf32>
      %parallel_loop3A_217 = arith.index_cast %parallel_loop3A_153 : i32 to index
      %parallel_loop3A_218 = arith.constant 96 : index
      %parallel_loop3A_219 = tpu.vector_load %arg16[%parallel_loop3A_217, %parallel_loop3A_218] {strides = array<i32>} : memref<8x256xf32, #tpu.memory_space<vmem>>, vector<1x16xf32>,
      %parallel_loop3A_220 = vector.shape_cast %parallel_loop3A_219 : vector<1x16xf32> to vector<16xf32>
      %parallel_loop3A_221 = arith.mulf %parallel_loop3A_216, %parallel_loop3A_220 : vector<16xf32>
      %parallel_loop3A_222 = arith.addf %parallel_loop3A_212, %parallel_loop3A_221 : vector<16xf32>
      %parallel_loop3A_223 = arith.index_cast %parallel_loop3A_153 : i32 to index
      %parallel_loop3A_224 = arith.constant 112 : index
      %parallel_loop3A_225 = tpu.vector_load %arg15[%parallel_loop3A_223, %parallel_loop3A_224] {strides = array<i32>} : memref<8x256xf32, #tpu.memory_space<vmem>>, vector<1x16xf32>,
      %parallel_loop3A_226 = vector.shape_cast %parallel_loop3A_225 : vector<1x16xf32> to vector<16xf32>
      %parallel_loop3A_227 = arith.index_cast %parallel_loop3A_153 : i32 to index
      %parallel_loop3A_228 = arith.constant 112 : index
      %parallel_loop3A_229 = tpu.vector_load %arg16[%parallel_loop3A_227, %parallel_loop3A_228] {strides = array<i32>} : memref<8x256xf32, #tpu.memory_space<vmem>>, vector<1x16xf32>,
      %parallel_loop3A_230 = vector.shape_cast %parallel_loop3A_229 : vector<1x16xf32> to vector<16xf32>
      %parallel_loop3A_231 = arith.mulf %parallel_loop3A_226, %parallel_loop3A_230 : vector<16xf32>
      %parallel_loop3A_232 = arith.addf %parallel_loop3A_222, %parallel_loop3A_231 : vector<16xf32>
      %parallel_loop3A_233 = arith.index_cast %parallel_loop3A_153 : i32 to index
      %parallel_loop3A_234 = arith.constant 128 : index
      %parallel_loop3A_235 = tpu.vector_load %arg15[%parallel_loop3A_233, %parallel_loop3A_234] {strides = array<i32>} : memref<8x256xf32, #tpu.memory_space<vmem>>, vector<1x16xf32>,
      %parallel_loop3A_236 = vector.shape_cast %parallel_loop3A_235 : vector<1x16xf32> to vector<16xf32>
      %parallel_loop3A_237 = arith.index_cast %parallel_loop3A_153 : i32 to index
      %parallel_loop3A_238 = arith.constant 128 : index
      %parallel_loop3A_239 = tpu.vector_load %arg16[%parallel_loop3A_237, %parallel_loop3A_238] {strides = array<i32>} : memref<8x256xf32, #tpu.memory_space<vmem>>, vector<1x16xf32>,
      %parallel_loop3A_240 = vector.shape_cast %parallel_loop3A_239 : vector<1x16xf32> to vector<16xf32>
      %parallel_loop3A_241 = arith.mulf %parallel_loop3A_236, %parallel_loop3A_240 : vector<16xf32>
      %parallel_loop3A_242 = arith.addf %parallel_loop3A_232, %parallel_loop3A_241 : vector<16xf32>
      %parallel_loop3A_243 = arith.index_cast %parallel_loop3A_153 : i32 to index
      %parallel_loop3A_244 = arith.constant 144 : index
      %parallel_loop3A_245 = tpu.vector_load %arg15[%parallel_loop3A_243, %parallel_loop3A_244] {strides = array<i32>} : memref<8x256xf32, #tpu.memory_space<vmem>>, vector<1x16xf32>,
      %parallel_loop3A_246 = vector.shape_cast %parallel_loop3A_245 : vector<1x16xf32> to vector<16xf32>
      %parallel_loop3A_247 = arith.index_cast %parallel_loop3A_153 : i32 to index
      %parallel_loop3A_248 = arith.constant 144 : index
      %parallel_loop3A_249 = tpu.vector_load %arg16[%parallel_loop3A_247, %parallel_loop3A_248] {strides = array<i32>} : memref<8x256xf32, #tpu.memory_space<vmem>>, vector<1x16xf32>,
      %parallel_loop3A_250 = vector.shape_cast %parallel_loop3A_249 : vector<1x16xf32> to vector<16xf32>
      %parallel_loop3A_251 = arith.mulf %parallel_loop3A_246, %parallel_loop3A_250 : vector<16xf32>
      %parallel_loop3A_252 = arith.addf %parallel_loop3A_242, %parallel_loop3A_251 : vector<16xf32>
      %parallel_loop3A_253 = arith.index_cast %parallel_loop3A_153 : i32 to index
      %parallel_loop3A_254 = arith.constant 160 : index
      %parallel_loop3A_255 = tpu.vector_load %arg15[%parallel_loop3A_253, %parallel_loop3A_254] {strides = array<i32>} : memref<8x256xf32, #tpu.memory_space<vmem>>, vector<1x16xf32>,
      %parallel_loop3A_256 = vector.shape_cast %parallel_loop3A_255 : vector<1x16xf32> to vector<16xf32>
      %parallel_loop3A_257 = arith.index_cast %parallel_loop3A_153 : i32 to index
      %parallel_loop3A_258 = arith.constant 160 : index
      %parallel_loop3A_259 = tpu.vector_load %arg16[%parallel_loop3A_257, %parallel_loop3A_258] {strides = array<i32>} : memref<8x256xf32, #tpu.memory_space<vmem>>, vector<1x16xf32>,
      %parallel_loop3A_260 = vector.shape_cast %parallel_loop3A_259 : vector<1x16xf32> to vector<16xf32>
      %parallel_loop3A_261 = arith.mulf %parallel_loop3A_256, %parallel_loop3A_260 : vector<16xf32>
      %parallel_loop3A_262 = arith.addf %parallel_loop3A_252, %parallel_loop3A_261 : vector<16xf32>
      %parallel_loop3A_263 = arith.index_cast %parallel_loop3A_153 : i32 to index
      %parallel_loop3A_264 = arith.constant 176 : index
      %parallel_loop3A_265 = tpu.vector_load %arg15[%parallel_loop3A_263, %parallel_loop3A_264] {strides = array<i32>} : memref<8x256xf32, #tpu.memory_space<vmem>>, vector<1x16xf32>,
      %parallel_loop3A_266 = vector.shape_cast %parallel_loop3A_265 : vector<1x16xf32> to vector<16xf32>
      %parallel_loop3A_267 = arith.index_cast %parallel_loop3A_153 : i32 to index
      %parallel_loop3A_268 = arith.constant 176 : index
      %parallel_loop3A_269 = tpu.vector_load %arg16[%parallel_loop3A_267, %parallel_loop3A_268] {strides = array<i32>} : memref<8x256xf32, #tpu.memory_space<vmem>>, vector<1x16xf32>,
      %parallel_loop3A_270 = vector.shape_cast %parallel_loop3A_269 : vector<1x16xf32> to vector<16xf32>
      %parallel_loop3A_271 = arith.mulf %parallel_loop3A_266, %parallel_loop3A_270 : vector<16xf32>
      %parallel_loop3A_272 = arith.addf %parallel_loop3A_262, %parallel_loop3A_271 : vector<16xf32>
      %parallel_loop3A_273 = arith.index_cast %parallel_loop3A_153 : i32 to index
      %parallel_loop3A_274 = arith.constant 192 : index
      %parallel_loop3A_275 = tpu.vector_load %arg15[%parallel_loop3A_273, %parallel_loop3A_274] {strides = array<i32>} : memref<8x256xf32, #tpu.memory_space<vmem>>, vector<1x16xf32>,
      %parallel_loop3A_276 = vector.shape_cast %parallel_loop3A_275 : vector<1x16xf32> to vector<16xf32>
      %parallel_loop3A_277 = arith.index_cast %parallel_loop3A_153 : i32 to index
      %parallel_loop3A_278 = arith.constant 192 : index
      %parallel_loop3A_279 = tpu.vector_load %arg16[%parallel_loop3A_277, %parallel_loop3A_278] {strides = array<i32>} : memref<8x256xf32, #tpu.memory_space<vmem>>, vector<1x16xf32>,
      %parallel_loop3A_280 = vector.shape_cast %parallel_loop3A_279 : vector<1x16xf32> to vector<16xf32>
      %parallel_loop3A_281 = arith.mulf %parallel_loop3A_276, %parallel_loop3A_280 : vector<16xf32>
      %parallel_loop3A_282 = arith.addf %parallel_loop3A_272, %parallel_loop3A_281 : vector<16xf32>
      %parallel_loop3A_283 = arith.index_cast %parallel_loop3A_153 : i32 to index
      %parallel_loop3A_284 = arith.constant 208 : index
      %parallel_loop3A_285 = tpu.vector_load %arg15[%parallel_loop3A_283, %parallel_loop3A_284] {strides = array<i32>} : memref<8x256xf32, #tpu.memory_space<vmem>>, vector<1x16xf32>,
      %parallel_loop3A_286 = vector.shape_cast %parallel_loop3A_285 : vector<1x16xf32> to vector<16xf32>
      %parallel_loop3A_287 = arith.index_cast %parallel_loop3A_153 : i32 to index
      %parallel_loop3A_288 = arith.constant 208 : index
      %parallel_loop3A_289 = tpu.vector_load %arg16[%parallel_loop3A_287, %parallel_loop3A_288] {strides = array<i32>} : memref<8x256xf32, #tpu.memory_space<vmem>>, vector<1x16xf32>,
      %parallel_loop3A_290 = vector.shape_cast %parallel_loop3A_289 : vector<1x16xf32> to vector<16xf32>
      %parallel_loop3A_291 = arith.mulf %parallel_loop3A_286, %parallel_loop3A_290 : vector<16xf32>
      %parallel_loop3A_292 = arith.addf %parallel_loop3A_282, %parallel_loop3A_291 : vector<16xf32>
      %parallel_loop3A_293 = arith.index_cast %parallel_loop3A_153 : i32 to index
      %parallel_loop3A_294 = arith.constant 224 : index
      %parallel_loop3A_295 = tpu.vector_load %arg15[%parallel_loop3A_293, %parallel_loop3A_294] {strides = array<i32>} : memref<8x256xf32, #tpu.memory_space<vmem>>, vector<1x16xf32>,
      %parallel_loop3A_296 = vector.shape_cast %parallel_loop3A_295 : vector<1x16xf32> to vector<16xf32>
      %parallel_loop3A_297 = arith.index_cast %parallel_loop3A_153 : i32 to index
      %parallel_loop3A_298 = arith.constant 224 : index
      %parallel_loop3A_299 = tpu.vector_load %arg16[%parallel_loop3A_297, %parallel_loop3A_298] {strides = array<i32>} : memref<8x256xf32, #tpu.memory_space<vmem>>, vector<1x16xf32>,
      %parallel_loop3A_300 = vector.shape_cast %parallel_loop3A_299 : vector<1x16xf32> to vector<16xf32>
      %parallel_loop3A_301 = arith.mulf %parallel_loop3A_296, %parallel_loop3A_300 : vector<16xf32>
      %parallel_loop3A_302 = arith.addf %parallel_loop3A_292, %parallel_loop3A_301 : vector<16xf32>
      %parallel_loop3A_303 = arith.index_cast %parallel_loop3A_153 : i32 to index
      %parallel_loop3A_304 = arith.constant 240 : index
      %parallel_loop3A_305 = tpu.vector_load %arg15[%parallel_loop3A_303, %parallel_loop3A_304] {strides = array<i32>} : memref<8x256xf32, #tpu.memory_space<vmem>>, vector<1x16xf32>,
      %parallel_loop3A_306 = vector.shape_cast %parallel_loop3A_305 : vector<1x16xf32> to vector<16xf32>
      %parallel_loop3A_307 = arith.index_cast %parallel_loop3A_153 : i32 to index
      %parallel_loop3A_308 = arith.constant 240 : index
      %parallel_loop3A_309 = tpu.vector_load %arg16[%parallel_loop3A_307, %parallel_loop3A_308] {strides = array<i32>} : memref<8x256xf32, #tpu.memory_space<vmem>>, vector<1x16xf32>,
      %parallel_loop3A_310 = vector.shape_cast %parallel_loop3A_309 : vector<1x16xf32> to vector<16xf32>
      %parallel_loop3A_311 = arith.mulf %parallel_loop3A_306, %parallel_loop3A_310 : vector<16xf32>
      %parallel_loop3A_312 = arith.addf %parallel_loop3A_302, %parallel_loop3A_311 : vector<16xf32>
      %parallel_loop3A_313 = arith.constant 1 : i32
      %parallel_loop3A_314 = arith.addi %parallel_loop3A_151, %parallel_loop3A_313 : i32
      %parallel_loop3A_315 = arith.index_cast %parallel_loop3A_314 : i32 to index
      %parallel_loop3A_316 = arith.constant 0 : index
      %parallel_loop3A_317 = tpu.vector_load %arg15[%parallel_loop3A_315, %parallel_loop3A_316] {strides = array<i32>} : memref<8x256xf32, #tpu.memory_space<vmem>>, vector<1x16xf32>,
      %parallel_loop3A_318 = vector.shape_cast %parallel_loop3A_317 : vector<1x16xf32> to vector<16xf32>
      %parallel_loop3A_319 = arith.index_cast %parallel_loop3A_314 : i32 to index
      %parallel_loop3A_320 = arith.constant 0 : index
      %parallel_loop3A_321 = tpu.vector_load %arg16[%parallel_loop3A_319, %parallel_loop3A_320] {strides = array<i32>} : memref<8x256xf32, #tpu.memory_space<vmem>>, vector<1x16xf32>,
      %parallel_loop3A_322 = vector.shape_cast %parallel_loop3A_321 : vector<1x16xf32> to vector<16xf32>
      %parallel_loop3A_323 = arith.mulf %parallel_loop3A_318, %parallel_loop3A_322 : vector<16xf32>
      %parallel_loop3A_324 = arith.index_cast %parallel_loop3A_314 : i32 to index
      %parallel_loop3A_325 = arith.constant 16 : index
      %parallel_loop3A_326 = tpu.vector_load %arg15[%parallel_loop3A_324, %parallel_loop3A_325] {strides = array<i32>} : memref<8x256xf32, #tpu.memory_space<vmem>>, vector<1x16xf32>,
      %parallel_loop3A_327 = vector.shape_cast %parallel_loop3A_326 : vector<1x16xf32> to vector<16xf32>
      %parallel_loop3A_328 = arith.index_cast %parallel_loop3A_314 : i32 to index
      %parallel_loop3A_329 = arith.constant 16 : index
      %parallel_loop3A_330 = tpu.vector_load %arg16[%parallel_loop3A_328, %parallel_loop3A_329] {strides = array<i32>} : memref<8x256xf32, #tpu.memory_space<vmem>>, vector<1x16xf32>,
      %parallel_loop3A_331 = vector.shape_cast %parallel_loop3A_330 : vector<1x16xf32> to vector<16xf32>
      %parallel_loop3A_332 = arith.mulf %parallel_loop3A_327, %parallel_loop3A_331 : vector<16xf32>
      %parallel_loop3A_333 = arith.addf %parallel_loop3A_323, %parallel_loop3A_332 : vector<16xf32>
      %parallel_loop3A_334 = arith.index_cast %parallel_loop3A_314 : i32 to index
      %parallel_loop3A_335 = arith.constant 32 : index
      %parallel_loop3A_336 = tpu.vector_load %arg15[%parallel_loop3A_334, %parallel_loop3A_335] {strides = array<i32>} : memref<8x256xf32, #tpu.memory_space<vmem>>, vector<1x16xf32>,
      %parallel_loop3A_337 = vector.shape_cast %parallel_loop3A_336 : vector<1x16xf32> to vector<16xf32>
      %parallel_loop3A_338 = arith.index_cast %parallel_loop3A_314 : i32 to index
      %parallel_loop3A_339 = arith.constant 32 : index
      %parallel_loop3A_340 = tpu.vector_load %arg16[%parallel_loop3A_338, %parallel_loop3A_339] {strides = array<i32>} : memref<8x256xf32, #tpu.memory_space<vmem>>, vector<1x16xf32>,
      %parallel_loop3A_341 = vector.shape_cast %parallel_loop3A_340 : vector<1x16xf32> to vector<16xf32>
      %parallel_loop3A_342 = arith.mulf %parallel_loop3A_337, %parallel_loop3A_341 : vector<16xf32>
      %parallel_loop3A_343 = arith.addf %parallel_loop3A_333, %parallel_loop3A_342 : vector<16xf32>
      %parallel_loop3A_344 = arith.index_cast %parallel_loop3A_314 : i32 to index
      %parallel_loop3A_345 = arith.constant 48 : index
      %parallel_loop3A_346 = tpu.vector_load %arg15[%parallel_loop3A_344, %parallel_loop3A_345] {strides = array<i32>} : memref<8x256xf32, #tpu.memory_space<vmem>>, vector<1x16xf32>,
      %parallel_loop3A_347 = vector.shape_cast %parallel_loop3A_346 : vector<1x16xf32> to vector<16xf32>
      %parallel_loop3A_348 = arith.index_cast %parallel_loop3A_314 : i32 to index
      %parallel_loop3A_349 = arith.constant 48 : index
      %parallel_loop3A_350 = tpu.vector_load %arg16[%parallel_loop3A_348, %parallel_loop3A_349] {strides = array<i32>} : memref<8x256xf32, #tpu.memory_space<vmem>>, vector<1x16xf32>,
      %parallel_loop3A_351 = vector.shape_cast %parallel_loop3A_350 : vector<1x16xf32> to vector<16xf32>
      %parallel_loop3A_352 = arith.mulf %parallel_loop3A_347, %parallel_loop3A_351 : vector<16xf32>
      %parallel_loop3A_353 = arith.addf %parallel_loop3A_343, %parallel_loop3A_352 : vector<16xf32>
      %parallel_loop3A_354 = arith.index_cast %parallel_loop3A_314 : i32 to index
      %parallel_loop3A_355 = arith.constant 64 : index
      %parallel_loop3A_356 = tpu.vector_load %arg15[%parallel_loop3A_354, %parallel_loop3A_355] {strides = array<i32>} : memref<8x256xf32, #tpu.memory_space<vmem>>, vector<1x16xf32>,
      %parallel_loop3A_357 = vector.shape_cast %parallel_loop3A_356 : vector<1x16xf32> to vector<16xf32>
      %parallel_loop3A_358 = arith.index_cast %parallel_loop3A_314 : i32 to index
      %parallel_loop3A_359 = arith.constant 64 : index
      %parallel_loop3A_360 = tpu.vector_load %arg16[%parallel_loop3A_358, %parallel_loop3A_359] {strides = array<i32>} : memref<8x256xf32, #tpu.memory_space<vmem>>, vector<1x16xf32>,
      %parallel_loop3A_361 = vector.shape_cast %parallel_loop3A_360 : vector<1x16xf32> to vector<16xf32>
      %parallel_loop3A_362 = arith.mulf %parallel_loop3A_357, %parallel_loop3A_361 : vector<16xf32>
      %parallel_loop3A_363 = arith.addf %parallel_loop3A_353, %parallel_loop3A_362 : vector<16xf32>
      %parallel_loop3A_364 = arith.index_cast %parallel_loop3A_314 : i32 to index
      %parallel_loop3A_365 = arith.constant 80 : index
      %parallel_loop3A_366 = tpu.vector_load %arg15[%parallel_loop3A_364, %parallel_loop3A_365] {strides = array<i32>} : memref<8x256xf32, #tpu.memory_space<vmem>>, vector<1x16xf32>,
      %parallel_loop3A_367 = vector.shape_cast %parallel_loop3A_366 : vector<1x16xf32> to vector<16xf32>
      %parallel_loop3A_368 = arith.index_cast %parallel_loop3A_314 : i32 to index
      %parallel_loop3A_369 = arith.constant 80 : index
      %parallel_loop3A_370 = tpu.vector_load %arg16[%parallel_loop3A_368, %parallel_loop3A_369] {strides = array<i32>} : memref<8x256xf32, #tpu.memory_space<vmem>>, vector<1x16xf32>,
      %parallel_loop3A_371 = vector.shape_cast %parallel_loop3A_370 : vector<1x16xf32> to vector<16xf32>
      %parallel_loop3A_372 = arith.mulf %parallel_loop3A_367, %parallel_loop3A_371 : vector<16xf32>
      %parallel_loop3A_373 = arith.addf %parallel_loop3A_363, %parallel_loop3A_372 : vector<16xf32>
      %parallel_loop3A_374 = arith.index_cast %parallel_loop3A_314 : i32 to index
      %parallel_loop3A_375 = arith.constant 96 : index
      %parallel_loop3A_376 = tpu.vector_load %arg15[%parallel_loop3A_374, %parallel_loop3A_375] {strides = array<i32>} : memref<8x256xf32, #tpu.memory_space<vmem>>, vector<1x16xf32>,
      %parallel_loop3A_377 = vector.shape_cast %parallel_loop3A_376 : vector<1x16xf32> to vector<16xf32>
      %parallel_loop3A_378 = arith.index_cast %parallel_loop3A_314 : i32 to index
      %parallel_loop3A_379 = arith.constant 96 : index
      %parallel_loop3A_380 = tpu.vector_load %arg16[%parallel_loop3A_378, %parallel_loop3A_379] {strides = array<i32>} : memref<8x256xf32, #tpu.memory_space<vmem>>, vector<1x16xf32>,
      %parallel_loop3A_381 = vector.shape_cast %parallel_loop3A_380 : vector<1x16xf32> to vector<16xf32>
      %parallel_loop3A_382 = arith.mulf %parallel_loop3A_377, %parallel_loop3A_381 : vector<16xf32>
      %parallel_loop3A_383 = arith.addf %parallel_loop3A_373, %parallel_loop3A_382 : vector<16xf32>
      %parallel_loop3A_384 = arith.index_cast %parallel_loop3A_314 : i32 to index
      %parallel_loop3A_385 = arith.constant 112 : index
      %parallel_loop3A_386 = tpu.vector_load %arg15[%parallel_loop3A_384, %parallel_loop3A_385] {strides = array<i32>} : memref<8x256xf32, #tpu.memory_space<vmem>>, vector<1x16xf32>,
      %parallel_loop3A_387 = vector.shape_cast %parallel_loop3A_386 : vector<1x16xf32> to vector<16xf32>
      %parallel_loop3A_388 = arith.index_cast %parallel_loop3A_314 : i32 to index
      %parallel_loop3A_389 = arith.constant 112 : index
      %parallel_loop3A_390 = tpu.vector_load %arg16[%parallel_loop3A_388, %parallel_loop3A_389] {strides = array<i32>} : memref<8x256xf32, #tpu.memory_space<vmem>>, vector<1x16xf32>,
      %parallel_loop3A_391 = vector.shape_cast %parallel_loop3A_390 : vector<1x16xf32> to vector<16xf32>
      %parallel_loop3A_392 = arith.mulf %parallel_loop3A_387, %parallel_loop3A_391 : vector<16xf32>
      %parallel_loop3A_393 = arith.addf %parallel_loop3A_383, %parallel_loop3A_392 : vector<16xf32>
      %parallel_loop3A_394 = arith.index_cast %parallel_loop3A_314 : i32 to index
      %parallel_loop3A_395 = arith.constant 128 : index
      %parallel_loop3A_396 = tpu.vector_load %arg15[%parallel_loop3A_394, %parallel_loop3A_395] {strides = array<i32>} : memref<8x256xf32, #tpu.memory_space<vmem>>, vector<1x16xf32>,
      %parallel_loop3A_397 = vector.shape_cast %parallel_loop3A_396 : vector<1x16xf32> to vector<16xf32>
      %parallel_loop3A_398 = arith.index_cast %parallel_loop3A_314 : i32 to index
      %parallel_loop3A_399 = arith.constant 128 : index
      %parallel_loop3A_400 = tpu.vector_load %arg16[%parallel_loop3A_398, %parallel_loop3A_399] {strides = array<i32>} : memref<8x256xf32, #tpu.memory_space<vmem>>, vector<1x16xf32>,
      %parallel_loop3A_401 = vector.shape_cast %parallel_loop3A_400 : vector<1x16xf32> to vector<16xf32>
      %parallel_loop3A_402 = arith.mulf %parallel_loop3A_397, %parallel_loop3A_401 : vector<16xf32>
      %parallel_loop3A_403 = arith.addf %parallel_loop3A_393, %parallel_loop3A_402 : vector<16xf32>
      %parallel_loop3A_404 = arith.index_cast %parallel_loop3A_314 : i32 to index
      %parallel_loop3A_405 = arith.constant 144 : index
      %parallel_loop3A_406 = tpu.vector_load %arg15[%parallel_loop3A_404, %parallel_loop3A_405] {strides = array<i32>} : memref<8x256xf32, #tpu.memory_space<vmem>>, vector<1x16xf32>,
      %parallel_loop3A_407 = vector.shape_cast %parallel_loop3A_406 : vector<1x16xf32> to vector<16xf32>
      %parallel_loop3A_408 = arith.index_cast %parallel_loop3A_314 : i32 to index
      %parallel_loop3A_409 = arith.constant 144 : index
      %parallel_loop3A_410 = tpu.vector_load %arg16[%parallel_loop3A_408, %parallel_loop3A_409] {strides = array<i32>} : memref<8x256xf32, #tpu.memory_space<vmem>>, vector<1x16xf32>,
      %parallel_loop3A_411 = vector.shape_cast %parallel_loop3A_410 : vector<1x16xf32> to vector<16xf32>
      %parallel_loop3A_412 = arith.mulf %parallel_loop3A_407, %parallel_loop3A_411 : vector<16xf32>
      %parallel_loop3A_413 = arith.addf %parallel_loop3A_403, %parallel_loop3A_412 : vector<16xf32>
      %parallel_loop3A_414 = arith.index_cast %parallel_loop3A_314 : i32 to index
      %parallel_loop3A_415 = arith.constant 160 : index
      %parallel_loop3A_416 = tpu.vector_load %arg15[%parallel_loop3A_414, %parallel_loop3A_415] {strides = array<i32>} : memref<8x256xf32, #tpu.memory_space<vmem>>, vector<1x16xf32>,
      %parallel_loop3A_417 = vector.shape_cast %parallel_loop3A_416 : vector<1x16xf32> to vector<16xf32>
      %parallel_loop3A_418 = arith.index_cast %parallel_loop3A_314 : i32 to index
      %parallel_loop3A_419 = arith.constant 160 : index
      %parallel_loop3A_420 = tpu.vector_load %arg16[%parallel_loop3A_418, %parallel_loop3A_419] {strides = array<i32>} : memref<8x256xf32, #tpu.memory_space<vmem>>, vector<1x16xf32>,
      %parallel_loop3A_421 = vector.shape_cast %parallel_loop3A_420 : vector<1x16xf32> to vector<16xf32>
      %parallel_loop3A_422 = arith.mulf %parallel_loop3A_417, %parallel_loop3A_421 : vector<16xf32>
      %parallel_loop3A_423 = arith.addf %parallel_loop3A_413, %parallel_loop3A_422 : vector<16xf32>
      %parallel_loop3A_424 = arith.index_cast %parallel_loop3A_314 : i32 to index
      %parallel_loop3A_425 = arith.constant 176 : index
      %parallel_loop3A_426 = tpu.vector_load %arg15[%parallel_loop3A_424, %parallel_loop3A_425] {strides = array<i32>} : memref<8x256xf32, #tpu.memory_space<vmem>>, vector<1x16xf32>,
      %parallel_loop3A_427 = vector.shape_cast %parallel_loop3A_426 : vector<1x16xf32> to vector<16xf32>
      %parallel_loop3A_428 = arith.index_cast %parallel_loop3A_314 : i32 to index
      %parallel_loop3A_429 = arith.constant 176 : index
      %parallel_loop3A_430 = tpu.vector_load %arg16[%parallel_loop3A_428, %parallel_loop3A_429] {strides = array<i32>} : memref<8x256xf32, #tpu.memory_space<vmem>>, vector<1x16xf32>,
      %parallel_loop3A_431 = vector.shape_cast %parallel_loop3A_430 : vector<1x16xf32> to vector<16xf32>
      %parallel_loop3A_432 = arith.mulf %parallel_loop3A_427, %parallel_loop3A_431 : vector<16xf32>
      %parallel_loop3A_433 = arith.addf %parallel_loop3A_423, %parallel_loop3A_432 : vector<16xf32>
      %parallel_loop3A_434 = arith.index_cast %parallel_loop3A_314 : i32 to index
      %parallel_loop3A_435 = arith.constant 192 : index
      %parallel_loop3A_436 = tpu.vector_load %arg15[%parallel_loop3A_434, %parallel_loop3A_435] {strides = array<i32>} : memref<8x256xf32, #tpu.memory_space<vmem>>, vector<1x16xf32>,
      %parallel_loop3A_437 = vector.shape_cast %parallel_loop3A_436 : vector<1x16xf32> to vector<16xf32>
      %parallel_loop3A_438 = arith.index_cast %parallel_loop3A_314 : i32 to index
      %parallel_loop3A_439 = arith.constant 192 : index
      %parallel_loop3A_440 = tpu.vector_load %arg16[%parallel_loop3A_438, %parallel_loop3A_439] {strides = array<i32>} : memref<8x256xf32, #tpu.memory_space<vmem>>, vector<1x16xf32>,
      %parallel_loop3A_441 = vector.shape_cast %parallel_loop3A_440 : vector<1x16xf32> to vector<16xf32>
      %parallel_loop3A_442 = arith.mulf %parallel_loop3A_437, %parallel_loop3A_441 : vector<16xf32>
      %parallel_loop3A_443 = arith.addf %parallel_loop3A_433, %parallel_loop3A_442 : vector<16xf32>
      %parallel_loop3A_444 = arith.index_cast %parallel_loop3A_314 : i32 to index
      %parallel_loop3A_445 = arith.constant 208 : index
      %parallel_loop3A_446 = tpu.vector_load %arg15[%parallel_loop3A_444, %parallel_loop3A_445] {strides = array<i32>} : memref<8x256xf32, #tpu.memory_space<vmem>>, vector<1x16xf32>,
      %parallel_loop3A_447 = vector.shape_cast %parallel_loop3A_446 : vector<1x16xf32> to vector<16xf32>
      %parallel_loop3A_448 = arith.index_cast %parallel_loop3A_314 : i32 to index
      %parallel_loop3A_449 = arith.constant 208 : index
      %parallel_loop3A_450 = tpu.vector_load %arg16[%parallel_loop3A_448, %parallel_loop3A_449] {strides = array<i32>} : memref<8x256xf32, #tpu.memory_space<vmem>>, vector<1x16xf32>,
      %parallel_loop3A_451 = vector.shape_cast %parallel_loop3A_450 : vector<1x16xf32> to vector<16xf32>
      %parallel_loop3A_452 = arith.mulf %parallel_loop3A_447, %parallel_loop3A_451 : vector<16xf32>
      %parallel_loop3A_453 = arith.addf %parallel_loop3A_443, %parallel_loop3A_452 : vector<16xf32>
      %parallel_loop3A_454 = arith.index_cast %parallel_loop3A_314 : i32 to index
      %parallel_loop3A_455 = arith.constant 224 : index
      %parallel_loop3A_456 = tpu.vector_load %arg15[%parallel_loop3A_454, %parallel_loop3A_455] {strides = array<i32>} : memref<8x256xf32, #tpu.memory_space<vmem>>, vector<1x16xf32>,
      %parallel_loop3A_457 = vector.shape_cast %parallel_loop3A_456 : vector<1x16xf32> to vector<16xf32>
      %parallel_loop3A_458 = arith.index_cast %parallel_loop3A_314 : i32 to index
      %parallel_loop3A_459 = arith.constant 224 : index
      %parallel_loop3A_460 = tpu.vector_load %arg16[%parallel_loop3A_458, %parallel_loop3A_459] {strides = array<i32>} : memref<8x256xf32, #tpu.memory_space<vmem>>, vector<1x16xf32>,
      %parallel_loop3A_461 = vector.shape_cast %parallel_loop3A_460 : vector<1x16xf32> to vector<16xf32>
      %parallel_loop3A_462 = arith.mulf %parallel_loop3A_457, %parallel_loop3A_461 : vector<16xf32>
      %parallel_loop3A_463 = arith.addf %parallel_loop3A_453, %parallel_loop3A_462 : vector<16xf32>
      %parallel_loop3A_464 = arith.index_cast %parallel_loop3A_314 : i32 to index
      %parallel_loop3A_465 = arith.constant 240 : index
      %parallel_loop3A_466 = tpu.vector_load %arg15[%parallel_loop3A_464, %parallel_loop3A_465] {strides = array<i32>} : memref<8x256xf32, #tpu.memory_space<vmem>>, vector<1x16xf32>,
      %parallel_loop3A_467 = vector.shape_cast %parallel_loop3A_466 : vector<1x16xf32> to vector<16xf32>
      %parallel_loop3A_468 = arith.index_cast %parallel_loop3A_314 : i32 to index
      %parallel_loop3A_469 = arith.constant 240 : index
      %parallel_loop3A_470 = tpu.vector_load %arg16[%parallel_loop3A_468, %parallel_loop3A_469] {strides = array<i32>} : memref<8x256xf32, #tpu.memory_space<vmem>>, vector<1x16xf32>,
      %parallel_loop3A_471 = vector.shape_cast %parallel_loop3A_470 : vector<1x16xf32> to vector<16xf32>
      %parallel_loop3A_472 = arith.mulf %parallel_loop3A_467, %parallel_loop3A_471 : vector<16xf32>
      %parallel_loop3A_473 = arith.addf %parallel_loop3A_463, %parallel_loop3A_472 : vector<16xf32>
      %parallel_loop3A_474 = vector.shape_cast %xor3A_69 : vector<16xi32> to vector<16x1xi32>
      %parallel_loop3A_475 = vector.shape_cast %parallel_loop3A_474 : vector<16x1xi32> to vector<16xi32>
      %parallel_loop3A_476 = tpu.dynamic_gather %parallel_loop3A_312[%parallel_loop3A_475] in [0] : vector<16xf32>, vector<16xi32> -> vector<16xf32>
      %parallel_loop3A_477 = arith.addf %parallel_loop3A_312, %parallel_loop3A_476 : vector<16xf32>
      %parallel_loop3A_478 = vector.shape_cast %xor3A_69 : vector<16xi32> to vector<16x1xi32>
      %parallel_loop3A_479 = vector.shape_cast %parallel_loop3A_478 : vector<16x1xi32> to vector<16xi32>
      %parallel_loop3A_480 = tpu.dynamic_gather %parallel_loop3A_473[%parallel_loop3A_479] in [0] : vector<16xf32>, vector<16xi32> -> vector<16xf32>
      %parallel_loop3A_481 = arith.addf %parallel_loop3A_473, %parallel_loop3A_480 : vector<16xf32>
      %parallel_loop3A_482 = arith.select %eq3A_82, %parallel_loop3A_477, %parallel_loop3A_481 : vector<16xi1>, vector<16xf32>
      %parallel_loop3A_483 = vector.shape_cast %xor3A_72 : vector<16xi32> to vector<16x1xi32>
      %parallel_loop3A_484 = vector.shape_cast %parallel_loop3A_483 : vector<16x1xi32> to vector<16xi32>
      %parallel_loop3A_485 = tpu.dynamic_gather %parallel_loop3A_482[%parallel_loop3A_484] in [0] : vector<16xf32>, vector<16xi32> -> vector<16xf32>
      %parallel_loop3A_486 = arith.addf %parallel_loop3A_482, %parallel_loop3A_485 : vector<16xf32>
      %parallel_loop3A_487 = vector.shape_cast %xor3A_75 : vector<16xi32> to vector<16x1xi32>
      %parallel_loop3A_488 = vector.shape_cast %parallel_loop3A_487 : vector<16x1xi32> to vector<16xi32>
      %parallel_loop3A_489 = tpu.dynamic_gather %parallel_loop3A_486[%parallel_loop3A_488] in [0] : vector<16xf32>, vector<16xi32> -> vector<16xf32>
      %parallel_loop3A_490 = arith.addf %parallel_loop3A_486, %parallel_loop3A_489 : vector<16xf32>
      %parallel_loop3A_491 = vector.shape_cast %xor3A_78 : vector<16xi32> to vector<16x1xi32>
      %parallel_loop3A_492 = vector.shape_cast %parallel_loop3A_491 : vector<16x1xi32> to vector<16xi32>
      %parallel_loop3A_493 = tpu.dynamic_gather %parallel_loop3A_490[%parallel_loop3A_492] in [0] : vector<16xf32>, vector<16xi32> -> vector<16xf32>
      %parallel_loop3A_494 = arith.addf %parallel_loop3A_490, %parallel_loop3A_493 : vector<16xf32>
      %parallel_loop3A_495 = arith.constant 16 : i32
      %parallel_loop3A_496 = arith.muli %parallel_loop3A_149, %parallel_loop3A_495 : i32
      %parallel_loop3A_497 = arith.index_cast %parallel_loop3A_496 : i32 to index
      %parallel_loop3A_498 = tpu.vector_load %arg18[%parallel_loop3A_497] {strides = array<i32>} : memref<768xf32, #tpu.memory_space<vmem>>, vector<16xf32>,
      %parallel_loop3A_499 = vector.shape_cast %parallel_loop3A_498 : vector<16xf32> to vector<16xf32>
      %parallel_loop3A_500 = vector.shape_cast %parallel_loop3A_494 : vector<16xf32> to vector<16xf32>
      tpu.vector_store %arg18[%parallel_loop3A_497], %parallel_loop3A_500 {strides = array<i32>} : memref<768xf32, #tpu.memory_space<vmem>>, vector<16xf32>,
    } {sc.loop_unroll_factor = 2 : i64, sc.parallel_access}
    %iota3A_85 = tpu.iota {dimensions = array<i32: 0>} : vector<16xi32>
    %shift_right_arithmetic3A_86 = arith.constant 1 : i32
    %shift_right_arithmetic3A_87 = vector.broadcast %shift_right_arithmetic3A_86 : i32 to vector<16xi32>
    %shift_right_arithmetic3A_88 = arith.shrsi %iota3A_85, %shift_right_arithmetic3A_87 : vector<16xi32>
    %get3A = arith.constant 0 : index
    %get3A_89 = tpu.vector_load %arg18[%get3A] {strides = array<i32>} : memref<768xf32, #tpu.memory_space<vmem>>, vector<16xf32>,
    %get3A_90 = vector.shape_cast %get3A_89 : vector<16xf32> to vector<16xf32>
    %get3A_91 = arith.constant 16 : index
    %get3A_92 = tpu.vector_load %arg18[%get3A_91] {strides = array<i32>} : memref<768xf32, #tpu.memory_space<vmem>>, vector<16xf32>,
    %get3A_93 = vector.shape_cast %get3A_92 : vector<16xf32> to vector<16xf32>
    %eq3A_94 = arith.constant 1 : i32
    %eq3A_95 = vector.broadcast %eq3A_94 : i32 to vector<16xi32>
    %eq3A_96 = arith.cmpi eq, %shift_right_arithmetic3A_88, %eq3A_95 : vector<16xi32>
    %select_n3A = arith.select %eq3A_96, %get3A_93, %get3A_90 : vector<16xi1>, vector<16xf32>
    %get3A_97 = arith.constant 32 : index
    %get3A_98 = tpu.vector_load %arg18[%get3A_97] {strides = array<i32>} : memref<768xf32, #tpu.memory_space<vmem>>, vector<16xf32>,
    %get3A_99 = vector.shape_cast %get3A_98 : vector<16xf32> to vector<16xf32>
    %eq3A_100 = arith.constant 2 : i32
    %eq3A_101 = vector.broadcast %eq3A_100 : i32 to vector<16xi32>
    %eq3A_102 = arith.cmpi eq, %shift_right_arithmetic3A_88, %eq3A_101 : vector<16xi32>
    %select_n3A_103 = arith.select %eq3A_102, %get3A_99, %select_n3A : vector<16xi1>, vector<16xf32>
    %get3A_104 = arith.constant 48 : index
    %get3A_105 = tpu.vector_load %arg18[%get3A_104] {strides = array<i32>} : memref<768xf32, #tpu.memory_space<vmem>>, vector<16xf32>,
    %get3A_106 = vector.shape_cast %get3A_105 : vector<16xf32> to vector<16xf32>
    %eq3A_107 = arith.constant 3 : i32
    %eq3A_108 = vector.broadcast %eq3A_107 : i32 to vector<16xi32>
    %eq3A_109 = arith.cmpi eq, %shift_right_arithmetic3A_88, %eq3A_108 : vector<16xi32>
    %select_n3A_110 = arith.select %eq3A_109, %get3A_106, %select_n3A_103 : vector<16xi1>, vector<16xf32>
    %get3A_111 = arith.constant 64 : index
    %get3A_112 = tpu.vector_load %arg18[%get3A_111] {strides = array<i32>} : memref<768xf32, #tpu.memory_space<vmem>>, vector<16xf32>,
    %get3A_113 = vector.shape_cast %get3A_112 : vector<16xf32> to vector<16xf32>
    %eq3A_114 = arith.constant 4 : i32
    %eq3A_115 = vector.broadcast %eq3A_114 : i32 to vector<16xi32>
    %eq3A_116 = arith.cmpi eq, %shift_right_arithmetic3A_88, %eq3A_115 : vector<16xi32>
    %select_n3A_117 = arith.select %eq3A_116, %get3A_113, %select_n3A_110 : vector<16xi1>, vector<16xf32>
    %get3A_118 = arith.constant 80 : index
    %get3A_119 = tpu.vector_load %arg18[%get3A_118] {strides = array<i32>} : memref<768xf32, #tpu.memory_space<vmem>>, vector<16xf32>,
    %get3A_120 = vector.shape_cast %get3A_119 : vector<16xf32> to vector<16xf32>
    %eq3A_121 = arith.constant 5 : i32
    %eq3A_122 = vector.broadcast %eq3A_121 : i32 to vector<16xi32>
    %eq3A_123 = arith.cmpi eq, %shift_right_arithmetic3A_88, %eq3A_122 : vector<16xi32>
    %select_n3A_124 = arith.select %eq3A_123, %get3A_120, %select_n3A_117 : vector<16xi1>, vector<16xf32>
    %get3A_125 = arith.constant 96 : index
    %get3A_126 = tpu.vector_load %arg18[%get3A_125] {strides = array<i32>} : memref<768xf32, #tpu.memory_space<vmem>>, vector<16xf32>,
    %get3A_127 = vector.shape_cast %get3A_126 : vector<16xf32> to vector<16xf32>
    %eq3A_128 = arith.constant 6 : i32
    %eq3A_129 = vector.broadcast %eq3A_128 : i32 to vector<16xi32>
    %eq3A_130 = arith.cmpi eq, %shift_right_arithmetic3A_88, %eq3A_129 : vector<16xi32>
    %select_n3A_131 = arith.select %eq3A_130, %get3A_127, %select_n3A_124 : vector<16xi1>, vector<16xf32>
    %get3A_132 = arith.constant 112 : index
    %get3A_133 = tpu.vector_load %arg18[%get3A_132] {strides = array<i32>} : memref<768xf32, #tpu.memory_space<vmem>>, vector<16xf32>,
    %get3A_134 = vector.shape_cast %get3A_133 : vector<16xf32> to vector<16xf32>
    %eq3A_135 = arith.constant 7 : i32
    %eq3A_136 = vector.broadcast %eq3A_135 : i32 to vector<16xi32>
    %eq3A_137 = arith.cmpi eq, %shift_right_arithmetic3A_88, %eq3A_136 : vector<16xi32>
    %select_n3A_138 = arith.select %eq3A_137, %get3A_134, %select_n3A_131 : vector<16xi1>, vector<16xf32>
    %neg3A = arith.constant 0.000000e+00 : f32
    %neg3A_139 = vector.broadcast %neg3A : f32 to vector<16xf32>
    %neg3A_140 = arith.subf %neg3A_139, %select_n3A_138 : vector<16xf32>
    %exp3A = math.exp %neg3A_140 : vector<16xf32>
    %add3A_141 = arith.constant 1.000000e+00 : f32
    %add3A_142 = vector.broadcast %add3A_141 : f32 to vector<16xf32>
    %add3A_143 = arith.addf %add3A_142, %exp3A : vector<16xf32>
    %div3A = arith.constant 1.000000e+00 : f32
    %div3A_144 = vector.broadcast %div3A : f32 to vector<16xf32>
    %div3A_145 = arith.divf %div3A_144, %add3A_143 : vector<16xf32>
    %swap3A = arith.constant 4992 : index
    %swap3A_146 = tpu.vector_load %arg17[%swap3A] {strides = array<i32>} : memref<5008xf32, #tpu.memory_space<vmem>>, vector<16xf32>,
    %swap3A_147 = vector.shape_cast %swap3A_146 : vector<16xf32> to vector<16xf32>
    %swap3A_148 = vector.shape_cast %div3A_145 : vector<16xf32> to vector<16xf32>
    tpu.vector_store %arg17[%swap3A], %swap3A_148 {strides = array<i32>} : memref<5008xf32, #tpu.memory_space<vmem>>, vector<16xf32>,
    "tpu.region"() ({
      %run_scoped3A = tpu.sem_alloc : memref<!tpu.dma_semaphore, #tpu.memory_space<semaphore_mem>>
      %dma_start3A_149 = arith.constant 0 : i32
      %dma_start3A_150 = tpu.memref_slice %arg17[%dma_start3A_149] : memref<5008xf32, #tpu.memory_space<vmem>> -> memref<5000xf32, #tpu.memory_space<vmem>>
      %dma_start3A_151 = tpu.memref_slice %arg4[%mul3A_2] : memref<160000xf32, #tpu.memory_space<hbm>> -> memref<5000xf32, #tpu.memory_space<hbm>>
      %dma_start3A_152 = tpu.memref_slice %arg4[%mul3A_2] : memref<160000xf32, #tpu.memory_space<hbm>> -> memref<5000xf32, #tpu.memory_space<hbm>>
      %dma_start3A_153 = arith.constant 0 : i32
      %dma_start3A_154 = tpu.memref_slice %arg17[%dma_start3A_153] : memref<5008xf32, #tpu.memory_space<vmem>> -> memref<5000xf32, #tpu.memory_space<vmem>>
      tpu.enqueue_dma source(%dma_start3A_154 : memref<5000xf32, #tpu.memory_space<vmem>>) target(%dma_start3A_152 : memref<5000xf32, #tpu.memory_space<hbm>>) target_semaphore(%run_scoped3A : memref<!tpu.dma_semaphore, #tpu.memory_space<semaphore_mem>>)
      %dma_wait3A_155 = arith.constant 0 : i32
      %dma_wait3A_156 = tpu.memref_slice %arg17[%dma_wait3A_155] : memref<5008xf32, #tpu.memory_space<vmem>> -> memref<5000xf32, #tpu.memory_space<vmem>>
      %dma_wait3A_157 = tpu.memref_slice %arg4[%mul3A_2] : memref<160000xf32, #tpu.memory_space<hbm>> -> memref<5000xf32, #tpu.memory_space<hbm>>
      %dma_wait3A_158 = tpu.memref_slice %arg4[%mul3A_2] : memref<160000xf32, #tpu.memory_space<hbm>> -> memref<5000xf32, #tpu.memory_space<hbm>>
      %dma_wait3A_159 = arith.constant 0 : i32
      %dma_wait3A_160 = tpu.memref_slice %arg17[%dma_wait3A_159] : memref<5008xf32, #tpu.memory_space<vmem>> -> memref<5000xf32, #tpu.memory_space<vmem>>
      tpu.wait_dma2 semaphore(%run_scoped3A : memref<!tpu.dma_semaphore, #tpu.memory_space<semaphore_mem>>) src(%dma_wait3A_160 : memref<5000xf32, #tpu.memory_space<vmem>>) dst(%dma_wait3A_158 : memref<5000xf32, #tpu.memory_space<hbm>>)
      tpu.yield
    }) : () -> ()
    return
  }
}

</mosaic_0001>

<sc_bundles>
// kernel: kernel.3.cloned.1.call-start
scs
__scs_entry_jumppad:
0x0: {  	(pc) =	sbr.rel $0x88, $3  }
0x1: {  	(tag) =	ssettag $0x0;
	lr =	simm.s32 $0x1  }
0x2: {  	[smem:$0x3F9F] =	sst lr;
	_ =	strace $0xD0000000  }
0x3: {  	_ = 	snop  }
0x4: {  	_ = 	snop  }
0x5: {  	_ = 	snop  }
0x6: {  	_ = 	snop  }
0x7: {  	_ = 	snop  }
__scs_overlays_trampoline_lowered:
0x8: {  	[smem:$0x3FAE] =	sst s0  }
0x9: {  	[smem:$0x3FAF] =	sst s1  }
0xa: {  	[smem:$0x3FB0] =	sst s2  }
0xb: {  	[smem:$0x3FB1] =	sst s3  }
0xc: {  	[smem:$0x3FB2] =	sst s4  }
0xd: {  	[smem:$0x3FB3] =	sst s5  }
0xe: {  	[smem:$0x3FB4] =	sst s6  }
0xf: {  	[smem:$0x3FB5] =	sst s7  }
0x10: {  	[smem:$0x3FB6] =	sst s8  }
0x11: {  	[smem:$0x3FB7] =	sst s9;
	s0 =	simm.s32 @!p0 $0x0  }
0x12: {  	s1 =	sld [smem:$0x3F9D];
	s0 =	simm.s32 @p0 $0x1  }
0x13: {  	[smem:$0x3FB8] =	sst s0;
	s0 =	simm.s32 @!p1 $0x0  }
0x14: {  	s2 =	sld [smem:$0x3F9C];
	s0 =	simm.s32 @p1 $0x1  }
0x15: {  	[smem:$0x3FB9] =	sst s0;
	s0 =	simm.s32 @!p2 $0x0  }
0x16: {  	s3 =	sld [smem:$0x3FDB];
	s0 =	simm.s32 @p2 $0x1  }
0x17: {  	s4 =	simm.s32 $0x1BF5;
	[smem:$0x3FBB] =	sst s0  }
0x18: {  	s0 =	sld [smem:$0x3F9E];
	_ =	swait.ge [sflag:s4], $0x0  }
0x19: {  	s7 =	sld [smem:$0x3F9F]  }
0x1a: {  	s8 =	sadd.s32 $0xFFFFE003, lr  }
0x1b: {  	s9 =	sadd.s32 $0xFFFFFEF7, lr;
	s5 =	simm.s32 $0xFFFFFFFF;
	p2 =	slt.u32 s8, $0xFFFFF086  }
0x1c: {  	p1 =	slt.u32 s9, $0xF7A;
	s5 =	simm.s32 @!p2 $0x0  }
0x1d: {  	s5 =	simm.s32 @p1 $0x1;
	p0 =	seq.s32 s7, s2  }
0x1e: {  	s7 =	smul.u32 @!p0 $0xF7A, s2;
	p2 =	seq.s32 @!p0 s5, $0x0  }
0x1f: {  	s9 =	smul.u32 $0xF7A, s1;
	s8 =	simm.s32 @!p0 $0x1BF5;
	p2 =	por !p2, p0  }
0x20: {  	[sflag:s8] =	ssyncset.s32 @!p0 $0xFFFFF086;
	s6 =	sadd.s32 @!p0 s3, s7;
	s7 =	simm.s32 @!p0 $0x108  }
0x21: {  	s3 =	sadd.s32 s3, s9;
	s6 =	sadd.s32 @!p0 $0x88, s6;
	s7 =	simm.s32 @p2 $0x1082  }
0x22: {  	[simem:s7], [sflag:s8] =	dma.local @!p0 [hbm:s6], $0xF7A  }
0x23: {  	s9 =	sor.u32 $0xD0000000, s2;
	s6 =	simm.s32 $0x108;
	_ =	swait.ge @!p0 [sflag:s8], $0x0  }
0x24: {  	s3 =	sadd.s32 $0x88, s3;
	s6 =	simm.s32 @!p1 $0x1082;
	[sflag:s4] =	ssyncset.s32 $0xFFFFF086  }
0x25: {  	[simem:s6], [sflag:s4] =	dma.local [hbm:s3], $0xF7A  }
0x26: {  	[smem:$0x3F9F] =	sst s1;
	(tag) =	ssettag s2;
	_ =	strace s9  }
0x27: {  	s1 =	sld [smem:$0x3FAF]  }
0x28: {  	s2 =	sld [smem:$0x3FB0]  }
0x29: {  	s4 =	sld [smem:$0x3FB2]  }
0x2a: {  	p0 =	seq.s32 s5, $0x0;
	s5 =	sld [smem:$0x3FB3]  }
0x2b: {  	s6 =	sld [smem:$0x3FB4]  }
0x2c: {  	s7 =	sld [smem:$0x3FB5]  }
0x2d: {  	s3 =	simm.s32 $0x108;
	s8 =	sld [smem:$0x3FB6]  }
0x2e: {  	s3 =	simm.s32 @!p0 $0x1082;
	s9 =	sld [smem:$0x3FB7]  }
0x2f: {  	lr =	sadd.s32 s0, s3;
	s0 =	sld [smem:$0x3FAE]  }
0x30: {  	s3 =	sld [smem:$0x3FB1]  }
0x31: {  	[smem:$0x3FBA] =	sst s10  }
0x32: {  	s10 =	sld [smem:$0x3FB8];
	_ =	sdelay $0x3  }
0x33: {  	p0 =	seq.s32 s10, $0x1;
	s10 =	sld [smem:$0x3FBA];
	_ =	sdelay $0x3  }
0x34: {  	[smem:$0x3FBA] =	sst s10  }
0x35: {  	s10 =	sld [smem:$0x3FB9];
	_ =	sdelay $0x3  }
0x36: {  	p1 =	seq.s32 s10, $0x1;
	s10 =	sld [smem:$0x3FBA];
	_ =	sdelay $0x3  }
0x37: {  	[smem:$0x3FBA] =	sst s10  }
0x38: {  	s10 =	sld [smem:$0x3FBB]  }
0x39: {  	_ = 	snop;
	(pc) =	sbr.ind lr, $3  }
0x3a: {  	_ = 	snop  }
0x3b: {  	_ = 	snop  }
0x3c: {  	p2 =	seq.s32 s10, $0x1;
	s10 =	sld [smem:$0x3FBA]  }
0x3d: {  	_ =	shalt  }
0x3e: {  	_ =	shalt  }
0x3f: {  	_ =	shalt  }
0x40: {  	_ =	shalt  }
0x41: {  	_ =	shalt  }
0x42: {  	_ =	shalt  }
0x43: {  	_ =	shalt  }
0x44: {  	_ =	shalt  }
0x45: {  	_ =	shalt  }
0x46: {  	_ =	shalt  }
0x47: {  	_ =	shalt  }
0x48: {  	_ =	shalt  }
0x49: {  	_ =	shalt  }
0x4a: {  	_ =	shalt  }
0x4b: {  	_ =	shalt  }
0x4c: {  	_ =	shalt  }
0x4d: {  	_ =	shalt  }
0x4e: {  	_ =	shalt  }
0x4f: {  	_ =	shalt  }
0x50: {  	_ =	shalt  }
0x51: {  	_ =	shalt  }
0x52: {  	_ =	shalt  }
0x53: {  	_ =	shalt  }
0x54: {  	_ =	shalt  }
0x55: {  	_ =	shalt  }
0x56: {  	_ =	shalt  }
0x57: {  	_ =	shalt  }
0x58: {  	_ =	shalt  }
0x59: {  	_ =	shalt  }
0x5a: {  	_ =	shalt  }
0x5b: {  	_ =	shalt  }
0x5c: {  	_ =	shalt  }
0x5d: {  	_ =	shalt  }
0x5e: {  	_ =	shalt  }
0x5f: {  	_ =	shalt  }
0x60: {  	_ =	shalt  }
0x61: {  	_ =	shalt  }
0x62: {  	_ =	shalt  }
0x63: {  	_ =	shalt  }
0x64: {  	_ =	shalt  }
0x65: {  	_ =	shalt  }
0x66: {  	_ =	shalt  }
0x67: {  	_ =	shalt  }
0x68: {  	_ =	shalt  }
0x69: {  	_ =	shalt  }
0x6a: {  	_ =	shalt  }
0x6b: {  	_ =	shalt  }
0x6c: {  	_ =	shalt  }
0x6d: {  	_ =	shalt  }
0x6e: {  	_ =	shalt  }
0x6f: {  	_ =	shalt  }
0x70: {  	_ =	shalt  }
0x71: {  	_ =	shalt  }
0x72: {  	_ =	shalt  }
0x73: {  	_ =	shalt  }
0x74: {  	_ =	shalt  }
0x75: {  	_ =	shalt  }
0x76: {  	_ =	shalt  }
0x77: {  	_ =	shalt  }
0x78: {  	_ =	shalt  }
0x79: {  	_ =	shalt  }
0x7a: {  	_ =	shalt  }
0x7b: {  	_ =	shalt  }
0x7c: {  	_ =	shalt  }
0x7d: {  	_ =	shalt  }
0x7e: {  	_ =	shalt  }
0x7f: {  	_ =	shalt  }
0x80: {  	_ =	shalt  }
0x81: {  	_ =	shalt  }
0x82: {  	_ =	shalt  }
0x83: {  	_ =	shalt  }
0x84: {  	_ =	shalt  }
0x85: {  	_ =	shalt  }
0x86: {  	_ =	shalt  }
0x87: {  	_ =	shalt  }
.Lfunc_end0:
.L_simem_size_0:
called_computation_lowered:
.L_overlay_start_0:
0x88: {  	s2 =	sld [smem:$0x3FD9]  }
0x89: {  	s3 =	sld [smem:$0x3FFE];
	_ =	sdelay $0x1  }
0x8a: {  	s1 =	srdreg.scid  }
0x8b: {  	s0 =	sand.u32 $0x1, s1  }
0x8c: {  	s17 =	sshll.u32 s0, $0xA;
	s2 =	sadd.s32 s3, s2  }
0x8d: {  	s2 =	sadd.s32 s2, s17  }
0x8e: {  	[smem:$0x3FC6] =	sst s2  }
0x8f: {  	_ = 	snop  }
0x90: {  	s2 =	sld [smem:$0x3FC9]  }
0x91: {  	s18 =	sld [smem:$0x3FD0];
	(tm) =	ssettm $0x1  }
0x92: {  	s4 =	sld [smem:$0x3FFB];
	_ =	sdelay $0x3  }
0x93: {  	_ =	strace s4  }
0x94: {  	s4 =	sld [smem:$0x3FFC];
	_ =	sdelay $0x3  }
0x95: {  	_ =	strace s4  }
0x96: {  	s4 =	sld [smem:$0x3FFD];
	_ =	sdelay $0x3  }
0x97: {  	_ =	strace s4  }
0x98: {  	_ =	strace $0x8FFFFFFF  }
0x99: {  	s19 =	sld [smem:$0x3FDB];
	_ =	sdelay $0x1  }
0x9a: {  	s5 =	simm.s32 $_scs_section_size  }
0x9b: {  	s6 =	simm.s32 $_size__tile_overlayer_lowered;
	s7 =	simm.s32 $_tile_overlayer_lowered  }
0x9c: {  	s22 =	simm.s32 $0x1BFF;
	s21 =	sshll.u32 s7, $0x1;
	s4 =	sadd.s32 s5, s19  }
0x9d: {  	s8 =	simm.s32 $0x0;
	s20 =	sshll.u32 s6, $0x1;
	s6 =	sadd.s32 s21, s4  }
0x9e: {  	[timem:s8], [sflag:s22] =	dma.local [hbm:s6], s20  }
0x9f: {  	_ =	swait.ge [sflag:s22], s20  }
0xa0: {  	s5 =	ssub.s32 $0x0, s20;
	[sflag:s22] =	ssyncset.done $0x0  }
0xa1: {  	[sflag:s22] =	ssyncadd.s32 s5;
	_ =	sdelay $0x1  }
0xa2: {  	s23 =	simm.s32 $0x1B8B  }
0xa3: {  	_ =	swait.ge [sflag:s23], $0x1  }
0xa4: {  	[sflag:s23] =	ssyncset.done $0x0  }
0xa5: {  	s25 =	simm.s32 $0x1B8E;
	s24 =	sld [smem:$0x3FFE];
	[sflag:s23] =	ssyncadd.s32 $0xFFFFFFFF  }
0xa6: {  	s26 =	simm.s32 $execute0_lowered;
	[smem:$0x3FD2] =	sst s25  }
0xa7: {  	s6 =	sshll.u32 s26, $0x1;
	_ =	strace $0x80000046;
	[dreg:$0x1] =	wrdreg $0xFFFFFFFF  }
0xa8: {  	s28 =	simm.s32 $_size_execute0_lowered;
	s4 =	sadd.s32 s4, s6;
	[dreg:$0x0] =	wrdreg $0x0  }
0xa9: {  	s6 =	sshll.u32 s28, $0x1;
	[dreg:$0x2] =	wrdreg s4  }
0xaa: {  	[dreg:$0x3] =	wrdreg s6  }
0xab: {  	[dreg:$0x4] =	wrdreg $0xC0  }
0xac: {  	_ =	task [dreg:s8], $0x5FFFF  }
0xad: {  	[dreg:$0x1] =	wrdreg $0xFFFFFFFF  }
0xae: {  	[dreg:$0x0] =	wrdreg $0x60  }
0xaf: {  	[dreg:$0x2] =	wrdreg s2  }
0xb0: {  	[dreg:$0x3] =	wrdreg s24  }
0xb1: {  	[dreg:$0x4] =	wrdreg s18  }
0xb2: {  	[dreg:$0x5] =	wrdreg $0x9  }
0xb3: {  	_ =	task.clear_ibuf [dreg:s8], $0x6FFFF;
	_ =	strace $0x90000046  }
0xb4: {  	s29 =	simm.s32 $0x9;
	_ =	strace $0x80000048  }
0xb5: {  	_ =	swait.ge [sflag:s29], $0x1  }
0xb6: {  	[sflag:s29] =	ssyncadd.s32 $0xFFFFFFFF  }
0xb7: {  	_ =	strace $0x90000048  }
0xb8: {  	_ =	sfence  }
0xb9: {  	s30 =	sld [smem:$0x0];
	_ =	sdelay $0x2  }
0xba: {  	s31 =	sshll.u32 s1, $0xD;
	s1 =	sshrl.u32 s1, $0x2  }
0xbb: {  	s3 =	sand.u32 $0x4000, s31;
	s1 =	sadd.s32 s1, s30  }
0xbc: {  	s0 =	sor.u32 s3, s0;
	s1 =	sshll.u32 s1, $0x11  }
0xbd: {  	s0 =	sor.u32 s1, s0  }
0xbe: {  	s0 =	sadd.s32 $0x8F2B, s0  }
0xbf: {  	[sflag:s0] =	ssyncadd.remote.s32 $0x1  }
0xc0: {  	_ =	sfence.sel $0xFFFF  }
0xc1: {  	[dreg:$0x0] =	wrdreg $0xFFFFFFFF;
	(pc) =	sbr.abs _section_cstart, $3  }
0xc2: {  	[dreg:$0x1] =	wrdreg $0xFFFFFFFF  }
0xc3: {  	_ =	task.clear_ibuf [dreg:s8], $0x2FFFF;
	_ =	strace $0x9FFFFFFF  }
0xc4: {  	(tm) =	ssettm $0x7FFFFFFF  }
0xc5: {  	_ =	shalt  }
tec
execute0_lowered:
.L_overlay_start_1:
0x0: {  	(tag) =	ssettag $0x1  }
0x1: {  	v0 =	vimm.s32 $0xEFCDAB89;
	v1 =	vimm.s32 $0x67452301;
	v2 =	vlaneseq.u32  }
0x2: {  	s1 =	rddreg [dreg:$0x0];
	vm0 =	vcmask $0xB08;
	vm1 =	vcmask $0x300;
	v5 =	vimm.s32 $0x54761032  }
0x3: {  	s0 =	srdreg.scid;
	s3 =	stileid.u32;
	v6 =	vimm.s32 $0xBA98FEDC;
	v0 =	vunpack.c.l.s4.s8 v0;
	v1 =	vunpack.c.l.s4.s8 v1  }
0x4: {  	s2 =	rddreg [dreg:$0x1];
	v7 =	vimm.s32 $0x32107654;
	vm2 =	vmmov $0x3;
	s0 =	sand.u32 $0x1, s0;
	s3 =	sshll.u32 s3, $0x1;
	v61 =	vand.u32 $0x7, v2  }
0x5: {  	s5 =	rddreg [dreg:$0x2];
	vm0 =	vmor vm1, vm0;
	s4 =	sor.u32 s0, s3;
	v3 =	vunpack.c.0.s8.s32 v0;
	v1 =	vunpack.c.0.s8.s32 v1  }
0x6: {  	vm1 =	vcmask $0x1310;
	v4 =	vshrl.u32 v2, $0x3;
	v5 =	vunpack.c.l.s4.s8 v5;
	s3 =	simm.s32 $0x0;
	s0 =	ssub.s32 $0x2, s0;
	s6 =	smul.u32 $0x1388, s4  }
0x7: {  	s31 =	sadd.s32 $0x400, s2;
	v6 =	vunpack.c.l.s4.s8 v6;
	[smem:$0x7FF] =	sst s3;
	s21 =	sshrl.u32 s0, $0x1;
	v3 =	vcombine.low v1, v3;
	v1 =	vimm.s32 $0xDCFE98BA  }
0x8: {  	vm0 =	vmor vm0, vm1;
	vm1 =	vcmask $0x1B18;
	_ =	strace $0x80000047;
	[dreg:$0x4] =	wrdreg s31;
	s26 =	sadd.s32 $0xC0, s6;
	v1 =	vunpack.c.l.s4.s8 v1  }
0x9: {  	v7 =	vunpack.c.l.s4.s8 v7;
	vm0 =	vmor vm0, vm1;
	vm1 =	vcmask $0x2320;
	s0 =	ssub.s32 s0, s21;
	s28 =	sadd.s32 $0x120, s6;
	[dreg:$0x9] =	wrdreg s26  }
0xa: {  	v5 =	vunpack.c.0.s8.s32 v5;
	v6 =	vunpack.c.0.s8.s32 v6;
	s7 =	sshrl.u32 s6, $0x3;
	s0 =	smax.u32 s0, $0x1;
	[dreg:$0xa] =	wrdreg s28;
	v1 =	vunpack.c.0.s8.s32 v1  }
0xb: {  	v7 =	vunpack.c.0.s8.s32 v7;
	v0 =	vmul.u32 $0x8, v4;
	vm0 =	vmor vm0, vm1;
	s22 =	sadd.s32 s31, s7;
	[dreg:$0xe] =	wrdreg s0  }
0xc: {  	vm1 =	vcmask $0x2B28;
	s30 =	sadd.s32 s5, s7;
	[dreg:$0x5] =	wrdreg s22;
	v5 =	vcombine.low v5, v1;
	v1 =	vimm.s32 $0xFEDCBA98  }
0xd: {  	v6 =	vcombine.low v7, v6;
	v7 =	vimm.s32 $0x76543210;
	s23 =	sadd.s32 $0x4E20, s22;
	[dreg:$0xd] =	wrdreg s30;
	v8 =	vunpack.c.l.s4.s8 v1  }
0xe: {  	vm0 =	vmor vm0, vm1;
	vm1 =	vcmask $0x3330;
	v7 =	vunpack.c.l.s4.s8 v7;
	s24 =	sadd.s32 $0xC, s22;
	[dreg:$0x6] =	wrdreg s23  }
0xf: {  	vm0 =	vmor vm0, vm1;
	vm1 =	vcmask $0x3B38;
	s25 =	sadd.s32 $0x4E2C, s22;
	[dreg:$0x7] =	wrdreg s24;
	v8 =	vunpack.c.0.s8.s32 v8  }
0x10: {  	[tilespmem:$0x1FFD0] =	vst v0;
	v0 =	vor.u32 $0x8, v2;
	s29 =	sadd.s32 $0x270, s22;
	vm0 =	vmor vm0, vm1;
	[dreg:$0x8] =	wrdreg s25;
	v7 =	vunpack.c.0.s8.s32 v7  }
0x11: {  	[tilespmem:$0x1FFF0] =	vst v61;
	s2 =	sadd.s32 $0x5090, s22;
	vm1 =	vmmov $0xffff;
	v3 =	vand.u32 $0xF, v3;
	[dreg:$0xb] =	wrdreg s29;
	v8 =	vand.u32 $0xF, v8  }
0x12: {  	s6 =	simm.s32 $0x9;
	[tilespmem:$0x1FFE0] =	vst v0;
	[dreg:$0xc] =	wrdreg s2;
	s2 =	simm.s32 $0x0;
	v4 =	vand.u32 $0xF, v5;
	v5 =	vand.u32 $0xF, v6;
	v6 =	vcombine.low v8, v7  }
.LBB2_1:
0x13: {  	[dreg:$0xf] =	wrdreg s2  }
0x14: {  	s0 =	rddreg [dreg:$0x5]  }
0x15: {  	[tilespmem:s3], [sflag:$0x9] =	stream.linear.gather [hbm4b:s0+s3], $0x60, $0x38;
	[tilespmem:$0x1AD00] =	vst v63  }
0x16: {  	_ =	swait.ge [sflag:s6], $0x60  }
0x17: {  	[sflag:s6] =	ssyncset.done $0x0  }
0x18: {  	s29 =	simm.s32 $0x80;
	s28 =	rddreg [dreg:$0x6];
	[sflag:s6] =	ssyncadd.s32 $0xFFFFFFA0  }
0x19: {  	[tilespmem:s29], [sflag:$0x9] =	stream.linear.gather [hbm4b:s28+s3], $0x60, $0x38;
	[tilespmem:$0x1AD00] =	vst v63  }
0x1a: {  	_ =	swait.ge [sflag:s6], $0x60  }
0x1b: {  	[sflag:s6] =	ssyncset.done $0x0  }
0x1c: {  	[sflag:s6] =	ssyncadd.s32 $0xFFFFFFA0  }
0x1d: {  	v7 =	vld [tilespmem:$0x0];
	_ =	sdelay $0x3  }
0x1e: {  	v0 =	vld [tilespmem:$0x1FFD0]  }
0x1f: {  	v1 =	vld [tilespmem:$0x1FFE0];
	v8 =	vshll.u32 v7, $0x1  }
0x20: {  	v7 =	vand.u32 $0x7, v7;
	v8 =	vand.u32 $0xFFFFFFF0, v8  }
0x21: {  	v7 =	vor.u32 v7, v8  }
0x22: {  	v8 =	vperm.xlane v7, v61;
	_ =	sdelay $0x1  }
0x23: {  	v7 =	vperm.xlane v7, v1;
	v8 =	vadd.s32 v0, v8;
	_ =	sdelay $0x1  }
0x24: {  	v7 =	vadd.s32 v0, v7;
	_ =	sdelay $0x1  }
0x25: {  	s30 =	simm.s32 $0x200  }
0x26: {  	[tilespmem:s30], [sflag:$0x1] =	stream.indirect_vreg.gather [hbm4b:s1+s3], $0x80, v8, vm1, $0xb8;
	[tilespmem:$0x1AD00] =	vst v63  }
0x27: {  	s2 =	simm.s32 $0xA00  }
0x28: {  	[tilespmem:s2], [sflag:$0x1] =	stream.indirect_vreg.gather [hbm4b:s1+s3], $0x80, v7, vm1, $0xb8;
	[tilespmem:$0x1AD00] =	vst v63  }
0x29: {  	v7 =	vld [tilespmem:$0x10];
	_ =	sdelay $0x4  }
0x2a: {  	v8 =	vshll.u32 v7, $0x1  }
0x2b: {  	v7 =	vand.u32 $0x7, v7;
	v8 =	vand.u32 $0xFFFFFFF0, v8  }
0x2c: {  	v7 =	vor.u32 v7, v8  }
0x2d: {  	v8 =	vperm.xlane v7, v61;
	_ =	sdelay $0x1  }
0x2e: {  	v7 =	vperm.xlane v7, v1;
	v8 =	vadd.s32 v0, v8;
	_ =	sdelay $0x1  }
0x2f: {  	v7 =	vadd.s32 v0, v7;
	_ =	sdelay $0x1  }
0x30: {  	s4 =	simm.s32 $0x1200  }
0x31: {  	[tilespmem:s4], [sflag:$0x1] =	stream.indirect_vreg.gather [hbm4b:s1+s3], $0x80, v8, vm1, $0xb8;
	[tilespmem:$0x1AD00] =	vst v63  }
0x32: {  	s5 =	simm.s32 $0x1A00  }
0x33: {  	[tilespmem:s5], [sflag:$0x1] =	stream.indirect_vreg.gather [hbm4b:s1+s3], $0x80, v7, vm1, $0xb8;
	[tilespmem:$0x1AD00] =	vst v63  }
0x34: {  	v7 =	vld [tilespmem:$0x20];
	_ =	sdelay $0x4  }
0x35: {  	v8 =	vshll.u32 v7, $0x1  }
0x36: {  	v7 =	vand.u32 $0x7, v7;
	v8 =	vand.u32 $0xFFFFFFF0, v8  }
0x37: {  	v7 =	vor.u32 v7, v8  }
0x38: {  	v8 =	vperm.xlane v7, v61;
	_ =	sdelay $0x1  }
0x39: {  	v7 =	vperm.xlane v7, v1;
	v8 =	vadd.s32 v0, v8;
	_ =	sdelay $0x1  }
0x3a: {  	v7 =	vadd.s32 v0, v7;
	_ =	sdelay $0x1  }
0x3b: {  	s6 =	simm.s32 $0x2200  }
0x3c: {  	[tilespmem:s6], [sflag:$0x1] =	stream.indirect_vreg.gather [hbm4b:s1+s3], $0x80, v8, vm1, $0xb8;
	[tilespmem:$0x1AD00] =	vst v63  }
0x3d: {  	s7 =	simm.s32 $0x2A00  }
0x3e: {  	[tilespmem:s7], [sflag:$0x1] =	stream.indirect_vreg.gather [hbm4b:s1+s3], $0x80, v7, vm1, $0xb8;
	[tilespmem:$0x1AD00] =	vst v63  }
0x3f: {  	v7 =	vld [tilespmem:$0x30];
	_ =	sdelay $0x4  }
0x40: {  	v8 =	vshll.u32 v7, $0x1  }
0x41: {  	v7 =	vand.u32 $0x7, v7;
	v8 =	vand.u32 $0xFFFFFFF0, v8  }
0x42: {  	v7 =	vor.u32 v7, v8  }
0x43: {  	v8 =	vperm.xlane v7, v61;
	_ =	sdelay $0x1  }
0x44: {  	v7 =	vperm.xlane v7, v1;
	v8 =	vadd.s32 v0, v8;
	_ =	sdelay $0x1  }
0x45: {  	v7 =	vadd.s32 v0, v7;
	_ =	sdelay $0x1  }
0x46: {  	s8 =	simm.s32 $0x3200  }
0x47: {  	[tilespmem:s8], [sflag:$0x1] =	stream.indirect_vreg.gather [hbm4b:s1+s3], $0x80, v8, vm1, $0xb8;
	[tilespmem:$0x1AD00] =	vst v63  }
0x48: {  	s9 =	simm.s32 $0x3A00  }
0x49: {  	[tilespmem:s9], [sflag:$0x1] =	stream.indirect_vreg.gather [hbm4b:s1+s3], $0x80, v7, vm1, $0xb8;
	[tilespmem:$0x1AD00] =	vst v63  }
0x4a: {  	v7 =	vld [tilespmem:$0x40];
	_ =	sdelay $0x4  }
0x4b: {  	v8 =	vshll.u32 v7, $0x1  }
0x4c: {  	v7 =	vand.u32 $0x7, v7;
	v8 =	vand.u32 $0xFFFFFFF0, v8  }
0x4d: {  	v7 =	vor.u32 v7, v8  }
0x4e: {  	v8 =	vperm.xlane v7, v61;
	_ =	sdelay $0x1  }
0x4f: {  	v7 =	vperm.xlane v7, v1;
	v8 =	vadd.s32 v0, v8;
	_ =	sdelay $0x1  }
0x50: {  	v7 =	vadd.s32 v0, v7;
	_ =	sdelay $0x1  }
0x51: {  	s10 =	simm.s32 $0x4200  }
0x52: {  	[tilespmem:s10], [sflag:$0x1] =	stream.indirect_vreg.gather [hbm4b:s1+s3], $0x80, v8, vm1, $0xb8;
	[tilespmem:$0x1AD00] =	vst v63  }
0x53: {  	s11 =	simm.s32 $0x4A00  }
0x54: {  	[tilespmem:s11], [sflag:$0x1] =	stream.indirect_vreg.gather [hbm4b:s1+s3], $0x80, v7, vm1, $0xb8;
	[tilespmem:$0x1AD00] =	vst v63  }
0x55: {  	v7 =	vld [tilespmem:$0x50];
	_ =	sdelay $0x4  }
0x56: {  	v8 =	vshll.u32 v7, $0x1  }
0x57: {  	v7 =	vand.u32 $0x7, v7;
	v8 =	vand.u32 $0xFFFFFFF0, v8  }
0x58: {  	v7 =	vor.u32 v7, v8  }
0x59: {  	v8 =	vperm.xlane v7, v61;
	_ =	sdelay $0x1  }
0x5a: {  	v7 =	vperm.xlane v7, v1;
	v8 =	vadd.s32 v0, v8;
	_ =	sdelay $0x1  }
0x5b: {  	v7 =	vadd.s32 v0, v7;
	_ =	sdelay $0x1  }
0x5c: {  	s12 =	simm.s32 $0x5200  }
0x5d: {  	[tilespmem:s12], [sflag:$0x1] =	stream.indirect_vreg.gather [hbm4b:s1+s3], $0x80, v8, vm1, $0xb8;
	[tilespmem:$0x1AD00] =	vst v63  }
0x5e: {  	s13 =	simm.s32 $0x5A00  }
0x5f: {  	[tilespmem:s13], [sflag:$0x1] =	stream.indirect_vreg.gather [hbm4b:s1+s3], $0x80, v7, vm1, $0xb8;
	[tilespmem:$0x1AD00] =	vst v63  }
0x60: {  	v7 =	vld [tilespmem:$0x80];
	_ =	sdelay $0x4  }
0x61: {  	v8 =	vshll.u32 v7, $0x1  }
0x62: {  	v7 =	vand.u32 $0x7, v7;
	v8 =	vand.u32 $0xFFFFFFF0, v8  }
0x63: {  	v7 =	vor.u32 v7, v8  }
0x64: {  	v8 =	vperm.xlane v7, v61;
	_ =	sdelay $0x1  }
0x65: {  	v7 =	vperm.xlane v7, v1;
	v8 =	vadd.s32 v0, v8;
	_ =	sdelay $0x1  }
0x66: {  	v7 =	vadd.s32 v0, v7;
	_ =	sdelay $0x1  }
0x67: {  	s14 =	simm.s32 $0x6200  }
0x68: {  	[tilespmem:s14], [sflag:$0x2] =	stream.indirect_vreg.gather [hbm4b:s1+s3], $0x80, v8, vm1, $0xb8;
	[tilespmem:$0x1AD00] =	vst v63  }
0x69: {  	s15 =	simm.s32 $0x6A00  }
0x6a: {  	[tilespmem:s15], [sflag:$0x2] =	stream.indirect_vreg.gather [hbm4b:s1+s3], $0x80, v7, vm1, $0xb8;
	[tilespmem:$0x1AD00] =	vst v63  }
0x6b: {  	v7 =	vld [tilespmem:$0x90];
	_ =	sdelay $0x4  }
0x6c: {  	v8 =	vshll.u32 v7, $0x1  }
0x6d: {  	v7 =	vand.u32 $0x7, v7;
	v8 =	vand.u32 $0xFFFFFFF0, v8  }
0x6e: {  	v7 =	vor.u32 v7, v8  }
0x6f: {  	v8 =	vperm.xlane v7, v61;
	_ =	sdelay $0x1  }
0x70: {  	v7 =	vperm.xlane v7, v1;
	v8 =	vadd.s32 v0, v8;
	_ =	sdelay $0x1  }
0x71: {  	v7 =	vadd.s32 v0, v7;
	_ =	sdelay $0x1  }
0x72: {  	s16 =	simm.s32 $0x7200  }
0x73: {  	[tilespmem:s16], [sflag:$0x2] =	stream.indirect_vreg.gather [hbm4b:s1+s3], $0x80, v8, vm1, $0xb8;
	[tilespmem:$0x1AD00] =	vst v63  }
0x74: {  	s17 =	simm.s32 $0x7A00  }
0x75: {  	[tilespmem:s17], [sflag:$0x2] =	stream.indirect_vreg.gather [hbm4b:s1+s3], $0x80, v7, vm1, $0xb8;
	[tilespmem:$0x1AD00] =	vst v63  }
0x76: {  	v7 =	vld [tilespmem:$0xA0];
	_ =	sdelay $0x4  }
0x77: {  	v8 =	vshll.u32 v7, $0x1  }
0x78: {  	v7 =	vand.u32 $0x7, v7;
	v8 =	vand.u32 $0xFFFFFFF0, v8  }
0x79: {  	v7 =	vor.u32 v7, v8  }
0x7a: {  	v8 =	vperm.xlane v7, v61;
	_ =	sdelay $0x1  }
0x7b: {  	v7 =	vperm.xlane v7, v1;
	v8 =	vadd.s32 v0, v8;
	_ =	sdelay $0x1  }
0x7c: {  	v7 =	vadd.s32 v0, v7;
	_ =	sdelay $0x1  }
0x7d: {  	s18 =	simm.s32 $0x8200  }
0x7e: {  	[tilespmem:s18], [sflag:$0x2] =	stream.indirect_vreg.gather [hbm4b:s1+s3], $0x80, v8, vm1, $0xb8;
	[tilespmem:$0x1AD00] =	vst v63  }
0x7f: {  	s19 =	simm.s32 $0x8A00  }
0x80: {  	[tilespmem:s19], [sflag:$0x2] =	stream.indirect_vreg.gather [hbm4b:s1+s3], $0x80, v7, vm1, $0xb8;
	[tilespmem:$0x1AD00] =	vst v63  }
0x81: {  	v7 =	vld [tilespmem:$0xB0];
	_ =	sdelay $0x4  }
0x82: {  	v8 =	vshll.u32 v7, $0x1  }
0x83: {  	v7 =	vand.u32 $0x7, v7;
	v8 =	vand.u32 $0xFFFFFFF0, v8  }
0x84: {  	v7 =	vor.u32 v7, v8  }
0x85: {  	v8 =	vperm.xlane v7, v61;
	_ =	sdelay $0x1  }
0x86: {  	v7 =	vperm.xlane v7, v1;
	v8 =	vadd.s32 v0, v8;
	_ =	sdelay $0x1  }
0x87: {  	v7 =	vadd.s32 v0, v7;
	_ =	sdelay $0x1  }
0x88: {  	s20 =	simm.s32 $0x9200  }
0x89: {  	[tilespmem:s20], [sflag:$0x2] =	stream.indirect_vreg.gather [hbm4b:s1+s3], $0x80, v8, vm1, $0xb8;
	[tilespmem:$0x1AD00] =	vst v63  }
0x8a: {  	s21 =	simm.s32 $0x9A00  }
0x8b: {  	[tilespmem:s21], [sflag:$0x2] =	stream.indirect_vreg.gather [hbm4b:s1+s3], $0x80, v7, vm1, $0xb8;
	[tilespmem:$0x1AD00] =	vst v63  }
0x8c: {  	v7 =	vld [tilespmem:$0xC0];
	_ =	sdelay $0x4  }
0x8d: {  	v8 =	vshll.u32 v7, $0x1  }
0x8e: {  	v7 =	vand.u32 $0x7, v7;
	v8 =	vand.u32 $0xFFFFFFF0, v8  }
0x8f: {  	v7 =	vor.u32 v7, v8  }
0x90: {  	v8 =	vperm.xlane v7, v61;
	_ =	sdelay $0x1  }
0x91: {  	v7 =	vperm.xlane v7, v1;
	v8 =	vadd.s32 v0, v8;
	_ =	sdelay $0x1  }
0x92: {  	v7 =	vadd.s32 v0, v7;
	_ =	sdelay $0x1  }
0x93: {  	s22 =	simm.s32 $0xA200  }
0x94: {  	[tilespmem:s22], [sflag:$0x2] =	stream.indirect_vreg.gather [hbm4b:s1+s3], $0x80, v8, vm1, $0xb8;
	[tilespmem:$0x1AD00] =	vst v63  }
0x95: {  	s23 =	simm.s32 $0xAA00  }
0x96: {  	[tilespmem:s23], [sflag:$0x2] =	stream.indirect_vreg.gather [hbm4b:s1+s3], $0x80, v7, vm1, $0xb8;
	[tilespmem:$0x1AD00] =	vst v63  }
0x97: {  	v7 =	vld [tilespmem:$0xD0];
	_ =	sdelay $0x4  }
0x98: {  	v8 =	vshll.u32 v7, $0x1  }
0x99: {  	v7 =	vand.u32 $0x7, v7;
	v8 =	vand.u32 $0xFFFFFFF0, v8  }
0x9a: {  	v7 =	vor.u32 v7, v8  }
0x9b: {  	v8 =	vperm.xlane v7, v61;
	_ =	sdelay $0x1  }
0x9c: {  	v7 =	vperm.xlane v7, v1;
	v8 =	vadd.s32 v0, v8;
	_ =	sdelay $0x1  }
0x9d: {  	v7 =	vadd.s32 v0, v7;
	_ =	sdelay $0x1  }
0x9e: {  	s24 =	simm.s32 $0xB200  }
0x9f: {  	[tilespmem:s24], [sflag:$0x2] =	stream.indirect_vreg.gather [hbm4b:s1+s3], $0x80, v8, vm1, $0xb8;
	[tilespmem:$0x1AD00] =	vst v63  }
0xa0: {  	s25 =	simm.s32 $0xBA00;
	s26 =	rddreg [dreg:$0x7]  }
0xa1: {  	[tilespmem:s25], [sflag:$0x2] =	stream.indirect_vreg.gather [hbm4b:s1+s3], $0x80, v7, vm1, $0xb8;
	[tilespmem:$0x1AD00] =	vst v63  }
0xa2: {  	s28 =	simm.s32 $0x100;
	s29 =	rddreg [dreg:$0x8]  }
0xa3: {  	[tilespmem:s28], [sflag:$0x7] =	stream.linear.gather [hbm4b:s26+s3], $0x60, $0x38;
	[tilespmem:$0x1AD00] =	vst v63  }
0xa4: {  	s30 =	simm.s32 $0x180;
	s25 =	simm.s32 $0x19300;
	s26 =	simm.s32 $0x0  }
0xa5: {  	[tilespmem:s30], [sflag:$0x8] =	stream.linear.gather [hbm4b:s29+s3], $0x60, $0x38;
	[tilespmem:$0x1AD00] =	vst v63  }
.LBB2_2:
0xa6: {  	s0 =	simm.s32 $0x7  }
0xa7: {  	_ =	swait.ge [sflag:s0], $0x60  }
0xa8: {  	[sflag:s0] =	ssyncset.done $0x0  }
0xa9: {  	s29 =	simm.s32 $0x8;
	[sflag:s0] =	ssyncadd.s32 $0xFFFFFFA0  }
0xaa: {  	_ =	swait.ge [sflag:s29], $0x60  }
0xab: {  	[sflag:s29] =	ssyncset.done $0x0  }
0xac: {  	[sflag:s29] =	ssyncadd.s32 $0xFFFFFFA0  }
0xad: {  	v7 =	vld [tilespmem:$0x100];
	_ =	sdelay $0x3  }
0xae: {  	v0 =	vld [tilespmem:$0x1FFD0]  }
0xaf: {  	v1 =	vld [tilespmem:$0x1FFE0];
	v8 =	vshll.u32 v7, $0x1  }
0xb0: {  	v7 =	vand.u32 $0x7, v7;
	v8 =	vand.u32 $0xFFFFFFF0, v8  }
0xb1: {  	v7 =	vor.u32 v7, v8  }
0xb2: {  	v8 =	vperm.xlane v7, v61;
	_ =	sdelay $0x1  }
0xb3: {  	v7 =	vperm.xlane v7, v1;
	v8 =	vadd.s32 v0, v8;
	_ =	sdelay $0x1  }
0xb4: {  	v7 =	vadd.s32 v0, v7;
	_ =	sdelay $0x1  }
0xb5: {  	s30 =	simm.s32 $0xC200  }
0xb6: {  	[tilespmem:s30], [sflag:$0x3] =	stream.indirect_vreg.gather [hbm4b:s1+s3], $0x80, v8, vm1, $0xb8;
	[tilespmem:$0x1AD00] =	vst v63  }
0xb7: {  	s2 =	simm.s32 $0xCA00  }
0xb8: {  	[tilespmem:s2], [sflag:$0x3] =	stream.indirect_vreg.gather [hbm4b:s1+s3], $0x80, v7, vm1, $0xb8;
	[tilespmem:$0x1AD00] =	vst v63  }
0xb9: {  	v7 =	vld [tilespmem:$0x110];
	_ =	sdelay $0x4  }
0xba: {  	v8 =	vshll.u32 v7, $0x1  }
0xbb: {  	v7 =	vand.u32 $0x7, v7;
	v8 =	vand.u32 $0xFFFFFFF0, v8  }
0xbc: {  	v7 =	vor.u32 v7, v8  }
0xbd: {  	v8 =	vperm.xlane v7, v61;
	_ =	sdelay $0x1  }
0xbe: {  	v7 =	vperm.xlane v7, v1;
	v8 =	vadd.s32 v0, v8;
	_ =	sdelay $0x1  }
0xbf: {  	v7 =	vadd.s32 v0, v7;
	_ =	sdelay $0x1  }
0xc0: {  	s4 =	simm.s32 $0xD200  }
0xc1: {  	[tilespmem:s4], [sflag:$0x3] =	stream.indirect_vreg.gather [hbm4b:s1+s3], $0x80, v8, vm1, $0xb8;
	[tilespmem:$0x1AD00] =	vst v63  }
0xc2: {  	s5 =	simm.s32 $0xDA00  }
0xc3: {  	[tilespmem:s5], [sflag:$0x3] =	stream.indirect_vreg.gather [hbm4b:s1+s3], $0x80, v7, vm1, $0xb8;
	[tilespmem:$0x1AD00] =	vst v63  }
0xc4: {  	v7 =	vld [tilespmem:$0x120];
	_ =	sdelay $0x4  }
0xc5: {  	v8 =	vshll.u32 v7, $0x1  }
0xc6: {  	v7 =	vand.u32 $0x7, v7;
	v8 =	vand.u32 $0xFFFFFFF0, v8  }
0xc7: {  	v7 =	vor.u32 v7, v8  }
0xc8: {  	v8 =	vperm.xlane v7, v61;
	_ =	sdelay $0x1  }
0xc9: {  	v7 =	vperm.xlane v7, v1;
	v8 =	vadd.s32 v0, v8;
	_ =	sdelay $0x1  }
0xca: {  	v7 =	vadd.s32 v0, v7;
	_ =	sdelay $0x1  }
0xcb: {  	s6 =	simm.s32 $0xE200  }
0xcc: {  	[tilespmem:s6], [sflag:$0x3] =	stream.indirect_vreg.gather [hbm4b:s1+s3], $0x80, v8, vm1, $0xb8;
	[tilespmem:$0x1AD00] =	vst v63  }
0xcd: {  	s7 =	simm.s32 $0xEA00  }
0xce: {  	[tilespmem:s7], [sflag:$0x3] =	stream.indirect_vreg.gather [hbm4b:s1+s3], $0x80, v7, vm1, $0xb8;
	[tilespmem:$0x1AD00] =	vst v63  }
0xcf: {  	v7 =	vld [tilespmem:$0x130];
	_ =	sdelay $0x4  }
0xd0: {  	v8 =	vshll.u32 v7, $0x1  }
0xd1: {  	v7 =	vand.u32 $0x7, v7;
	v8 =	vand.u32 $0xFFFFFFF0, v8  }
0xd2: {  	v7 =	vor.u32 v7, v8  }
0xd3: {  	v8 =	vperm.xlane v7, v61;
	_ =	sdelay $0x1  }
0xd4: {  	v7 =	vperm.xlane v7, v1;
	v8 =	vadd.s32 v0, v8;
	_ =	sdelay $0x1  }
0xd5: {  	v7 =	vadd.s32 v0, v7;
	_ =	sdelay $0x1  }
0xd6: {  	s8 =	simm.s32 $0xF200  }
0xd7: {  	[tilespmem:s8], [sflag:$0x3] =	stream.indirect_vreg.gather [hbm4b:s1+s3], $0x80, v8, vm1, $0xb8;
	[tilespmem:$0x1AD00] =	vst v63  }
0xd8: {  	s9 =	simm.s32 $0xFA00  }
0xd9: {  	[tilespmem:s9], [sflag:$0x3] =	stream.indirect_vreg.gather [hbm4b:s1+s3], $0x80, v7, vm1, $0xb8;
	[tilespmem:$0x1AD00] =	vst v63  }
0xda: {  	v7 =	vld [tilespmem:$0x140];
	_ =	sdelay $0x4  }
0xdb: {  	v8 =	vshll.u32 v7, $0x1  }
0xdc: {  	v7 =	vand.u32 $0x7, v7;
	v8 =	vand.u32 $0xFFFFFFF0, v8  }
0xdd: {  	v7 =	vor.u32 v7, v8  }
0xde: {  	v8 =	vperm.xlane v7, v61;
	_ =	sdelay $0x1  }
0xdf: {  	v7 =	vperm.xlane v7, v1;
	v8 =	vadd.s32 v0, v8;
	_ =	sdelay $0x1  }
0xe0: {  	v7 =	vadd.s32 v0, v7;
	_ =	sdelay $0x1  }
0xe1: {  	s10 =	simm.s32 $0x10200  }
0xe2: {  	[tilespmem:s10], [sflag:$0x3] =	stream.indirect_vreg.gather [hbm4b:s1+s3], $0x80, v8, vm1, $0xb8;
	[tilespmem:$0x1AD00] =	vst v63  }
0xe3: {  	s11 =	simm.s32 $0x10A00  }
0xe4: {  	[tilespmem:s11], [sflag:$0x3] =	stream.indirect_vreg.gather [hbm4b:s1+s3], $0x80, v7, vm1, $0xb8;
	[tilespmem:$0x1AD00] =	vst v63  }
0xe5: {  	v7 =	vld [tilespmem:$0x150];
	_ =	sdelay $0x4  }
0xe6: {  	v8 =	vshll.u32 v7, $0x1  }
0xe7: {  	v7 =	vand.u32 $0x7, v7;
	v8 =	vand.u32 $0xFFFFFFF0, v8  }
0xe8: {  	v7 =	vor.u32 v7, v8  }
0xe9: {  	v8 =	vperm.xlane v7, v61;
	_ =	sdelay $0x1  }
0xea: {  	v7 =	vperm.xlane v7, v1;
	v8 =	vadd.s32 v0, v8;
	_ =	sdelay $0x1  }
0xeb: {  	v7 =	vadd.s32 v0, v7;
	_ =	sdelay $0x1  }
0xec: {  	s12 =	simm.s32 $0x11200  }
0xed: {  	[tilespmem:s12], [sflag:$0x3] =	stream.indirect_vreg.gather [hbm4b:s1+s3], $0x80, v8, vm1, $0xb8;
	[tilespmem:$0x1AD00] =	vst v63  }
0xee: {  	s13 =	simm.s32 $0x11A00  }
0xef: {  	[tilespmem:s13], [sflag:$0x3] =	stream.indirect_vreg.gather [hbm4b:s1+s3], $0x80, v7, vm1, $0xb8;
	[tilespmem:$0x1AD00] =	vst v63  }
0xf0: {  	v7 =	vld [tilespmem:$0x180];
	_ =	sdelay $0x4  }
0xf1: {  	v8 =	vshll.u32 v7, $0x1  }
0xf2: {  	v7 =	vand.u32 $0x7, v7;
	v8 =	vand.u32 $0xFFFFFFF0, v8  }
0xf3: {  	v7 =	vor.u32 v7, v8  }
0xf4: {  	v8 =	vperm.xlane v7, v61;
	_ =	sdelay $0x1  }
0xf5: {  	v7 =	vperm.xlane v7, v1;
	v8 =	vadd.s32 v0, v8;
	_ =	sdelay $0x1  }
0xf6: {  	v7 =	vadd.s32 v0, v7;
	_ =	sdelay $0x1  }
0xf7: {  	s14 =	simm.s32 $0x12200  }
0xf8: {  	[tilespmem:s14], [sflag:$0x4] =	stream.indirect_vreg.gather [hbm4b:s1+s3], $0x80, v8, vm1, $0xb8;
	[tilespmem:$0x1AD00] =	vst v63  }
0xf9: {  	s15 =	simm.s32 $0x12A00  }
0xfa: {  	[tilespmem:s15], [sflag:$0x4] =	stream.indirect_vreg.gather [hbm4b:s1+s3], $0x80, v7, vm1, $0xb8;
	[tilespmem:$0x1AD00] =	vst v63  }
0xfb: {  	v7 =	vld [tilespmem:$0x190];
	_ =	sdelay $0x4  }
0xfc: {  	v8 =	vshll.u32 v7, $0x1  }
0xfd: {  	v7 =	vand.u32 $0x7, v7;
	v8 =	vand.u32 $0xFFFFFFF0, v8  }
0xfe: {  	v7 =	vor.u32 v7, v8  }
0xff: {  	v8 =	vperm.xlane v7, v61;
	_ =	sdelay $0x1  }
0x100: {  	v7 =	vperm.xlane v7, v1;
	v8 =	vadd.s32 v0, v8;
	_ =	sdelay $0x1  }
0x101: {  	v7 =	vadd.s32 v0, v7;
	_ =	sdelay $0x1  }
0x102: {  	s16 =	simm.s32 $0x13200  }
0x103: {  	[tilespmem:s16], [sflag:$0x4] =	stream.indirect_vreg.gather [hbm4b:s1+s3], $0x80, v8, vm1, $0xb8;
	[tilespmem:$0x1AD00] =	vst v63  }
0x104: {  	s17 =	simm.s32 $0x13A00  }
0x105: {  	[tilespmem:s17], [sflag:$0x4] =	stream.indirect_vreg.gather [hbm4b:s1+s3], $0x80, v7, vm1, $0xb8;
	[tilespmem:$0x1AD00] =	vst v63  }
0x106: {  	v7 =	vld [tilespmem:$0x1A0];
	_ =	sdelay $0x4  }
0x107: {  	v8 =	vshll.u32 v7, $0x1  }
0x108: {  	v7 =	vand.u32 $0x7, v7;
	v8 =	vand.u32 $0xFFFFFFF0, v8  }
0x109: {  	v7 =	vor.u32 v7, v8  }
0x10a: {  	v8 =	vperm.xlane v7, v61;
	_ =	sdelay $0x1  }
0x10b: {  	v7 =	vperm.xlane v7, v1;
	v8 =	vadd.s32 v0, v8;
	_ =	sdelay $0x1  }
0x10c: {  	v7 =	vadd.s32 v0, v7;
	_ =	sdelay $0x1  }
0x10d: {  	s18 =	simm.s32 $0x14200  }
0x10e: {  	[tilespmem:s18], [sflag:$0x4] =	stream.indirect_vreg.gather [hbm4b:s1+s3], $0x80, v8, vm1, $0xb8;
	[tilespmem:$0x1AD00] =	vst v63  }
0x10f: {  	s19 =	simm.s32 $0x14A00  }
0x110: {  	[tilespmem:s19], [sflag:$0x4] =	stream.indirect_vreg.gather [hbm4b:s1+s3], $0x80, v7, vm1, $0xb8;
	[tilespmem:$0x1AD00] =	vst v63  }
0x111: {  	v7 =	vld [tilespmem:$0x1B0];
	_ =	sdelay $0x4  }
0x112: {  	v8 =	vshll.u32 v7, $0x1  }
0x113: {  	v7 =	vand.u32 $0x7, v7;
	v8 =	vand.u32 $0xFFFFFFF0, v8  }
0x114: {  	v7 =	vor.u32 v7, v8  }
0x115: {  	v8 =	vperm.xlane v7, v61;
	_ =	sdelay $0x1  }
0x116: {  	v7 =	vperm.xlane v7, v1;
	v8 =	vadd.s32 v0, v8;
	_ =	sdelay $0x1  }
0x117: {  	v7 =	vadd.s32 v0, v7;
	_ =	sdelay $0x1  }
0x118: {  	s20 =	simm.s32 $0x15200  }
0x119: {  	[tilespmem:s20], [sflag:$0x4] =	stream.indirect_vreg.gather [hbm4b:s1+s3], $0x80, v8, vm1, $0xb8;
	[tilespmem:$0x1AD00] =	vst v63  }
0x11a: {  	s21 =	simm.s32 $0x15A00  }
0x11b: {  	[tilespmem:s21], [sflag:$0x4] =	stream.indirect_vreg.gather [hbm4b:s1+s3], $0x80, v7, vm1, $0xb8;
	[tilespmem:$0x1AD00] =	vst v63  }
0x11c: {  	v7 =	vld [tilespmem:$0x1C0];
	_ =	sdelay $0x4  }
0x11d: {  	v8 =	vshll.u32 v7, $0x1  }
0x11e: {  	v7 =	vand.u32 $0x7, v7;
	v8 =	vand.u32 $0xFFFFFFF0, v8  }
0x11f: {  	v7 =	vor.u32 v7, v8  }
0x120: {  	v8 =	vperm.xlane v7, v61;
	_ =	sdelay $0x1  }
0x121: {  	v7 =	vperm.xlane v7, v1;
	v8 =	vadd.s32 v0, v8;
	_ =	sdelay $0x1  }
0x122: {  	v7 =	vadd.s32 v0, v7;
	_ =	sdelay $0x1  }
0x123: {  	s22 =	simm.s32 $0x16200  }
0x124: {  	[tilespmem:s22], [sflag:$0x4] =	stream.indirect_vreg.gather [hbm4b:s1+s3], $0x80, v8, vm1, $0xb8;
	[tilespmem:$0x1AD00] =	vst v63  }
0x125: {  	s23 =	simm.s32 $0x16A00  }
0x126: {  	[tilespmem:s23], [sflag:$0x4] =	stream.indirect_vreg.gather [hbm4b:s1+s3], $0x80, v7, vm1, $0xb8;
	[tilespmem:$0x1AD00] =	vst v63  }
0x127: {  	v7 =	vld [tilespmem:$0x1D0];
	_ =	sdelay $0x4  }
0x128: {  	v8 =	vshll.u32 v7, $0x1  }
0x129: {  	v7 =	vand.u32 $0x7, v7;
	v8 =	vand.u32 $0xFFFFFFF0, v8  }
0x12a: {  	v7 =	vor.u32 v7, v8  }
0x12b: {  	v8 =	vperm.xlane v7, v61;
	_ =	sdelay $0x1  }
0x12c: {  	v7 =	vperm.xlane v7, v1;
	v8 =	vadd.s32 v0, v8;
	_ =	sdelay $0x1  }
0x12d: {  	s28 =	sshll.u32 s26, $0x1;
	v7 =	vadd.s32 v0, v7  }
0x12e: {  	s29 =	smin.u32 s28, $0x31  }
0x12f: {  	s24 =	simm.s32 $0x17200;
	s0 =	smul.u32 $0x60, s29;
	s30 =	rddreg [dreg:$0x9]  }
0x130: {  	[tilespmem:s24], [sflag:$0x4] =	stream.indirect_vreg.gather [hbm4b:s1+s3], $0x80, v8, vm1, $0xb8;
	[tilespmem:$0x1AD00] =	vst v63  }
0x131: {  	p0 =	seq.s32 s26, $0x0;
	s0 =	sadd.s32 s0, s30;
	s2 =	simm.s32 $0x17A00  }
0x132: {  	[tilespmem:s2], [sflag:$0x4] =	stream.indirect_vreg.gather [hbm4b:s1+s3], $0x80, v7, vm1, $0xb8;
	[tilespmem:$0x1AD00] =	vst v63  }
.Ltmp0:
0x133: {  	s0 =	sshrl.u32 s0, $0x3;
	(pc) =	sbr.rel @p0 .LBB2_6-.Ltmp0, $4  }
0x134: {  	s0 =	sadd.s32 s31, s0  }
0x135: {  	[tilespmem:s3], [sflag:$0x5] =	stream.linear.gather [hbm4b:s0+s3], $0x60, $0x38;
	[tilespmem:$0x1AD00] =	vst v63  }
0x136: {  	s31 =	simm.s32 $0x80;
	s0 =	sadd.s32 $0x4E20, s0  }
0x137: {  	[tilespmem:s31], [sflag:$0x6] =	stream.linear.gather [hbm4b:s0+s3], $0x60, $0x38;
	[tilespmem:$0x1AD00] =	vst v63  }
0x138: {  	s2 =	simm.s32 $0x1AA40  }
0x139: {  	v8 =	vld [tilespmem:s2+$0xFFFFFFD0]  }
0x13a: {  	s0 =	simm.s32 $0xFFFFFE80;
	v7 =	vmov s25;
	s5 =	simm.s32 $0xFFFFFEC0;
	v9 =	vld [tilespmem:s2+$0xFFFFFFC0]  }
.LBB2_4:
0x13b: {  	p0 =	sne.s32 s5, $0xFFFFFFC0;
	v10 =	vld [tilespmem:s2+$0xFFFFFFE0]  }
0x13c: {  	v11 =	vld [tilespmem:s2+$0xFFFFFFF0]  }
0x13d: {  	v12 =	vld [tilespmem:s2+$0x0]  }
0x13e: {  	v13 =	vld [tilespmem:s2+$0x10]  }
0x13f: {  	vm3 =	vmmov $0xf;
	v8 =	vsel vm2, v9, v8;
	v9 =	vld [tilespmem:s2+$0x20]  }
0x140: {  	vm4 =	vmmov $0x3f;
	v8 =	vsel vm3, v8, v10;
	v10 =	vld [tilespmem:s2+$0x30]  }
0x141: {  	vm5 =	vmmov $0xff;
	v8 =	vsel vm4, v8, v11  }
0x142: {  	vm6 =	vmmov $0x3ff;
	v8 =	vsel vm5, v8, v12  }
0x143: {  	vm7 =	vmmov $0xfff;
	v8 =	vsel vm6, v8, v13  }
0x144: {  	vm8 =	vmmov $0x3fff;
	v8 =	vsel vm7, v8, v9  }
0x145: {  	v8 =	vsel vm8, v8, v10  }
0x146: {  	v8 =	vsub.f32 $0.0e+00, v8;
	_ =	sdelay $0x1  }
0x147: {  	v8 =	vmul.f32 $1.442695020e+00, v8;
	_ =	sdelay $0x1  }
0x148: {  	(erf) = vpow2.f32 v8;
	_ =	sdelay $0x8  }
0x149: {  	v8 =	vpop (erf)  }
0x14a: {  	v8 =	vadd.f32 $1.000000000e+00, v8;
	_ =	sdelay $0x1  }
0x14b: {  	(erf) = vrcp.f32 v8;
	_ =	sdelay $0x7  }
.Ltmp1:
0x14c: {  	(pc) =	sbr.rel @p0 .LBB2_4-.Ltmp1, $4  }
0x14d: {  	s6 =	sshra.s32 s0, $0x2;
	s0 =	smov.u32 s5;
	v8 =	vpop (erf)  }
0x14e: {  	s2 =	sadd.s32 $0x80, s2;
	[tilespmem:v7+s6+$0x0 ss:$0x1] =	vst.idx.msk $0xffff, v8  }
0x14f: {  	v8 =	vld [tilespmem:s2+$0xFFFFFFD0]  }
0x150: {  	s5 =	sadd.s32 $0x40, s5;
	v9 =	vld [tilespmem:s2+$0xFFFFFFC0]  }
0x151: {  	v10 =	vld [tilespmem:s2+$0xFFFFFFE0]  }
0x152: {  	v11 =	vld [tilespmem:s2+$0xFFFFFFF0]  }
0x153: {  	v12 =	vld [tilespmem:s2+$0x0]  }
0x154: {  	v13 =	vld [tilespmem:s2+$0x10]  }
0x155: {  	v62 =	vld [tilespmem:s2+$0x20];
	v8 =	vsel vm2, v9, v8  }
0x156: {  	v63 =	vld [tilespmem:s2+$0x30];
	v8 =	vsel vm3, v8, v10  }
0x157: {  	v8 =	vsel vm4, v8, v11  }
0x158: {  	v8 =	vsel vm5, v8, v12  }
0x159: {  	v8 =	vsel vm6, v8, v13  }
0x15a: {  	v8 =	vsel vm7, v8, v62  }
0x15b: {  	v8 =	vsel vm8, v8, v63  }
0x15c: {  	v8 =	vsub.f32 $0.0e+00, v8;
	_ =	sdelay $0x1  }
0x15d: {  	v8 =	vmul.f32 $1.442695020e+00, v8;
	_ =	sdelay $0x1  }
0x15e: {  	(erf) = vpow2.f32 v8;
	_ =	sdelay $0x8  }
0x15f: {  	v8 =	vpop (erf)  }
0x160: {  	v8 =	vadd.f32 $1.000000000e+00, v8;
	_ =	sdelay $0x1  }
0x161: {  	(erf) = vrcp.f32 v8;
	_ =	sdelay $0x8  }
0x162: {  	s0 =	sshra.s32 s0, $0x2;
	v8 =	vpop (erf)  }
0x163: {  	[tilespmem:v7+s0+$0x0 ss:$0x1] =	vst.idx.msk $0xffff, v8  }
.LBB2_6:
0x164: {  	s0 =	simm.s32 $0x1  }
0x165: {  	_ =	swait.ge [sflag:s0], $0x6000  }
0x166: {  	[sflag:s0] =	ssyncset.done $0x0  }
0x167: {  	s4 =	simm.s32 $0x2;
	[sflag:s0] =	ssyncadd.s32 $0xFFFFA000  }
0x168: {  	s29 =	simm.s32 $0x0;
	s2 =	simm.s32 $0x100;
	_ =	swait.ge [sflag:s4], $0x6000  }
0x169: {  	s15 =	sand.u32 $0x7800, s29;
	s2 =	sand.u32 $0x300, s2;
	[sflag:s4] =	ssyncset.done $0x0  }
0x16a: {  	s2 =	sor.u32 s15, s2;
	[sflag:s4] =	ssyncadd.s32 $0xFFFFA000  }
0x16b: {  	v0 =	vld [tilespmem:s2+$0x270];
	_ =	sdelay $0x4  }
0x16c: {  	[tilespmem:$0x1FF30] =	vst v0  }
0x16d: {  	v0 =	vld [tilespmem:s2+$0x6270];
	_ =	sdelay $0x4  }
0x16e: {  	[tilespmem:$0x1FF40] =	vst v0  }
0x16f: {  	v0 =	vld [tilespmem:s2+$0x2F0];
	_ =	sdelay $0x4  }
0x170: {  	[tilespmem:$0x1FF50] =	vst v0  }
0x171: {  	v0 =	vld [tilespmem:s2+$0x62F0];
	_ =	sdelay $0x4  }
0x172: {  	[tilespmem:$0x1FF60] =	vst v0  }
0x173: {  	v0 =	vld [tilespmem:s2+$0x2E0];
	_ =	sdelay $0x3  }
0x174: {  	v43 =	vld [tilespmem:s2+$0x260]  }
0x175: {  	v18 =	vld [tilespmem:s2+$0x6260];
	[tilespmem:$0x1FF20] =	vst v0  }
0x176: {  	v44 =	vld [tilespmem:s2+$0x62E0]  }
0x177: {  	v19 =	vld [tilespmem:s2+$0x250]  }
0x178: {  	v20 =	vld [tilespmem:s2+$0x6250]  }
0x179: {  	v21 =	vld [tilespmem:s2+$0x2D0]  }
0x17a: {  	v22 =	vld [tilespmem:s2+$0x62D0]  }
0x17b: {  	v23 =	vld [tilespmem:s2+$0x240]  }
0x17c: {  	v24 =	vld [tilespmem:s2+$0x6240]  }
0x17d: {  	v25 =	vld [tilespmem:s2+$0x2C0]  }
0x17e: {  	v26 =	vld [tilespmem:s2+$0x62C0]  }
0x17f: {  	v27 =	vld [tilespmem:s2+$0x230]  }
0x180: {  	v28 =	vld [tilespmem:s2+$0x6230]  }
0x181: {  	v29 =	vld [tilespmem:s2+$0x2B0]  }
0x182: {  	v30 =	vld [tilespmem:s2+$0x62B0]  }
0x183: {  	v31 =	vld [tilespmem:s2+$0x220]  }
0x184: {  	v32 =	vld [tilespmem:s2+$0x6220]  }
0x185: {  	s5 =	sand.u32 $0x3, s29;
	v33 =	vld [tilespmem:s2+$0x2A0]  }
0x186: {  	s5 =	sshll.u32 s5, $0x8;
	v34 =	vld [tilespmem:s2+$0x62A0]  }
0x187: {  	s5 =	sadd.s32 $0x0, s5;
	v35 =	vld [tilespmem:s2+$0x200]  }
0x188: {  	s6 =	sadd.s32 $0x100, s5;
	v36 =	vld [tilespmem:s2+$0x6200]  }
0x189: {  	s7 =	sor.u32 $0x470, s6;
	v37 =	vld [tilespmem:s2+$0x210]  }
0x18a: {  	v0 =	vld [tilespmem:s7+$0x200]  }
0x18b: {  	v38 =	vld [tilespmem:s2+$0x6210]  }
0x18c: {  	v39 =	vld [tilespmem:s2+$0x280]  }
0x18d: {  	v40 =	vld [tilespmem:s2+$0x6280]  }
0x18e: {  	v41 =	vld [tilespmem:s2+$0x290]  }
0x18f: {  	v42 =	vld [tilespmem:s2+$0x6290];
	[tilespmem:$0x1FFB0] =	vst v0  }
0x190: {  	v0 =	vld [tilespmem:s7+$0x6200];
	_ =	sdelay $0x4  }
0x191: {  	s16 =	sor.u32 $0x460, s6;
	[tilespmem:$0x1FFC0] =	vst v0  }
0x192: {  	v0 =	vld [tilespmem:s16+$0x200];
	_ =	sdelay $0x4  }
0x193: {  	[tilespmem:$0x1FF90] =	vst v0  }
0x194: {  	v0 =	vld [tilespmem:s16+$0x6200];
	_ =	sdelay $0x4  }
0x195: {  	s17 =	sor.u32 $0x450, s6;
	[tilespmem:$0x1FFA0] =	vst v0  }
0x196: {  	v0 =	vld [tilespmem:s17+$0x200];
	_ =	sdelay $0x1  }
0x197: {  	v35 =	vmul.f32 v36, v35;
	v36 =	vmul.f32 v38, v37  }
0x198: {  	v38 =	vmul.f32 v40, v39;
	v39 =	vmul.f32 v42, v41  }
0x199: {  	v31 =	vmul.f32 v32, v31;
	v41 =	vadd.f32 v36, v35  }
0x19a: {  	v33 =	vmul.f32 v34, v33;
	v42 =	vadd.f32 v39, v38;
	[tilespmem:$0x1FF70] =	vst v0  }
0x19b: {  	v27 =	vmul.f32 v28, v27;
	v38 =	vadd.f32 v31, v41;
	v0 =	vld [tilespmem:s17+$0x6200]  }
0x19c: {  	v29 =	vmul.f32 v30, v29;
	v36 =	vld [tilespmem:$0x1FF20];
	v39 =	vadd.f32 v33, v42  }
0x19d: {  	v23 =	vmul.f32 v24, v23;
	v41 =	vadd.f32 v27, v38;
	v38 =	vld [tilespmem:$0x1FF30]  }
0x19e: {  	v25 =	vmul.f32 v26, v25;
	v42 =	vadd.f32 v29, v39;
	v39 =	vld [tilespmem:$0x1FF40]  }
0x19f: {  	v32 =	vadd.f32 v23, v41;
	v41 =	vld [tilespmem:$0x1FF50]  }
0x1a0: {  	s18 =	sor.u32 $0x440, s6;
	v33 =	vadd.f32 v25, v42;
	v42 =	vld [tilespmem:$0x1FF60];
	[tilespmem:$0x1FF80] =	vst v0  }
0x1a1: {  	v45 =	vld [tilespmem:s18+$0x200]  }
0x1a2: {  	s19 =	sor.u32 $0x430, s6;
	v1 =	vld [tilespmem:s18+$0x6200]  }
0x1a3: {  	v46 =	vld [tilespmem:s19+$0x200]  }
0x1a4: {  	s20 =	sor.u32 $0x420, s6;
	v63 =	vld [tilespmem:s19+$0x6200]  }
0x1a5: {  	v49 =	vld [tilespmem:s20+$0x200]  }
0x1a6: {  	s21 =	sor.u32 $0x410, s6;
	v50 =	vld [tilespmem:s20+$0x6200]  }
0x1a7: {  	v51 =	vld [tilespmem:s21+$0x200]  }
0x1a8: {  	s22 =	sor.u32 $0x400, s6;
	v52 =	vld [tilespmem:s21+$0x6200]  }
0x1a9: {  	s5 =	sadd.s32 $0x180, s5;
	v53 =	vld [tilespmem:s22+$0x200]  }
0x1aa: {  	s23 =	sor.u32 $0x400, s5;
	v54 =	vld [tilespmem:s22+$0x6200]  }
0x1ab: {  	v55 =	vld [tilespmem:s23+$0x200]  }
0x1ac: {  	s24 =	sor.u32 $0x410, s5;
	v56 =	vld [tilespmem:s23+$0x6200]  }
0x1ad: {  	v57 =	vld [tilespmem:s24+$0x200]  }
0x1ae: {  	s4 =	sor.u32 $0x420, s5;
	v58 =	vld [tilespmem:s24+$0x6200]  }
0x1af: {  	v59 =	vld [tilespmem:s4+$0x200]  }
0x1b0: {  	s6 =	sor.u32 $0x430, s5;
	v60 =	vld [tilespmem:s4+$0x6200]  }
0x1b1: {  	v48 =	vld [tilespmem:s6+$0x200]  }
0x1b2: {  	s7 =	sor.u32 $0x440, s5;
	v62 =	vld [tilespmem:s6+$0x6200]  }
0x1b3: {  	v47 =	vld [tilespmem:s7+$0x200]  }
0x1b4: {  	s8 =	sor.u32 $0x450, s5;
	v7 =	vld [tilespmem:s7+$0x6200]  }
0x1b5: {  	v9 =	vld [tilespmem:s8+$0x200]  }
0x1b6: {  	s9 =	sor.u32 $0x460, s5;
	v8 =	vld [tilespmem:s8+$0x6200]  }
0x1b7: {  	v11 =	vld [tilespmem:s9+$0x200]  }
0x1b8: {  	s10 =	sor.u32 $0x470, s5;
	v10 =	vld [tilespmem:s9+$0x6200]  }
0x1b9: {  	s11 =	sand.u32 $0x200, s29;
	v17 =	vld [tilespmem:s10+$0x200]  }
0x1ba: {  	s5 =	sor.u32 s11, s15;
	v16 =	vld [tilespmem:s10+$0x6200]  }
0x1bb: {  	v15 =	vld [tilespmem:s5+$0x200]  }
0x1bc: {  	v14 =	vld [tilespmem:s5+$0x6200]  }
0x1bd: {  	v13 =	vld [tilespmem:s5+$0x210]  }
0x1be: {  	v12 =	vld [tilespmem:s5+$0x6210]  }
0x1bf: {  	v2 =	vld [tilespmem:s5+$0x280]  }
0x1c0: {  	v0 =	vld [tilespmem:s5+$0x6280]  }
0x1c1: {  	v37 =	vld [tilespmem:s5+$0x290]  }
0x1c2: {  	v40 =	vld [tilespmem:s5+$0x6290]  }
0x1c3: {  	v35 =	vld [tilespmem:s5+$0x220]  }
0x1c4: {  	v34 =	vld [tilespmem:s5+$0x6220]  }
0x1c5: {  	v31 =	vld [tilespmem:s5+$0x2A0]  }
0x1c6: {  	v30 =	vld [tilespmem:s5+$0x62A0]  }
0x1c7: {  	v27 =	vld [tilespmem:s5+$0x230]  }
0x1c8: {  	v26 =	vld [tilespmem:s5+$0x6230]  }
0x1c9: {  	v19 =	vmul.f32 v20, v19;
	v23 =	vld [tilespmem:s5+$0x2B0]  }
0x1ca: {  	v21 =	vmul.f32 v22, v21;
	v22 =	vld [tilespmem:s5+$0x62B0]  }
0x1cb: {  	v18 =	vmul.f32 v18, v43;
	v19 =	vadd.f32 v19, v32;
	v20 =	vld [tilespmem:s5+$0x240]  }
0x1cc: {  	v25 =	vld [tilespmem:s5+$0x6240]  }
0x1cd: {  	v28 =	vmul.f32 v39, v38;
	v18 =	vadd.f32 v18, v19;
	v19 =	vld [tilespmem:s5+$0x2C0]  }
0x1ce: {  	v29 =	vld [tilespmem:s5+$0x62C0]  }
0x1cf: {  	v18 =	vadd.f32 v28, v18;
	v28 =	vld [tilespmem:s5+$0x250]  }
0x1d0: {  	v21 =	vadd.f32 v21, v33;
	v33 =	vld [tilespmem:s5+$0x6250]  }
0x1d1: {  	v32 =	vld [tilespmem:s5+$0x2D0]  }
0x1d2: {  	v24 =	vmul.f32 v44, v36;
	v38 =	vld [tilespmem:s5+$0x62D0]  }
0x1d3: {  	v36 =	vld [tilespmem:s5+$0x260]  }
0x1d4: {  	v21 =	vadd.f32 v24, v21;
	v24 =	vmul.f32 v42, v41;
	v41 =	vld [tilespmem:s5+$0x6260];
	v51 =	vmul.f32 v52, v51  }
0x1d5: {  	v52 =	vmul.f32 v58, v57;
	v58 =	vmul.f32 v1, v45;
	v1 =	vld [tilespmem:$0x1FF70]  }
0x1d6: {  	v43 =	vmul.f32 v54, v53;
	v54 =	vmul.f32 v60, v59;
	v60 =	vld [tilespmem:$0x1FF80]  }
0x1d7: {  	v21 =	vadd.f32 v24, v21;
	v39 =	vld [tilespmem:s5+$0x2E0];
	v44 =	vmul.f32 v56, v55  }
0x1d8: {  	v42 =	vld [tilespmem:s5+$0x270];
	v53 =	vmul.f32 v50, v49  }
0x1d9: {  	v55 =	vmul.f32 v63, v46;
	v57 =	vld [tilespmem:s5+$0x62E0];
	v18 =	vadd.f32 v43, v18;
	v21 =	vadd.f32 v44, v21  }
0x1da: {  	v56 =	vmul.f32 v62, v48;
	v8 =	vmul.f32 v8, v9;
	v9 =	vld [tilespmem:$0x1FFA0]  }
0x1db: {  	p0 =	por $0x0, $0x0;
	s0 =	simm.s32 $0x1;
	v18 =	vadd.f32 v51, v18;
	v21 =	vadd.f32 v52, v21;
	v45 =	vmul.f32 v60, v1;
	v1 =	vld [tilespmem:$0x1FF90]  }
0x1dc: {  	s0 =	simm.s32 @!p0 $0x0;
	v7 =	vmul.f32 v7, v47;
	v59 =	vld [tilespmem:s5+$0x6270];
	v10 =	vmul.f32 v10, v11  }
0x1dd: {  	s0 =	sshll.u32 s0, $0x9;
	v62 =	vld [tilespmem:s5+$0x2F0];
	v0 =	vmul.f32 v0, v2;
	v18 =	vadd.f32 v53, v18;
	v21 =	vadd.f32 v54, v21  }
0x1de: {  	s0 =	sadd.s32 $0x0, s0;
	v63 =	vld [tilespmem:s5+$0x62F0];
	v2 =	vmul.f32 v40, v37;
	v14 =	vmul.f32 v14, v15  }
0x1df: {  	s12 =	sadd.s32 $0x80, s0;
	v11 =	vld [tilespmem:$0x1FFC0];
	v12 =	vmul.f32 v12, v13;
	v18 =	vadd.f32 v55, v18;
	v21 =	vadd.f32 v56, v21  }
0x1e0: {  	s13 =	sor.u32 $0x400, s12;
	v0 =	vadd.f32 v2, v0;
	v2 =	vmul.f32 v30, v31;
	v9 =	vmul.f32 v9, v1;
	v1 =	vld [tilespmem:$0x1FFB0]  }
0x1e1: {  	s14 =	sor.u32 $0x400, s0;
	v48 =	vld [tilespmem:s13+$0x200];
	v18 =	vadd.f32 v58, v18;
	v7 =	vadd.f32 v7, v21  }
0x1e2: {  	s15 =	sor.u32 $0x410, s12;
	v13 =	vld [tilespmem:s14+$0x200];
	v12 =	vadd.f32 v12, v14;
	v14 =	vmul.f32 v34, v35;
	v0 =	vadd.f32 v2, v0  }
0x1e3: {  	s16 =	sor.u32 $0x410, s0;
	v15 =	vmul.f32 v16, v17;
	v49 =	vld [tilespmem:s15+$0x200];
	v18 =	vadd.f32 v45, v18;
	v7 =	vadd.f32 v8, v7  }
0x1e4: {  	s21 =	sor.u32 $0x440, s12;
	v2 =	vmul.f32 v22, v23;
	v12 =	vadd.f32 v14, v12;
	v14 =	vmul.f32 v26, v27;
	v51 =	vld [tilespmem:s16+$0x6200]  }
0x1e5: {  	s17 =	sor.u32 $0x420, s12;
	v60 =	vld [tilespmem:s21+$0x6200];
	v9 =	vadd.f32 v9, v18;
	v7 =	vadd.f32 v10, v7;
	v11 =	vmul.f32 v11, v1  }
0x1e6: {  	v0 =	vadd.f32 v2, v0;
	v2 =	vmul.f32 v29, v19;
	v12 =	vadd.f32 v14, v12;
	v53 =	vld [tilespmem:s17+$0x200]  }
0x1e7: {  	s18 =	sor.u32 $0x420, s0;
	v54 =	vld [tilespmem:s17+$0x6200];
	v7 =	vadd.f32 v15, v7;
	v9 =	vadd.f32 v11, v9  }
0x1e8: {  	v14 =	vmul.f32 v25, v20;
	v0 =	vadd.f32 v2, v0;
	v2 =	vmul.f32 v38, v32;
	v55 =	vld [tilespmem:s18+$0x200]  }
0x1e9: {  	v56 =	vld [tilespmem:s18+$0x6200];
	v52 =	vperm.xlane v7, v3;
	v50 =	vperm.xlane v9, v3  }
0x1ea: {  	s19 =	sor.u32 $0x430, s12;
	v12 =	vadd.f32 v14, v12;
	v0 =	vadd.f32 v2, v0;
	v2 =	vmul.f32 v57, v39;
	v8 =	vld [tilespmem:s13+$0x6200]  }
0x1eb: {  	v14 =	vmul.f32 v33, v28;
	v58 =	vld [tilespmem:s19+$0x6200];
	v7 =	vadd.f32 v52, v7;
	v9 =	vadd.f32 v50, v9  }
0x1ec: {  	v0 =	vadd.f32 v2, v0;
	v2 =	vmul.f32 v63, v62;
	v10 =	vld [tilespmem:s14+$0x6200]  }
0x1ed: {  	v11 =	vld [tilespmem:s15+$0x6200];
	v7 =	vsel vm0, v9, v7;
	v9 =	vadd.f32 v14, v12;
	v12 =	vmul.f32 v41, v36  }
0x1ee: {  	s20 =	sor.u32 $0x430, s0;
	v0 =	vadd.f32 v2, v0;
	v15 =	vld [tilespmem:s16+$0x200];
	v57 =	vperm.xlane v7, v4  }
0x1ef: {  	v2 =	vmul.f32 v8, v48;
	v8 =	vld [tilespmem:s20+$0x6200];
	v9 =	vadd.f32 v12, v9;
	v12 =	vmul.f32 v59, v42  }
0x1f0: {  	v14 =	vld [tilespmem:s19+$0x200];
	v7 =	vadd.f32 v7, v57  }
0x1f1: {  	v10 =	vmul.f32 v10, v13;
	v59 =	vld [tilespmem:s20+$0x200];
	v9 =	vadd.f32 v12, v9  }
0x1f2: {  	s22 =	sor.u32 $0x440, s0;
	v0 =	vadd.f32 v2, v0;
	v2 =	vmul.f32 v11, v49;
	v12 =	vld [tilespmem:s21+$0x200];
	v13 =	vperm.xlane v7, v5  }
0x1f3: {  	v9 =	vadd.f32 v10, v9;
	v10 =	vmul.f32 v51, v15;
	v15 =	vld [tilespmem:s22+$0x200]  }
0x1f4: {  	s23 =	sor.u32 $0x450, s12;
	v0 =	vadd.f32 v2, v0;
	v2 =	vmul.f32 v54, v53;
	v11 =	vadd.f32 v7, v13;
	v13 =	vld [tilespmem:s22+$0x6200]  }
0x1f5: {  	v62 =	vld [tilespmem:s23+$0x200];
	v7 =	vadd.f32 v10, v9;
	v9 =	vmul.f32 v56, v55  }
0x1f6: {  	s24 =	sor.u32 $0x450, s0;
	v0 =	vadd.f32 v2, v0;
	v2 =	vmul.f32 v58, v14;
	v14 =	vld [tilespmem:s23+$0x6200];
	v10 =	vperm.xlane v11, v6  }
0x1f7: {  	v8 =	vmul.f32 v8, v59;
	v9 =	vadd.f32 v9, v7;
	v7 =	vld [tilespmem:s24+$0x200]  }
0x1f8: {  	s9 =	sor.u32 $0x460, s12;
	v0 =	vadd.f32 v2, v0;
	v63 =	vadd.f32 v11, v10;
	v11 =	vld [tilespmem:s24+$0x6200]  }
0x1f9: {  	s30 =	simm.s32 $0x1A710;
	s31 =	simm.s32 $0x0;
	v10 =	vld [tilespmem:s9+$0x6200];
	v2 =	vadd.f32 v8, v9;
	v9 =	vmul.f32 v60, v12;
	v12 =	vmul.f32 v13, v15  }
0x1fa: {  	p0 =	por !p0, !p0;
	s2 =	simm.s32 $0x0;
	s8 =	sor.u32 $0x460, s0;
	v8 =	vld [tilespmem:s9+$0x200]  }
0x1fb: {  	s7 =	sor.u32 $0x470, s12;
	s6 =	sor.u32 $0x470, s0;
	s0 =	simm.s32 $0x0;
	v14 =	vmul.f32 v14, v62;
	[tilespmem:s30+$0x0] =	vst v63;
	v13 =	vadd.f32 v9, v0;
	v12 =	vadd.f32 v12, v2;
	v9 =	vld [tilespmem:s8+$0x200]  }
.LBB2_7:
0x1fc: {  	s5 =	simm.s32 $0x1  }
0x1fd: {  	v0 =	vld [tilespmem:s8+$0x6200];
	s5 =	simm.s32 @!p0 $0x0  }
0x1fe: {  	s29 =	sadd.s32 $0x200, s29;
	v2 =	vmul.f32 v11, v7;
	v11 =	vadd.f32 v14, v13;
	s5 =	sshll.u32 s5, $0x9;
	v13 =	vld [tilespmem:s7+$0x200]  }
0x1ff: {  	s2 =	sadd.s32 $0x400, s2;
	s8 =	sand.u32 $0x200, s29;
	s9 =	sadd.s32 $0x100, s29;
	v14 =	vld [tilespmem:s7+$0x6200]  }
0x200: {  	s19 =	sadd.s32 s5, s2;
	s5 =	sand.u32 $0x7800, s2;
	s7 =	sand.u32 $0x300, s9;
	v2 =	vadd.f32 v2, v12;
	v8 =	vmul.f32 v10, v8;
	v15 =	vld [tilespmem:s6+$0x200]  }
0x201: {  	s24 =	sor.u32 s8, s5;
	s22 =	sadd.s32 $0x80, s19;
	s18 =	sor.u32 s5, s7;
	v16 =	vld [tilespmem:s6+$0x6200]  }
0x202: {  	s21 =	sor.u32 $0x400, s19;
	s17 =	sor.u32 $0x400, s22;
	s23 =	sor.u32 $0x410, s22;
	v0 =	vmul.f32 v0, v9;
	v11 =	vadd.f32 v8, v11;
	v7 =	vld [tilespmem:s18+$0x270]  }
0x203: {  	s20 =	sor.u32 $0x410, s19;
	s9 =	sor.u32 $0x420, s19;
	s10 =	sor.u32 $0x420, s22;
	v9 =	vld [tilespmem:s18+$0x6270]  }
0x204: {  	s15 =	sor.u32 $0x430, s19;
	s16 =	sor.u32 $0x430, s22;
	s5 =	sor.u32 $0x440, s22;
	v0 =	vadd.f32 v0, v2;
	v8 =	vld [tilespmem:s18+$0x2F0];
	v2 =	vmul.f32 v14, v13  }
0x205: {  	s14 =	sor.u32 $0x440, s19;
	s12 =	sor.u32 $0x450, s19;
	s13 =	sor.u32 $0x450, s22;
	v10 =	vld [tilespmem:s18+$0x62F0]  }
0x206: {  	s8 =	sor.u32 $0x460, s19;
	s11 =	sor.u32 $0x460, s22;
	s7 =	sor.u32 $0x470, s22;
	v12 =	vld [tilespmem:s18+$0x260];
	v14 =	vmul.f32 v16, v15;
	v2 =	vadd.f32 v2, v11  }
0x207: {  	s6 =	sor.u32 $0x470, s19;
	v15 =	vld [tilespmem:s18+$0x6260]  }
0x208: {  	v13 =	vld [tilespmem:s18+$0x2E0];
	v0 =	vadd.f32 v14, v0;
	v11 =	vperm.xlane v2, v3  }
0x209: {  	v16 =	vld [tilespmem:s18+$0x62E0]  }
0x20a: {  	v18 =	vld [tilespmem:s18+$0x250];
	v14 =	vperm.xlane v0, v3;
	v2 =	vadd.f32 v11, v2  }
0x20b: {  	v19 =	vld [tilespmem:s18+$0x6250]  }
0x20c: {  	v20 =	vld [tilespmem:s18+$0x2D0];
	v0 =	vadd.f32 v14, v0  }
0x20d: {  	v21 =	vld [tilespmem:s18+$0x62D0]  }
0x20e: {  	v22 =	vld [tilespmem:s18+$0x240];
	v0 =	vsel vm0, v0, v2  }
0x20f: {  	v2 =	vld [tilespmem:s18+$0x6240];
	v11 =	vperm.xlane v0, v4  }
0x210: {  	v23 =	vld [tilespmem:s18+$0x2C0]  }
0x211: {  	v24 =	vld [tilespmem:s18+$0x62C0];
	v0 =	vadd.f32 v0, v11  }
0x212: {  	v25 =	vld [tilespmem:s18+$0x230]  }
0x213: {  	v26 =	vld [tilespmem:s18+$0x6230];
	v11 =	vperm.xlane v0, v5  }
0x214: {  	v27 =	vld [tilespmem:s18+$0x2B0]  }
0x215: {  	v28 =	vld [tilespmem:s18+$0x62B0];
	v0 =	vadd.f32 v0, v11  }
0x216: {  	v29 =	vld [tilespmem:s18+$0x220]  }
0x217: {  	v30 =	vld [tilespmem:s18+$0x6220];
	v11 =	vperm.xlane v0, v6  }
0x218: {  	v31 =	vld [tilespmem:s18+$0x2A0]  }
0x219: {  	v32 =	vld [tilespmem:s18+$0x62A0];
	v0 =	vadd.f32 v0, v11  }
0x21a: {  	v33 =	vld [tilespmem:s18+$0x200]  }
0x21b: {  	v34 =	vld [tilespmem:s18+$0x6200];
	[tilespmem:s30+$0xFFFFFFF0] =	vst v0  }
0x21c: {  	s0 =	sadd.s32 $0x2, s0;
	v0 =	vld [tilespmem:s18+$0x210]  }
0x21d: {  	s19 =	sand.u32 $0x3, s0;
	v35 =	vld [tilespmem:s18+$0x6210]  }
0x21e: {  	s19 =	sshll.u32 s19, $0x8;
	v36 =	vld [tilespmem:s18+$0x280]  }
0x21f: {  	s19 =	sadd.s32 s19, s2;
	v37 =	vld [tilespmem:s18+$0x6280]  }
0x220: {  	s22 =	sadd.s32 $0x100, s19;
	v38 =	vld [tilespmem:s18+$0x290]  }
0x221: {  	s4 =	sor.u32 $0x470, s22;
	v39 =	vld [tilespmem:s18+$0x6290]  }
0x222: {  	s31 =	sadd.s32 $0x2, s31;
	v11 =	vld [tilespmem:s4+$0x200]  }
0x223: {  	p1 =	slt.u32 s31, $0x2E;
	s18 =	sor.u32 $0x460, s22;
	v14 =	vld [tilespmem:s4+$0x6200]  }
0x224: {  	v17 =	vld [tilespmem:s18+$0x200]  }
0x225: {  	s4 =	sor.u32 $0x450, s22;
	v40 =	vld [tilespmem:s18+$0x6200]  }
0x226: {  	v41 =	vld [tilespmem:s4+$0x200]  }
0x227: {  	s18 =	sor.u32 $0x440, s22;
	v42 =	vld [tilespmem:s4+$0x6200]  }
0x228: {  	v43 =	vld [tilespmem:s18+$0x200]  }
0x229: {  	v33 =	vmul.f32 v34, v33;
	v0 =	vmul.f32 v35, v0;
	s4 =	sor.u32 $0x430, s22;
	v34 =	vld [tilespmem:s18+$0x6200]  }
0x22a: {  	v36 =	vmul.f32 v37, v36;
	v37 =	vmul.f32 v39, v38;
	v35 =	vld [tilespmem:s4+$0x200]  }
0x22b: {  	v29 =	vmul.f32 v30, v29;
	s18 =	sor.u32 $0x420, s22;
	v30 =	vld [tilespmem:s4+$0x6200]  }
0x22c: {  	v31 =	vmul.f32 v32, v31;
	v0 =	vadd.f32 v0, v33;
	v36 =	vadd.f32 v37, v36;
	v33 =	vld [tilespmem:s18+$0x200]  }
0x22d: {  	v25 =	vmul.f32 v26, v25;
	s4 =	sor.u32 $0x410, s22;
	v26 =	vld [tilespmem:s18+$0x6200]  }
0x22e: {  	v27 =	vmul.f32 v28, v27;
	v0 =	vadd.f32 v29, v0;
	v31 =	vadd.f32 v31, v36;
	v29 =	vld [tilespmem:s4+$0x200]  }
0x22f: {  	v2 =	vmul.f32 v2, v22;
	s22 =	sor.u32 $0x400, s22;
	v22 =	vld [tilespmem:s4+$0x6200]  }
0x230: {  	v23 =	vmul.f32 v24, v23;
	v0 =	vadd.f32 v25, v0;
	v27 =	vadd.f32 v27, v31;
	s18 =	sadd.s32 $0x180, s19;
	v25 =	vld [tilespmem:s22+$0x200]  }
0x231: {  	v18 =	vmul.f32 v19, v18;
	s4 =	sor.u32 $0x400, s18;
	v19 =	vld [tilespmem:s22+$0x6200]  }
0x232: {  	v20 =	vmul.f32 v21, v20;
	v0 =	vadd.f32 v2, v0;
	v2 =	vadd.f32 v23, v27;
	v21 =	vld [tilespmem:s4+$0x200]  }
0x233: {  	v12 =	vmul.f32 v15, v12;
	v15 =	vld [tilespmem:s4+$0x6200];
	s4 =	sor.u32 $0x410, s18  }
0x234: {  	v13 =	vmul.f32 v16, v13;
	v0 =	vadd.f32 v18, v0;
	v2 =	vadd.f32 v20, v2;
	v16 =	vld [tilespmem:s4+$0x200]  }
0x235: {  	v7 =	vmul.f32 v9, v7;
	v9 =	vld [tilespmem:s4+$0x6200];
	s4 =	sor.u32 $0x420, s18  }
0x236: {  	v8 =	vmul.f32 v10, v8;
	v0 =	vadd.f32 v12, v0;
	v2 =	vadd.f32 v13, v2;
	v10 =	vld [tilespmem:s4+$0x200]  }
0x237: {  	v12 =	vmul.f32 v19, v25;
	v13 =	vld [tilespmem:s4+$0x6200];
	s4 =	sor.u32 $0x430, s18  }
0x238: {  	v0 =	vadd.f32 v7, v0;
	v2 =	vadd.f32 v8, v2;
	v7 =	vmul.f32 v15, v21;
	v8 =	vld [tilespmem:s4+$0x200]  }
0x239: {  	v15 =	vmul.f32 v22, v29;
	v18 =	vld [tilespmem:s4+$0x6200];
	s4 =	sor.u32 $0x440, s18  }
0x23a: {  	v0 =	vadd.f32 v12, v0;
	v2 =	vadd.f32 v7, v2;
	v7 =	vmul.f32 v9, v16;
	v9 =	vld [tilespmem:s4+$0x200]  }
0x23b: {  	v12 =	vmul.f32 v26, v33;
	v16 =	vld [tilespmem:s4+$0x6200];
	s4 =	sor.u32 $0x450, s18  }
0x23c: {  	v0 =	vadd.f32 v15, v0;
	v2 =	vadd.f32 v7, v2;
	v7 =	vmul.f32 v13, v10;
	v10 =	vld [tilespmem:s4+$0x200]  }
0x23d: {  	v13 =	vmul.f32 v30, v35;
	v15 =	vld [tilespmem:s4+$0x6200];
	s4 =	sor.u32 $0x460, s18  }
0x23e: {  	v0 =	vadd.f32 v12, v0;
	v2 =	vadd.f32 v7, v2;
	v7 =	vmul.f32 v18, v8;
	v8 =	vld [tilespmem:s4+$0x200]  }
0x23f: {  	v12 =	vmul.f32 v34, v43;
	v18 =	vld [tilespmem:s4+$0x6200];
	s4 =	sor.u32 $0x470, s18  }
0x240: {  	v0 =	vadd.f32 v13, v0;
	v2 =	vadd.f32 v7, v2;
	v7 =	vmul.f32 v16, v9;
	v9 =	vld [tilespmem:s4+$0x200]  }
0x241: {  	v13 =	vmul.f32 v42, v41;
	v16 =	vld [tilespmem:s4+$0x6200]  }
0x242: {  	v0 =	vadd.f32 v12, v0;
	v19 =	vld [tilespmem:s24+$0x200];
	v2 =	vadd.f32 v7, v2;
	v7 =	vmul.f32 v15, v10  }
0x243: {  	v12 =	vmul.f32 v40, v17;
	v10 =	vld [tilespmem:s24+$0x6200]  }
0x244: {  	v0 =	vadd.f32 v13, v0;
	v15 =	vld [tilespmem:s24+$0x210];
	v2 =	vadd.f32 v7, v2;
	v7 =	vmul.f32 v18, v8  }
0x245: {  	v11 =	vmul.f32 v14, v11;
	v8 =	vld [tilespmem:s24+$0x6210]  }
0x246: {  	v0 =	vadd.f32 v12, v0;
	v13 =	vld [tilespmem:s24+$0x280];
	v2 =	vadd.f32 v7, v2;
	v7 =	vmul.f32 v16, v9  }
0x247: {  	v9 =	vld [tilespmem:s24+$0x6280]  }
0x248: {  	v0 =	vadd.f32 v11, v0;
	v10 =	vmul.f32 v10, v19;
	v12 =	vld [tilespmem:s24+$0x290];
	v2 =	vadd.f32 v7, v2  }
0x249: {  	v7 =	vld [tilespmem:s24+$0x6290]  }
0x24a: {  	v14 =	vperm.xlane v0, v3;
	v11 =	vld [tilespmem:s24+$0x220];
	v16 =	vperm.xlane v2, v3  }
0x24b: {  	v8 =	vmul.f32 v8, v15;
	v15 =	vld [tilespmem:s24+$0x6220]  }
0x24c: {  	v0 =	vadd.f32 v14, v0;
	v9 =	vmul.f32 v9, v13;
	v13 =	vld [tilespmem:s24+$0x2A0];
	v2 =	vadd.f32 v16, v2  }
0x24d: {  	v8 =	vadd.f32 v8, v10;
	v10 =	vld [tilespmem:s24+$0x62A0]  }
0x24e: {  	v14 =	vld [tilespmem:s24+$0x230];
	v7 =	vmul.f32 v7, v12;
	v0 =	vsel vm0, v0, v2  }
0x24f: {  	v2 =	vld [tilespmem:s24+$0x6230];
	v12 =	vperm.xlane v0, v4  }
0x250: {  	v11 =	vmul.f32 v15, v11;
	v7 =	vadd.f32 v7, v9;
	v9 =	vld [tilespmem:s24+$0x2B0]  }
0x251: {  	v15 =	vld [tilespmem:s24+$0x62B0];
	v0 =	vadd.f32 v0, v12  }
0x252: {  	v8 =	vadd.f32 v11, v8;
	v11 =	vld [tilespmem:s24+$0x240];
	v10 =	vmul.f32 v10, v13  }
0x253: {  	v12 =	vld [tilespmem:s24+$0x6240];
	v13 =	vperm.xlane v0, v5  }
0x254: {  	v2 =	vmul.f32 v2, v14;
	v7 =	vadd.f32 v10, v7;
	v10 =	vld [tilespmem:s24+$0x2C0]  }
0x255: {  	v14 =	vld [tilespmem:s24+$0x62C0];
	v0 =	vadd.f32 v0, v13  }
0x256: {  	v2 =	vadd.f32 v2, v8;
	v8 =	vld [tilespmem:s24+$0x250];
	v9 =	vmul.f32 v15, v9  }
0x257: {  	v13 =	vld [tilespmem:s24+$0x6250];
	v15 =	vperm.xlane v0, v6  }
0x258: {  	v11 =	vmul.f32 v12, v11;
	v7 =	vadd.f32 v9, v7;
	v9 =	vld [tilespmem:s24+$0x2D0]  }
0x259: {  	v12 =	vld [tilespmem:s24+$0x62D0];
	v0 =	vadd.f32 v0, v15  }
0x25a: {  	s30 =	sadd.s32 $0x20, s30;
	v2 =	vadd.f32 v11, v2;
	v11 =	vld [tilespmem:s24+$0x260];
	v10 =	vmul.f32 v14, v10  }
0x25b: {  	v14 =	vld [tilespmem:s24+$0x6260];
	[tilespmem:s30+$0x0] =	vst v0  }
0x25c: {  	v0 =	vmul.f32 v13, v8;
	v7 =	vadd.f32 v10, v7;
	v8 =	vld [tilespmem:s24+$0x2E0]  }
0x25d: {  	v10 =	vld [tilespmem:s24+$0x62E0]  }
0x25e: {  	v0 =	vadd.f32 v0, v2;
	v2 =	vld [tilespmem:s24+$0x270];
	v9 =	vmul.f32 v12, v9  }
0x25f: {  	v12 =	vld [tilespmem:s24+$0x6270]  }
0x260: {  	v11 =	vmul.f32 v14, v11;
	v7 =	vadd.f32 v9, v7;
	v9 =	vld [tilespmem:s24+$0x2F0]  }
0x261: {  	v13 =	vld [tilespmem:s24+$0x62F0]  }
0x262: {  	v0 =	vadd.f32 v11, v0;
	v8 =	vmul.f32 v10, v8;
	v10 =	vld [tilespmem:s17+$0x200]  }
0x263: {  	v11 =	vld [tilespmem:s17+$0x6200]  }
0x264: {  	v2 =	vmul.f32 v12, v2;
	v12 =	vld [tilespmem:s21+$0x200];
	v7 =	vadd.f32 v8, v7  }
0x265: {  	v8 =	vld [tilespmem:s21+$0x6200]  }
0x266: {  	v0 =	vadd.f32 v2, v0;
	v2 =	vmul.f32 v13, v9;
	v9 =	vld [tilespmem:s23+$0x200]  }
0x267: {  	v13 =	vld [tilespmem:s23+$0x6200]  }
0x268: {  	v14 =	vld [tilespmem:s20+$0x200];
	v2 =	vadd.f32 v2, v7;
	v7 =	vmul.f32 v11, v10  }
0x269: {  	v10 =	vld [tilespmem:s20+$0x6200]  }
0x26a: {  	v8 =	vmul.f32 v8, v12;
	v2 =	vadd.f32 v7, v2;
	v7 =	vld [tilespmem:s10+$0x200]  }
0x26b: {  	v11 =	vld [tilespmem:s10+$0x6200]  }
0x26c: {  	v0 =	vadd.f32 v8, v0;
	v8 =	vld [tilespmem:s9+$0x200];
	v9 =	vmul.f32 v13, v9  }
0x26d: {  	v12 =	vld [tilespmem:s9+$0x6200]  }
0x26e: {  	v10 =	vmul.f32 v10, v14;
	v2 =	vadd.f32 v9, v2;
	v9 =	vld [tilespmem:s16+$0x200]  }
0x26f: {  	v13 =	vld [tilespmem:s16+$0x6200]  }
0x270: {  	v0 =	vadd.f32 v10, v0;
	v10 =	vld [tilespmem:s15+$0x200];
	v7 =	vmul.f32 v11, v7  }
0x271: {  	v11 =	vld [tilespmem:s15+$0x6200]  }
0x272: {  	v8 =	vmul.f32 v12, v8;
	v2 =	vadd.f32 v7, v2;
	v12 =	vld [tilespmem:s5+$0x200]  }
0x273: {  	v14 =	vld [tilespmem:s5+$0x6200]  }
0x274: {  	v0 =	vadd.f32 v8, v0;
	v8 =	vld [tilespmem:s14+$0x200];
	v7 =	vmul.f32 v13, v9  }
0x275: {  	v9 =	vld [tilespmem:s14+$0x6200]  }
0x276: {  	v10 =	vmul.f32 v11, v10;
	v2 =	vadd.f32 v7, v2;
	v15 =	vld [tilespmem:s13+$0x200]  }
0x277: {  	v16 =	vld [tilespmem:s13+$0x6200]  }
.Ltmp2:
0x278: {  	v0 =	vadd.f32 v10, v0;
	v7 =	vld [tilespmem:s12+$0x200];
	v10 =	vmul.f32 v14, v12;
	(pc) =	sbr.rel @p1 .LBB2_7-.Ltmp2, $4  }
0x279: {  	v11 =	vld [tilespmem:s12+$0x6200]  }
0x27a: {  	v9 =	vmul.f32 v9, v8;
	v13 =	vadd.f32 v10, v2;
	v8 =	vld [tilespmem:s11+$0x200]  }
0x27b: {  	v10 =	vld [tilespmem:s11+$0x6200]  }
0x27c: {  	p0 =	por !p0, !p0;
	v12 =	vadd.f32 v9, v0;
	v9 =	vld [tilespmem:s8+$0x200];
	v14 =	vmul.f32 v16, v15  }
0x27d: {  	v0 =	vld [tilespmem:s8+$0x6200]  }
0x27e: {  	v2 =	vld [tilespmem:s7+$0x200]  }
0x27f: {  	v15 =	vld [tilespmem:s7+$0x6200]  }
0x280: {  	v16 =	vld [tilespmem:s6+$0x200]  }
0x281: {  	v17 =	vld [tilespmem:s6+$0x6200]  }
0x282: {  	v7 =	vmul.f32 v11, v7  }
0x283: {  	v11 =	vadd.f32 v14, v13;
	v8 =	vmul.f32 v10, v8  }
0x284: {  	v7 =	vadd.f32 v7, v12;
	v0 =	vmul.f32 v0, v9  }
0x285: {  	v8 =	vadd.f32 v8, v11  }
0x286: {  	v2 =	vmul.f32 v15, v2;
	v0 =	vadd.f32 v0, v7;
	v7 =	vmul.f32 v17, v16;
	_ =	sdelay $0x1  }
0x287: {  	v2 =	vadd.f32 v2, v8;
	v0 =	vadd.f32 v7, v0;
	_ =	sdelay $0x1  }
0x288: {  	v7 =	vperm.xlane v2, v3;
	v8 =	vperm.xlane v0, v3;
	_ =	sdelay $0x1  }
0x289: {  	v2 =	vadd.f32 v7, v2;
	v0 =	vadd.f32 v8, v0;
	_ =	sdelay $0x1  }
0x28a: {  	v0 =	vsel vm0, v0, v2  }
0x28b: {  	v2 =	vperm.xlane v0, v4;
	_ =	sdelay $0x1  }
0x28c: {  	v0 =	vadd.f32 v0, v2;
	_ =	sdelay $0x1  }
0x28d: {  	v2 =	vperm.xlane v0, v5;
	_ =	sdelay $0x1  }
0x28e: {  	v0 =	vadd.f32 v0, v2;
	_ =	sdelay $0x1  }
0x28f: {  	v2 =	vperm.xlane v0, v6;
	_ =	sdelay $0x1  }
0x290: {  	v0 =	vadd.f32 v0, v2;
	_ =	sdelay $0x1  }
0x291: {  	s0 =	simm.s32 $0x5;
	[tilespmem:s30+$0xFFFFFFF0] =	vst v0  }
0x292: {  	_ =	swait.ge [sflag:s0], $0x60  }
0x293: {  	[sflag:s0] =	ssyncset.done $0x0  }
0x294: {  	s24 =	simm.s32 $0x6;
	[sflag:s0] =	ssyncadd.s32 $0xFFFFFFA0  }
0x295: {  	_ =	swait.ge [sflag:s24], $0x60  }
0x296: {  	[sflag:s24] =	ssyncset.done $0x0  }
0x297: {  	[sflag:s24] =	ssyncadd.s32 $0xFFFFFFA0  }
0x298: {  	v0 =	vld [tilespmem:$0x0];
	_ =	sdelay $0x3  }
0x299: {  	v1 =	vld [tilespmem:$0x1FFD0]  }
0x29a: {  	v7 =	vld [tilespmem:$0x1FFE0];
	v2 =	vshll.u32 v0, $0x1  }
0x29b: {  	v0 =	vand.u32 $0x7, v0;
	v2 =	vand.u32 $0xFFFFFFF0, v2  }
0x29c: {  	v0 =	vor.u32 v0, v2  }
0x29d: {  	v2 =	vperm.xlane v0, v61;
	_ =	sdelay $0x1  }
0x29e: {  	v0 =	vperm.xlane v0, v7;
	v2 =	vadd.s32 v1, v2;
	_ =	sdelay $0x1  }
0x29f: {  	v0 =	vadd.s32 v1, v0;
	_ =	sdelay $0x1  }
0x2a0: {  	s2 =	simm.s32 $0x200;
	s0 =	simm.s32 $0x0  }
0x2a1: {  	[tilespmem:s2], [sflag:$0x1] =	stream.indirect_vreg.gather [hbm4b:s1+s0], $0x80, v2, vm1, $0xb8;
	[tilespmem:$0x1AD00] =	vst v63  }
0x2a2: {  	s29 =	simm.s32 $0xA00  }
0x2a3: {  	[tilespmem:s29], [sflag:$0x1] =	stream.indirect_vreg.gather [hbm4b:s1+s0], $0x80, v0, vm1, $0xb8;
	[tilespmem:$0x1AD00] =	vst v63  }
0x2a4: {  	v0 =	vld [tilespmem:$0x10];
	_ =	sdelay $0x4  }
0x2a5: {  	v2 =	vshll.u32 v0, $0x1  }
0x2a6: {  	v0 =	vand.u32 $0x7, v0;
	v2 =	vand.u32 $0xFFFFFFF0, v2  }
0x2a7: {  	v0 =	vor.u32 v0, v2  }
0x2a8: {  	v2 =	vperm.xlane v0, v61;
	_ =	sdelay $0x1  }
0x2a9: {  	v0 =	vperm.xlane v0, v7;
	v2 =	vadd.s32 v1, v2;
	_ =	sdelay $0x1  }
0x2aa: {  	v0 =	vadd.s32 v1, v0;
	_ =	sdelay $0x1  }
0x2ab: {  	s30 =	simm.s32 $0x1200  }
0x2ac: {  	[tilespmem:s30], [sflag:$0x1] =	stream.indirect_vreg.gather [hbm4b:s1+s0], $0x80, v2, vm1, $0xb8;
	[tilespmem:$0x1AD00] =	vst v63  }
0x2ad: {  	s4 =	simm.s32 $0x1A00  }
0x2ae: {  	[tilespmem:s4], [sflag:$0x1] =	stream.indirect_vreg.gather [hbm4b:s1+s0], $0x80, v0, vm1, $0xb8;
	[tilespmem:$0x1AD00] =	vst v63  }
0x2af: {  	v0 =	vld [tilespmem:$0x20];
	_ =	sdelay $0x4  }
0x2b0: {  	v2 =	vshll.u32 v0, $0x1  }
0x2b1: {  	v0 =	vand.u32 $0x7, v0;
	v2 =	vand.u32 $0xFFFFFFF0, v2  }
0x2b2: {  	v0 =	vor.u32 v0, v2  }
0x2b3: {  	v2 =	vperm.xlane v0, v61;
	_ =	sdelay $0x1  }
0x2b4: {  	v0 =	vperm.xlane v0, v7;
	v2 =	vadd.s32 v1, v2;
	_ =	sdelay $0x1  }
0x2b5: {  	v0 =	vadd.s32 v1, v0;
	_ =	sdelay $0x1  }
0x2b6: {  	s5 =	simm.s32 $0x2200  }
0x2b7: {  	[tilespmem:s5], [sflag:$0x1] =	stream.indirect_vreg.gather [hbm4b:s1+s0], $0x80, v2, vm1, $0xb8;
	[tilespmem:$0x1AD00] =	vst v63  }
0x2b8: {  	s6 =	simm.s32 $0x2A00  }
0x2b9: {  	[tilespmem:s6], [sflag:$0x1] =	stream.indirect_vreg.gather [hbm4b:s1+s0], $0x80, v0, vm1, $0xb8;
	[tilespmem:$0x1AD00] =	vst v63  }
0x2ba: {  	v0 =	vld [tilespmem:$0x30];
	_ =	sdelay $0x4  }
0x2bb: {  	v2 =	vshll.u32 v0, $0x1  }
0x2bc: {  	v0 =	vand.u32 $0x7, v0;
	v2 =	vand.u32 $0xFFFFFFF0, v2  }
0x2bd: {  	v0 =	vor.u32 v0, v2  }
0x2be: {  	v2 =	vperm.xlane v0, v61;
	_ =	sdelay $0x1  }
0x2bf: {  	v0 =	vperm.xlane v0, v7;
	v2 =	vadd.s32 v1, v2;
	_ =	sdelay $0x1  }
0x2c0: {  	v0 =	vadd.s32 v1, v0;
	_ =	sdelay $0x1  }
0x2c1: {  	s7 =	simm.s32 $0x3200  }
0x2c2: {  	[tilespmem:s7], [sflag:$0x1] =	stream.indirect_vreg.gather [hbm4b:s1+s0], $0x80, v2, vm1, $0xb8;
	[tilespmem:$0x1AD00] =	vst v63  }
0x2c3: {  	s8 =	simm.s32 $0x3A00  }
0x2c4: {  	[tilespmem:s8], [sflag:$0x1] =	stream.indirect_vreg.gather [hbm4b:s1+s0], $0x80, v0, vm1, $0xb8;
	[tilespmem:$0x1AD00] =	vst v63  }
0x2c5: {  	v0 =	vld [tilespmem:$0x40];
	_ =	sdelay $0x4  }
0x2c6: {  	v2 =	vshll.u32 v0, $0x1  }
0x2c7: {  	v0 =	vand.u32 $0x7, v0;
	v2 =	vand.u32 $0xFFFFFFF0, v2  }
0x2c8: {  	v0 =	vor.u32 v0, v2  }
0x2c9: {  	v2 =	vperm.xlane v0, v61;
	_ =	sdelay $0x1  }
0x2ca: {  	v0 =	vperm.xlane v0, v7;
	v2 =	vadd.s32 v1, v2;
	_ =	sdelay $0x1  }
0x2cb: {  	v0 =	vadd.s32 v1, v0;
	_ =	sdelay $0x1  }
0x2cc: {  	s9 =	simm.s32 $0x4200  }
0x2cd: {  	[tilespmem:s9], [sflag:$0x1] =	stream.indirect_vreg.gather [hbm4b:s1+s0], $0x80, v2, vm1, $0xb8;
	[tilespmem:$0x1AD00] =	vst v63  }
0x2ce: {  	s10 =	simm.s32 $0x4A00  }
0x2cf: {  	[tilespmem:s10], [sflag:$0x1] =	stream.indirect_vreg.gather [hbm4b:s1+s0], $0x80, v0, vm1, $0xb8;
	[tilespmem:$0x1AD00] =	vst v63  }
0x2d0: {  	v0 =	vld [tilespmem:$0x50];
	_ =	sdelay $0x4  }
0x2d1: {  	v2 =	vshll.u32 v0, $0x1  }
0x2d2: {  	v0 =	vand.u32 $0x7, v0;
	v2 =	vand.u32 $0xFFFFFFF0, v2  }
0x2d3: {  	v0 =	vor.u32 v0, v2  }
0x2d4: {  	v2 =	vperm.xlane v0, v61;
	_ =	sdelay $0x1  }
0x2d5: {  	v0 =	vperm.xlane v0, v7;
	v2 =	vadd.s32 v1, v2;
	_ =	sdelay $0x1  }
0x2d6: {  	v0 =	vadd.s32 v1, v0;
	_ =	sdelay $0x1  }
0x2d7: {  	s11 =	simm.s32 $0x5200  }
0x2d8: {  	[tilespmem:s11], [sflag:$0x1] =	stream.indirect_vreg.gather [hbm4b:s1+s0], $0x80, v2, vm1, $0xb8;
	[tilespmem:$0x1AD00] =	vst v63  }
0x2d9: {  	s12 =	simm.s32 $0x5A00  }
0x2da: {  	[tilespmem:s12], [sflag:$0x1] =	stream.indirect_vreg.gather [hbm4b:s1+s0], $0x80, v0, vm1, $0xb8;
	[tilespmem:$0x1AD00] =	vst v63  }
0x2db: {  	v0 =	vld [tilespmem:$0x80];
	_ =	sdelay $0x4  }
0x2dc: {  	v2 =	vshll.u32 v0, $0x1  }
0x2dd: {  	v0 =	vand.u32 $0x7, v0;
	v2 =	vand.u32 $0xFFFFFFF0, v2  }
0x2de: {  	v0 =	vor.u32 v0, v2  }
0x2df: {  	v2 =	vperm.xlane v0, v61;
	_ =	sdelay $0x1  }
0x2e0: {  	v0 =	vperm.xlane v0, v7;
	v2 =	vadd.s32 v1, v2;
	_ =	sdelay $0x1  }
0x2e1: {  	v0 =	vadd.s32 v1, v0;
	_ =	sdelay $0x1  }
0x2e2: {  	s13 =	simm.s32 $0x6200  }
0x2e3: {  	[tilespmem:s13], [sflag:$0x2] =	stream.indirect_vreg.gather [hbm4b:s1+s0], $0x80, v2, vm1, $0xb8;
	[tilespmem:$0x1AD00] =	vst v63  }
0x2e4: {  	s14 =	simm.s32 $0x6A00  }
0x2e5: {  	[tilespmem:s14], [sflag:$0x2] =	stream.indirect_vreg.gather [hbm4b:s1+s0], $0x80, v0, vm1, $0xb8;
	[tilespmem:$0x1AD00] =	vst v63  }
0x2e6: {  	v0 =	vld [tilespmem:$0x90];
	_ =	sdelay $0x4  }
0x2e7: {  	v2 =	vshll.u32 v0, $0x1  }
0x2e8: {  	v0 =	vand.u32 $0x7, v0;
	v2 =	vand.u32 $0xFFFFFFF0, v2  }
0x2e9: {  	v0 =	vor.u32 v0, v2  }
0x2ea: {  	v2 =	vperm.xlane v0, v61;
	_ =	sdelay $0x1  }
0x2eb: {  	v0 =	vperm.xlane v0, v7;
	v2 =	vadd.s32 v1, v2;
	_ =	sdelay $0x1  }
0x2ec: {  	v0 =	vadd.s32 v1, v0;
	_ =	sdelay $0x1  }
0x2ed: {  	s15 =	simm.s32 $0x7200  }
0x2ee: {  	[tilespmem:s15], [sflag:$0x2] =	stream.indirect_vreg.gather [hbm4b:s1+s0], $0x80, v2, vm1, $0xb8;
	[tilespmem:$0x1AD00] =	vst v63  }
0x2ef: {  	s16 =	simm.s32 $0x7A00  }
0x2f0: {  	[tilespmem:s16], [sflag:$0x2] =	stream.indirect_vreg.gather [hbm4b:s1+s0], $0x80, v0, vm1, $0xb8;
	[tilespmem:$0x1AD00] =	vst v63  }
0x2f1: {  	v0 =	vld [tilespmem:$0xA0];
	_ =	sdelay $0x4  }
0x2f2: {  	v2 =	vshll.u32 v0, $0x1  }
0x2f3: {  	v0 =	vand.u32 $0x7, v0;
	v2 =	vand.u32 $0xFFFFFFF0, v2  }
0x2f4: {  	v0 =	vor.u32 v0, v2  }
0x2f5: {  	v2 =	vperm.xlane v0, v61;
	_ =	sdelay $0x1  }
0x2f6: {  	v0 =	vperm.xlane v0, v7;
	v2 =	vadd.s32 v1, v2;
	_ =	sdelay $0x1  }
0x2f7: {  	v0 =	vadd.s32 v1, v0;
	_ =	sdelay $0x1  }
0x2f8: {  	s17 =	simm.s32 $0x8200  }
0x2f9: {  	[tilespmem:s17], [sflag:$0x2] =	stream.indirect_vreg.gather [hbm4b:s1+s0], $0x80, v2, vm1, $0xb8;
	[tilespmem:$0x1AD00] =	vst v63  }
0x2fa: {  	s18 =	simm.s32 $0x8A00  }
0x2fb: {  	[tilespmem:s18], [sflag:$0x2] =	stream.indirect_vreg.gather [hbm4b:s1+s0], $0x80, v0, vm1, $0xb8;
	[tilespmem:$0x1AD00] =	vst v63  }
0x2fc: {  	v0 =	vld [tilespmem:$0xB0];
	_ =	sdelay $0x4  }
0x2fd: {  	v2 =	vshll.u32 v0, $0x1  }
0x2fe: {  	v0 =	vand.u32 $0x7, v0;
	v2 =	vand.u32 $0xFFFFFFF0, v2  }
0x2ff: {  	v0 =	vor.u32 v0, v2  }
0x300: {  	v2 =	vperm.xlane v0, v61;
	_ =	sdelay $0x1  }
0x301: {  	v0 =	vperm.xlane v0, v7;
	v2 =	vadd.s32 v1, v2;
	_ =	sdelay $0x1  }
0x302: {  	v0 =	vadd.s32 v1, v0;
	_ =	sdelay $0x1  }
0x303: {  	s19 =	simm.s32 $0x9200  }
0x304: {  	[tilespmem:s19], [sflag:$0x2] =	stream.indirect_vreg.gather [hbm4b:s1+s0], $0x80, v2, vm1, $0xb8;
	[tilespmem:$0x1AD00] =	vst v63  }
0x305: {  	s20 =	simm.s32 $0x9A00  }
0x306: {  	[tilespmem:s20], [sflag:$0x2] =	stream.indirect_vreg.gather [hbm4b:s1+s0], $0x80, v0, vm1, $0xb8;
	[tilespmem:$0x1AD00] =	vst v63  }
0x307: {  	v0 =	vld [tilespmem:$0xC0];
	_ =	sdelay $0x4  }
0x308: {  	v2 =	vshll.u32 v0, $0x1  }
0x309: {  	v0 =	vand.u32 $0x7, v0;
	v2 =	vand.u32 $0xFFFFFFF0, v2  }
0x30a: {  	v0 =	vor.u32 v0, v2  }
0x30b: {  	v2 =	vperm.xlane v0, v61;
	_ =	sdelay $0x1  }
0x30c: {  	v0 =	vperm.xlane v0, v7;
	v2 =	vadd.s32 v1, v2;
	_ =	sdelay $0x1  }
0x30d: {  	v0 =	vadd.s32 v1, v0;
	_ =	sdelay $0x1  }
0x30e: {  	s21 =	simm.s32 $0xA200  }
0x30f: {  	[tilespmem:s21], [sflag:$0x2] =	stream.indirect_vreg.gather [hbm4b:s1+s0], $0x80, v2, vm1, $0xb8;
	[tilespmem:$0x1AD00] =	vst v63  }
0x310: {  	s22 =	simm.s32 $0xAA00  }
0x311: {  	[tilespmem:s22], [sflag:$0x2] =	stream.indirect_vreg.gather [hbm4b:s1+s0], $0x80, v0, vm1, $0xb8;
	[tilespmem:$0x1AD00] =	vst v63  }
0x312: {  	v0 =	vld [tilespmem:$0xD0];
	_ =	sdelay $0x4  }
0x313: {  	v2 =	vshll.u32 v0, $0x1  }
0x314: {  	v0 =	vand.u32 $0x7, v0;
	v2 =	vand.u32 $0xFFFFFFF0, v2  }
0x315: {  	v0 =	vor.u32 v0, v2  }
0x316: {  	v2 =	vperm.xlane v0, v61;
	_ =	sdelay $0x1  }
0x317: {  	v0 =	vperm.xlane v0, v7;
	v2 =	vadd.s32 v1, v2  }
0x318: {  	s24 =	smin.u32 s28, $0x30  }
0x319: {  	s2 =	smul.u32 $0x60, s24;
	v0 =	vadd.s32 v1, v0  }
0x31a: {  	s28 =	rddreg [dreg:$0xa]  }
0x31b: {  	s23 =	simm.s32 $0xB200;
	s2 =	sadd.s32 s2, s28  }
0x31c: {  	[tilespmem:s23], [sflag:$0x2] =	stream.indirect_vreg.gather [hbm4b:s1+s0], $0x80, v2, vm1, $0xb8;
	[tilespmem:$0x1AD00] =	vst v63  }
0x31d: {  	s31 =	rddreg [dreg:$0x4];
	s2 =	sshrl.u32 s2, $0x3;
	s4 =	simm.s32 $0xBA00  }
0x31e: {  	[tilespmem:s4], [sflag:$0x2] =	stream.indirect_vreg.gather [hbm4b:s1+s0], $0x80, v0, vm1, $0xb8;
	[tilespmem:$0x1AD00] =	vst v63  }
0x31f: {  	s29 =	simm.s32 $0x100;
	s2 =	sadd.s32 s31, s2  }
0x320: {  	[tilespmem:s29], [sflag:$0x7] =	stream.linear.gather [hbm4b:s2+s0], $0x60, $0x38;
	[tilespmem:$0x1AD00] =	vst v63  }
0x321: {  	s30 =	simm.s32 $0x180;
	s2 =	sadd.s32 $0x4E20, s2  }
0x322: {  	[tilespmem:s30], [sflag:$0x8] =	stream.linear.gather [hbm4b:s2+s0], $0x60, $0x38;
	[tilespmem:$0x1AD00] =	vst v63  }
0x323: {  	s2 =	simm.s32 $0x1A740  }
0x324: {  	v8 =	vld [tilespmem:s2+$0xFFFFFFD0]  }
0x325: {  	s5 =	simm.s32 $0x40;
	v7 =	vmov s25;
	v9 =	vld [tilespmem:s2+$0xFFFFFFC0]  }
.LBB2_9:
0x326: {  	p0 =	sne.s32 s5, $0x140;
	v0 =	vld [tilespmem:s2+$0xFFFFFFE0]  }
0x327: {  	v2 =	vld [tilespmem:s2+$0xFFFFFFF0]  }
0x328: {  	v10 =	vld [tilespmem:s2+$0x0]  }
0x329: {  	v11 =	vld [tilespmem:s2+$0x10]  }
0x32a: {  	vm3 =	vmmov $0xf;
	v8 =	vsel vm2, v9, v8;
	v9 =	vld [tilespmem:s2+$0x20]  }
0x32b: {  	vm4 =	vmmov $0x3f;
	v0 =	vsel vm3, v8, v0;
	v8 =	vld [tilespmem:s2+$0x30]  }
0x32c: {  	vm5 =	vmmov $0xff;
	v0 =	vsel vm4, v0, v2  }
0x32d: {  	vm6 =	vmmov $0x3ff;
	v0 =	vsel vm5, v0, v10  }
0x32e: {  	vm7 =	vmmov $0xfff;
	v0 =	vsel vm6, v0, v11  }
0x32f: {  	vm8 =	vmmov $0x3fff;
	v0 =	vsel vm7, v0, v9  }
0x330: {  	v0 =	vsel vm8, v0, v8  }
0x331: {  	v0 =	vsub.f32 $0.0e+00, v0;
	_ =	sdelay $0x1  }
0x332: {  	v0 =	vmul.f32 $1.442695020e+00, v0;
	_ =	sdelay $0x1  }
0x333: {  	(erf) = vpow2.f32 v0;
	_ =	sdelay $0x8  }
0x334: {  	v0 =	vpop (erf)  }
0x335: {  	v0 =	vadd.f32 $1.000000000e+00, v0;
	_ =	sdelay $0x1  }
0x336: {  	(erf) = vrcp.f32 v0;
	_ =	sdelay $0x7  }
.Ltmp3:
0x337: {  	(pc) =	sbr.rel @p0 .LBB2_9-.Ltmp3, $4  }
0x338: {  	s4 =	sshra.s32 s0, $0x2;
	s0 =	smov.u32 s5;
	v0 =	vpop (erf)  }
0x339: {  	s2 =	sadd.s32 $0x80, s2;
	[tilespmem:v7+s4+$0x0 ss:$0x1] =	vst.idx.msk $0xffff, v0  }
0x33a: {  	v8 =	vld [tilespmem:s2+$0xFFFFFFD0]  }
0x33b: {  	s5 =	sadd.s32 $0x40, s5;
	v9 =	vld [tilespmem:s2+$0xFFFFFFC0]  }
0x33c: {  	v0 =	vld [tilespmem:s2+$0xFFFFFFE0]  }
0x33d: {  	v2 =	vld [tilespmem:s2+$0xFFFFFFF0]  }
0x33e: {  	v10 =	vld [tilespmem:s2+$0x0]  }
0x33f: {  	v11 =	vld [tilespmem:s2+$0x10]  }
0x340: {  	v8 =	vsel vm2, v9, v8;
	v9 =	vld [tilespmem:s2+$0x20]  }
0x341: {  	v0 =	vsel vm3, v8, v0;
	v8 =	vld [tilespmem:s2+$0x30]  }
0x342: {  	v0 =	vsel vm4, v0, v2  }
0x343: {  	v0 =	vsel vm5, v0, v10  }
0x344: {  	v0 =	vsel vm6, v0, v11  }
0x345: {  	v0 =	vsel vm7, v0, v9  }
0x346: {  	v0 =	vsel vm8, v0, v8  }
0x347: {  	v0 =	vsub.f32 $0.0e+00, v0;
	_ =	sdelay $0x1  }
0x348: {  	v0 =	vmul.f32 $1.442695020e+00, v0;
	_ =	sdelay $0x1  }
0x349: {  	(erf) = vpow2.f32 v0;
	_ =	sdelay $0x8  }
0x34a: {  	v0 =	vpop (erf)  }
0x34b: {  	v0 =	vadd.f32 $1.000000000e+00, v0;
	_ =	sdelay $0x1  }
0x34c: {  	(erf) = vrcp.f32 v0;
	_ =	sdelay $0x8  }
0x34d: {  	s0 =	sshra.s32 s0, $0x2;
	v0 =	vpop (erf)  }
0x34e: {  	s10 =	simm.s32 $0x3;
	[tilespmem:v7+s0+$0x0 ss:$0x1] =	vst.idx.msk $0xffff, v0  }
0x34f: {  	_ =	swait.ge [sflag:s10], $0x6000  }
0x350: {  	[sflag:s10] =	ssyncset.done $0x0  }
0x351: {  	s4 =	simm.s32 $0x4;
	[sflag:s10] =	ssyncadd.s32 $0xFFFFA000  }
0x352: {  	s28 =	simm.s32 $0x0;
	s11 =	simm.s32 $0x100;
	_ =	swait.ge [sflag:s4], $0x6000  }
0x353: {  	s12 =	sand.u32 $0x7800, s28;
	s2 =	sand.u32 $0x300, s11;
	[sflag:s4] =	ssyncset.done $0x0  }
0x354: {  	s2 =	sor.u32 s12, s2;
	[sflag:s4] =	ssyncadd.s32 $0xFFFFA000  }
0x355: {  	v0 =	vld [tilespmem:s2+$0xC270];
	_ =	sdelay $0x4  }
0x356: {  	[tilespmem:$0x1FE80] =	vst v0  }
0x357: {  	v0 =	vld [tilespmem:s2+$0x12270];
	_ =	sdelay $0x4  }
0x358: {  	[tilespmem:$0x1FE90] =	vst v0  }
0x359: {  	v0 =	vld [tilespmem:s2+$0xC2F0];
	_ =	sdelay $0x4  }
0x35a: {  	[tilespmem:$0x1FEA0] =	vst v0  }
0x35b: {  	v0 =	vld [tilespmem:s2+$0x122F0];
	_ =	sdelay $0x4  }
0x35c: {  	[tilespmem:$0x1FEB0] =	vst v0  }
0x35d: {  	v0 =	vld [tilespmem:s2+$0xC2E0];
	_ =	sdelay $0x3  }
0x35e: {  	v41 =	vld [tilespmem:s2+$0xC260]  }
0x35f: {  	v16 =	vld [tilespmem:s2+$0x12260];
	[tilespmem:$0x1FE70] =	vst v0  }
0x360: {  	v42 =	vld [tilespmem:s2+$0x122E0]  }
0x361: {  	v17 =	vld [tilespmem:s2+$0xC250]  }
0x362: {  	v18 =	vld [tilespmem:s2+$0x12250]  }
0x363: {  	v19 =	vld [tilespmem:s2+$0xC2D0]  }
0x364: {  	v20 =	vld [tilespmem:s2+$0x122D0]  }
0x365: {  	v21 =	vld [tilespmem:s2+$0xC240]  }
0x366: {  	v22 =	vld [tilespmem:s2+$0x12240]  }
0x367: {  	v23 =	vld [tilespmem:s2+$0xC2C0]  }
0x368: {  	v24 =	vld [tilespmem:s2+$0x122C0]  }
0x369: {  	v25 =	vld [tilespmem:s2+$0xC230]  }
0x36a: {  	v26 =	vld [tilespmem:s2+$0x12230]  }
0x36b: {  	v27 =	vld [tilespmem:s2+$0xC2B0]  }
0x36c: {  	v28 =	vld [tilespmem:s2+$0x122B0]  }
0x36d: {  	v29 =	vld [tilespmem:s2+$0xC220]  }
0x36e: {  	v30 =	vld [tilespmem:s2+$0x12220]  }
0x36f: {  	s13 =	sand.u32 $0x3, s28;
	v31 =	vld [tilespmem:s2+$0xC2A0]  }
0x370: {  	s4 =	sshll.u32 s13, $0x8;
	v32 =	vld [tilespmem:s2+$0x122A0]  }
0x371: {  	s4 =	sadd.s32 $0x0, s4;
	v33 =	vld [tilespmem:s2+$0xC200]  }
0x372: {  	s5 =	sadd.s32 $0x100, s4;
	v34 =	vld [tilespmem:s2+$0x12200]  }
0x373: {  	s6 =	sor.u32 $0x470, s5;
	v35 =	vld [tilespmem:s2+$0xC210]  }
0x374: {  	v0 =	vld [tilespmem:s6+$0xC200]  }
0x375: {  	v36 =	vld [tilespmem:s2+$0x12210]  }
0x376: {  	v37 =	vld [tilespmem:s2+$0xC280]  }
0x377: {  	v38 =	vld [tilespmem:s2+$0x12280]  }
0x378: {  	v39 =	vld [tilespmem:s2+$0xC290]  }
0x379: {  	v40 =	vld [tilespmem:s2+$0x12290];
	[tilespmem:$0x1FF00] =	vst v0  }
0x37a: {  	v0 =	vld [tilespmem:s6+$0x12200];
	_ =	sdelay $0x4  }
0x37b: {  	s14 =	sor.u32 $0x460, s5;
	[tilespmem:$0x1FF10] =	vst v0  }
0x37c: {  	v0 =	vld [tilespmem:s14+$0xC200];
	_ =	sdelay $0x4  }
0x37d: {  	[tilespmem:$0x1FEE0] =	vst v0  }
0x37e: {  	v0 =	vld [tilespmem:s14+$0x12200];
	_ =	sdelay $0x4  }
0x37f: {  	s15 =	sor.u32 $0x450, s5;
	[tilespmem:$0x1FEF0] =	vst v0  }
0x380: {  	v0 =	vld [tilespmem:s15+$0xC200];
	_ =	sdelay $0x1  }
0x381: {  	v33 =	vmul.f32 v34, v33;
	v34 =	vmul.f32 v36, v35  }
0x382: {  	v36 =	vmul.f32 v38, v37;
	v40 =	vmul.f32 v40, v39  }
0x383: {  	v29 =	vmul.f32 v30, v29;
	v39 =	vadd.f32 v34, v33  }
0x384: {  	v31 =	vmul.f32 v32, v31;
	v40 =	vadd.f32 v40, v36;
	[tilespmem:$0x1FEC0] =	vst v0  }
0x385: {  	v25 =	vmul.f32 v26, v25;
	v36 =	vadd.f32 v29, v39;
	v0 =	vld [tilespmem:s15+$0x12200]  }
0x386: {  	v27 =	vmul.f32 v28, v27;
	v34 =	vld [tilespmem:$0x1FE70];
	v37 =	vadd.f32 v31, v40  }
0x387: {  	v21 =	vmul.f32 v22, v21;
	v39 =	vadd.f32 v25, v36;
	v36 =	vld [tilespmem:$0x1FE80]  }
0x388: {  	v23 =	vmul.f32 v24, v23;
	v40 =	vadd.f32 v27, v37;
	v37 =	vld [tilespmem:$0x1FE90]  }
0x389: {  	v30 =	vadd.f32 v21, v39;
	v39 =	vld [tilespmem:$0x1FEA0]  }
0x38a: {  	s16 =	sor.u32 $0x440, s5;
	v31 =	vadd.f32 v23, v40;
	v40 =	vld [tilespmem:$0x1FEB0];
	[tilespmem:$0x1FED0] =	vst v0  }
0x38b: {  	v43 =	vld [tilespmem:s16+$0xC200]  }
0x38c: {  	s17 =	sor.u32 $0x430, s5;
	v44 =	vld [tilespmem:s16+$0x12200]  }
0x38d: {  	v45 =	vld [tilespmem:s17+$0xC200]  }
0x38e: {  	s18 =	sor.u32 $0x420, s5;
	v1 =	vld [tilespmem:s17+$0x12200]  }
0x38f: {  	v46 =	vld [tilespmem:s18+$0xC200]  }
0x390: {  	s19 =	sor.u32 $0x410, s5;
	v63 =	vld [tilespmem:s18+$0x12200]  }
0x391: {  	v49 =	vld [tilespmem:s19+$0xC200]  }
0x392: {  	s20 =	sor.u32 $0x400, s5;
	v50 =	vld [tilespmem:s19+$0x12200]  }
0x393: {  	s4 =	sadd.s32 $0x180, s4;
	v51 =	vld [tilespmem:s20+$0xC200]  }
0x394: {  	s21 =	sor.u32 $0x400, s4;
	v52 =	vld [tilespmem:s20+$0x12200]  }
0x395: {  	v53 =	vld [tilespmem:s21+$0xC200]  }
0x396: {  	s22 =	sor.u32 $0x410, s4;
	v54 =	vld [tilespmem:s21+$0x12200]  }
0x397: {  	v55 =	vld [tilespmem:s22+$0xC200]  }
0x398: {  	s23 =	sor.u32 $0x420, s4;
	v56 =	vld [tilespmem:s22+$0x12200]  }
0x399: {  	v57 =	vld [tilespmem:s23+$0xC200]  }
0x39a: {  	s24 =	sor.u32 $0x430, s4;
	v58 =	vld [tilespmem:s23+$0x12200]  }
0x39b: {  	v59 =	vld [tilespmem:s24+$0xC200]  }
0x39c: {  	s5 =	sor.u32 $0x440, s4;
	v60 =	vld [tilespmem:s24+$0x12200]  }
0x39d: {  	v48 =	vld [tilespmem:s5+$0xC200]  }
0x39e: {  	s6 =	sor.u32 $0x450, s4;
	v62 =	vld [tilespmem:s5+$0x12200]  }
0x39f: {  	v47 =	vld [tilespmem:s6+$0xC200]  }
0x3a0: {  	s7 =	sor.u32 $0x460, s4;
	v7 =	vld [tilespmem:s6+$0x12200]  }
0x3a1: {  	v9 =	vld [tilespmem:s7+$0xC200]  }
0x3a2: {  	s8 =	sor.u32 $0x470, s4;
	v8 =	vld [tilespmem:s7+$0x12200]  }
0x3a3: {  	s9 =	sand.u32 $0x200, s28;
	v15 =	vld [tilespmem:s8+$0xC200]  }
0x3a4: {  	s10 =	sor.u32 s9, s12;
	v14 =	vld [tilespmem:s8+$0x12200]  }
0x3a5: {  	v13 =	vld [tilespmem:s10+$0xC200]  }
0x3a6: {  	v12 =	vld [tilespmem:s10+$0x12200]  }
0x3a7: {  	v11 =	vld [tilespmem:s10+$0xC210]  }
0x3a8: {  	v10 =	vld [tilespmem:s10+$0x12210]  }
0x3a9: {  	v2 =	vld [tilespmem:s10+$0xC280]  }
0x3aa: {  	v0 =	vld [tilespmem:s10+$0x12280]  }
0x3ab: {  	v35 =	vld [tilespmem:s10+$0xC290]  }
0x3ac: {  	v38 =	vld [tilespmem:s10+$0x12290]  }
0x3ad: {  	v33 =	vld [tilespmem:s10+$0xC220]  }
0x3ae: {  	v32 =	vld [tilespmem:s10+$0x12220]  }
0x3af: {  	v29 =	vld [tilespmem:s10+$0xC2A0]  }
0x3b0: {  	v28 =	vld [tilespmem:s10+$0x122A0]  }
0x3b1: {  	v25 =	vld [tilespmem:s10+$0xC230]  }
0x3b2: {  	v24 =	vld [tilespmem:s10+$0x12230]  }
0x3b3: {  	v17 =	vmul.f32 v18, v17;
	v21 =	vld [tilespmem:s10+$0xC2B0]  }
0x3b4: {  	v19 =	vmul.f32 v20, v19;
	v20 =	vld [tilespmem:s10+$0x122B0]  }
0x3b5: {  	v16 =	vmul.f32 v16, v41;
	v17 =	vadd.f32 v17, v30;
	v18 =	vld [tilespmem:s10+$0xC240]  }
0x3b6: {  	v23 =	vld [tilespmem:s10+$0x12240]  }
0x3b7: {  	v26 =	vmul.f32 v37, v36;
	v16 =	vadd.f32 v16, v17;
	v17 =	vld [tilespmem:s10+$0xC2C0]  }
0x3b8: {  	v27 =	vld [tilespmem:s10+$0x122C0]  }
0x3b9: {  	v16 =	vadd.f32 v26, v16;
	v26 =	vld [tilespmem:s10+$0xC250]  }
0x3ba: {  	v19 =	vadd.f32 v19, v31;
	v31 =	vld [tilespmem:s10+$0x12250]  }
0x3bb: {  	v30 =	vld [tilespmem:s10+$0xC2D0]  }
0x3bc: {  	v22 =	vmul.f32 v42, v34;
	v36 =	vld [tilespmem:s10+$0x122D0]  }
0x3bd: {  	v34 =	vld [tilespmem:s10+$0xC260]  }
0x3be: {  	v19 =	vadd.f32 v22, v19;
	v22 =	vmul.f32 v40, v39;
	v39 =	vld [tilespmem:s10+$0x12260];
	v41 =	vmul.f32 v52, v51  }
0x3bf: {  	v52 =	vmul.f32 v56, v55;
	v55 =	vmul.f32 v1, v45;
	v1 =	vld [tilespmem:$0x1FEC0]  }
0x3c0: {  	v56 =	vmul.f32 v60, v59;
	v59 =	vmul.f32 v62, v48;
	v62 =	vld [tilespmem:$0x1FED0]  }
0x3c1: {  	v19 =	vadd.f32 v22, v19;
	v37 =	vld [tilespmem:s10+$0xC2E0];
	v42 =	vmul.f32 v54, v53  }
0x3c2: {  	v40 =	vld [tilespmem:s10+$0xC270];
	v51 =	vmul.f32 v50, v49;
	v53 =	vmul.f32 v63, v46  }
0x3c3: {  	v54 =	vmul.f32 v58, v57;
	v57 =	vld [tilespmem:s10+$0x122E0];
	v16 =	vadd.f32 v41, v16;
	v19 =	vadd.f32 v42, v19  }
0x3c4: {  	v58 =	vmul.f32 v44, v43;
	v7 =	vmul.f32 v7, v47;
	v47 =	vld [tilespmem:$0x1FEF0]  }
0x3c5: {  	p0 =	por $0x0, $0x0;
	s0 =	simm.s32 $0x1;
	v16 =	vadd.f32 v51, v16;
	v19 =	vadd.f32 v52, v19;
	v44 =	vmul.f32 v62, v1;
	v1 =	vld [tilespmem:$0x1FEE0]  }
0x3c6: {  	s0 =	simm.s32 @!p0 $0x0;
	v60 =	vld [tilespmem:s10+$0x12270];
	v0 =	vmul.f32 v0, v2;
	v2 =	vmul.f32 v38, v35  }
0x3c7: {  	s0 =	sshll.u32 s0, $0x9;
	v63 =	vld [tilespmem:s10+$0xC2F0];
	v8 =	vmul.f32 v8, v9;
	v16 =	vadd.f32 v53, v16;
	v19 =	vadd.f32 v54, v19  }
0x3c8: {  	s0 =	sadd.s32 $0x0, s0;
	v48 =	vld [tilespmem:s10+$0x122F0];
	v12 =	vmul.f32 v12, v13;
	v10 =	vmul.f32 v10, v11;
	v0 =	vadd.f32 v2, v0  }
0x3c9: {  	s11 =	sadd.s32 $0x80, s0;
	v9 =	vld [tilespmem:$0x1FF10];
	v2 =	vmul.f32 v28, v29;
	v16 =	vadd.f32 v55, v16;
	v19 =	vadd.f32 v56, v19  }
0x3ca: {  	s12 =	sor.u32 $0x400, s11;
	v10 =	vadd.f32 v10, v12;
	v12 =	vmul.f32 v32, v33;
	v22 =	vmul.f32 v47, v1;
	v1 =	vld [tilespmem:$0x1FF00]  }
0x3cb: {  	v49 =	vld [tilespmem:s12+$0xC200];
	v16 =	vadd.f32 v58, v16;
	v19 =	vadd.f32 v59, v19  }
0x3cc: {  	s13 =	sor.u32 $0x400, s0;
	v50 =	vld [tilespmem:s12+$0x12200];
	v0 =	vadd.f32 v2, v0;
	v2 =	vmul.f32 v20, v21;
	v10 =	vadd.f32 v12, v10  }
0x3cd: {  	s14 =	sor.u32 $0x410, s11;
	v11 =	vld [tilespmem:s13+$0xC200];
	v13 =	vmul.f32 v14, v15;
	v16 =	vadd.f32 v44, v16;
	v7 =	vadd.f32 v7, v19  }
0x3ce: {  	v14 =	vld [tilespmem:s14+$0xC200];
	v12 =	vmul.f32 v24, v25;
	v0 =	vadd.f32 v2, v0;
	v2 =	vmul.f32 v27, v17  }
0x3cf: {  	s15 =	sor.u32 $0x410, s0;
	v15 =	vld [tilespmem:s14+$0x12200];
	v16 =	vadd.f32 v22, v16;
	v7 =	vadd.f32 v8, v7;
	v9 =	vmul.f32 v9, v1  }
0x3d0: {  	s16 =	sor.u32 $0x420, s11;
	v51 =	vld [tilespmem:s15+$0x12200];
	v10 =	vadd.f32 v12, v10;
	v0 =	vadd.f32 v2, v0;
	v2 =	vmul.f32 v36, v30  }
0x3d1: {  	v53 =	vld [tilespmem:s16+$0xC200];
	v7 =	vadd.f32 v13, v7;
	v9 =	vadd.f32 v9, v16  }
0x3d2: {  	s17 =	sor.u32 $0x420, s0;
	v12 =	vmul.f32 v23, v18;
	v54 =	vld [tilespmem:s16+$0x12200];
	v0 =	vadd.f32 v2, v0;
	v2 =	vmul.f32 v57, v37  }
0x3d3: {  	v55 =	vld [tilespmem:s17+$0xC200];
	v52 =	vperm.xlane v7, v3;
	v16 =	vperm.xlane v9, v3  }
0x3d4: {  	s18 =	sor.u32 $0x430, s11;
	v10 =	vadd.f32 v12, v10;
	v56 =	vld [tilespmem:s17+$0x12200];
	v0 =	vadd.f32 v2, v0;
	v2 =	vmul.f32 v48, v63  }
0x3d5: {  	v12 =	vmul.f32 v31, v26;
	v58 =	vld [tilespmem:s18+$0x12200];
	v7 =	vadd.f32 v52, v7;
	v9 =	vadd.f32 v16, v9  }
0x3d6: {  	s19 =	sor.u32 $0x430, s0;
	v8 =	vld [tilespmem:s13+$0x12200];
	v0 =	vadd.f32 v2, v0;
	v2 =	vmul.f32 v50, v49  }
0x3d7: {  	v59 =	vld [tilespmem:s19+$0xC200];
	v7 =	vsel vm0, v9, v7;
	v9 =	vadd.f32 v12, v10;
	v10 =	vmul.f32 v39, v34  }
0x3d8: {  	s20 =	sor.u32 $0x440, s11;
	v13 =	vld [tilespmem:s15+$0xC200];
	v0 =	vadd.f32 v2, v0;
	v57 =	vperm.xlane v7, v4  }
0x3d9: {  	s21 =	sor.u32 $0x440, s0;
	v2 =	vmul.f32 v15, v14;
	v14 =	vld [tilespmem:s20+$0x12200];
	v9 =	vadd.f32 v10, v9;
	v10 =	vmul.f32 v60, v40  }
0x3da: {  	v15 =	vld [tilespmem:s21+$0x12200];
	v7 =	vadd.f32 v7, v57  }
0x3db: {  	v8 =	vmul.f32 v8, v11;
	v12 =	vld [tilespmem:s18+$0xC200];
	v9 =	vadd.f32 v10, v9  }
0x3dc: {  	v60 =	vld [tilespmem:s19+$0x12200];
	v11 =	vperm.xlane v7, v5  }
0x3dd: {  	v10 =	vld [tilespmem:s20+$0xC200];
	v8 =	vadd.f32 v8, v9;
	v9 =	vmul.f32 v51, v13  }
0x3de: {  	s22 =	sor.u32 $0x450, s11;
	v0 =	vadd.f32 v2, v0;
	v2 =	vmul.f32 v54, v53;
	v13 =	vld [tilespmem:s21+$0xC200];
	v11 =	vadd.f32 v7, v11  }
0x3df: {  	v62 =	vld [tilespmem:s22+$0xC200];
	v7 =	vadd.f32 v9, v8;
	v8 =	vmul.f32 v56, v55  }
0x3e0: {  	s23 =	sor.u32 $0x450, s0;
	v63 =	vld [tilespmem:s22+$0x12200];
	v0 =	vadd.f32 v2, v0;
	v2 =	vmul.f32 v58, v12;
	v9 =	vperm.xlane v11, v6  }
0x3e1: {  	v12 =	vmul.f32 v60, v59;
	v8 =	vadd.f32 v8, v7;
	v7 =	vld [tilespmem:s23+$0xC200]  }
0x3e2: {  	s24 =	sor.u32 $0x460, s11;
	v0 =	vadd.f32 v2, v0;
	v9 =	vadd.f32 v11, v9;
	v11 =	vld [tilespmem:s23+$0x12200]  }
0x3e3: {  	s29 =	simm.s32 $0x1AA10;
	s30 =	simm.s32 $0x0;
	v2 =	vadd.f32 v12, v8;
	v12 =	vmul.f32 v14, v10;
	v14 =	vmul.f32 v15, v13;
	v8 =	vld [tilespmem:s24+$0xC200]  }
0x3e4: {  	p0 =	por !p0, !p0;
	s2 =	simm.s32 $0x0;
	s8 =	sor.u32 $0x460, s0;
	v10 =	vld [tilespmem:s24+$0x12200]  }
0x3e5: {  	s7 =	sor.u32 $0x470, s11;
	s6 =	sor.u32 $0x470, s0;
	s0 =	simm.s32 $0x0;
	[tilespmem:s29+$0x0] =	vst v9;
	v9 =	vld [tilespmem:s8+$0xC200];
	v13 =	vadd.f32 v12, v0;
	v12 =	vadd.f32 v14, v2;
	v14 =	vmul.f32 v63, v62  }
.LBB2_11:
0x3e6: {  	s4 =	simm.s32 $0x1  }
0x3e7: {  	v0 =	vld [tilespmem:s8+$0x12200];
	s4 =	simm.s32 @!p0 $0x0  }
0x3e8: {  	s28 =	sadd.s32 $0x200, s28;
	v2 =	vmul.f32 v11, v7;
	v11 =	vadd.f32 v14, v13;
	s4 =	sshll.u32 s4, $0x9;
	v13 =	vld [tilespmem:s7+$0xC200]  }
0x3e9: {  	s2 =	sadd.s32 $0x400, s2;
	s5 =	sand.u32 $0x200, s28;
	s8 =	sadd.s32 $0x100, s28;
	v14 =	vld [tilespmem:s7+$0x12200]  }
0x3ea: {  	s8 =	sand.u32 $0x300, s8;
	s4 =	sadd.s32 s4, s2;
	s7 =	sand.u32 $0x7800, s2;
	v2 =	vadd.f32 v2, v12;
	v8 =	vmul.f32 v10, v8;
	v15 =	vld [tilespmem:s6+$0xC200]  }
0x3eb: {  	s17 =	sor.u32 s5, s7;
	s19 =	sadd.s32 $0x80, s4;
	s18 =	sor.u32 s7, s8;
	v16 =	vld [tilespmem:s6+$0x12200]  }
0x3ec: {  	s21 =	sor.u32 $0x400, s4;
	s24 =	sor.u32 $0x400, s19;
	s23 =	sor.u32 $0x410, s19;
	v0 =	vmul.f32 v0, v9;
	v11 =	vadd.f32 v8, v11;
	v7 =	vld [tilespmem:s18+$0xC270]  }
0x3ed: {  	s20 =	sor.u32 $0x410, s4;
	s9 =	sor.u32 $0x420, s4;
	s10 =	sor.u32 $0x420, s19;
	v9 =	vld [tilespmem:s18+$0x12270]  }
0x3ee: {  	s15 =	sor.u32 $0x430, s4;
	s16 =	sor.u32 $0x430, s19;
	s5 =	sor.u32 $0x440, s19;
	v0 =	vadd.f32 v0, v2;
	v8 =	vld [tilespmem:s18+$0xC2F0];
	v2 =	vmul.f32 v14, v13  }
0x3ef: {  	s14 =	sor.u32 $0x440, s4;
	s12 =	sor.u32 $0x450, s4;
	s13 =	sor.u32 $0x450, s19;
	v10 =	vld [tilespmem:s18+$0x122F0]  }
0x3f0: {  	s8 =	sor.u32 $0x460, s4;
	s11 =	sor.u32 $0x460, s19;
	s7 =	sor.u32 $0x470, s19;
	v12 =	vld [tilespmem:s18+$0xC260];
	v14 =	vmul.f32 v16, v15;
	v2 =	vadd.f32 v2, v11  }
0x3f1: {  	s6 =	sor.u32 $0x470, s4;
	v15 =	vld [tilespmem:s18+$0x12260]  }
0x3f2: {  	v13 =	vld [tilespmem:s18+$0xC2E0];
	v0 =	vadd.f32 v14, v0;
	v11 =	vperm.xlane v2, v3  }
0x3f3: {  	v16 =	vld [tilespmem:s18+$0x122E0]  }
0x3f4: {  	v18 =	vld [tilespmem:s18+$0xC250];
	v14 =	vperm.xlane v0, v3;
	v2 =	vadd.f32 v11, v2  }
0x3f5: {  	v19 =	vld [tilespmem:s18+$0x12250]  }
0x3f6: {  	v20 =	vld [tilespmem:s18+$0xC2D0];
	v0 =	vadd.f32 v14, v0  }
0x3f7: {  	v21 =	vld [tilespmem:s18+$0x122D0]  }
0x3f8: {  	v22 =	vld [tilespmem:s18+$0xC240];
	v0 =	vsel vm0, v0, v2  }
0x3f9: {  	v2 =	vld [tilespmem:s18+$0x12240];
	v11 =	vperm.xlane v0, v4  }
0x3fa: {  	v23 =	vld [tilespmem:s18+$0xC2C0]  }
0x3fb: {  	v24 =	vld [tilespmem:s18+$0x122C0];
	v0 =	vadd.f32 v0, v11  }
0x3fc: {  	v25 =	vld [tilespmem:s18+$0xC230]  }
0x3fd: {  	v26 =	vld [tilespmem:s18+$0x12230];
	v11 =	vperm.xlane v0, v5  }
0x3fe: {  	v27 =	vld [tilespmem:s18+$0xC2B0]  }
0x3ff: {  	v28 =	vld [tilespmem:s18+$0x122B0];
	v0 =	vadd.f32 v0, v11  }
0x400: {  	v29 =	vld [tilespmem:s18+$0xC220]  }
0x401: {  	v30 =	vld [tilespmem:s18+$0x12220];
	v11 =	vperm.xlane v0, v6  }
0x402: {  	v31 =	vld [tilespmem:s18+$0xC2A0]  }
0x403: {  	v32 =	vld [tilespmem:s18+$0x122A0];
	v0 =	vadd.f32 v0, v11  }
0x404: {  	v33 =	vld [tilespmem:s18+$0xC200]  }
0x405: {  	v34 =	vld [tilespmem:s18+$0x12200];
	[tilespmem:s29+$0xFFFFFFF0] =	vst v0  }
0x406: {  	s0 =	sadd.s32 $0x2, s0;
	v0 =	vld [tilespmem:s18+$0xC210]  }
0x407: {  	s4 =	sand.u32 $0x3, s0;
	v35 =	vld [tilespmem:s18+$0x12210]  }
0x408: {  	s4 =	sshll.u32 s4, $0x8;
	v36 =	vld [tilespmem:s18+$0xC280]  }
0x409: {  	s19 =	sadd.s32 s4, s2;
	v37 =	vld [tilespmem:s18+$0x12280]  }
0x40a: {  	s4 =	sadd.s32 $0x100, s19;
	v38 =	vld [tilespmem:s18+$0xC290]  }
0x40b: {  	s22 =	sor.u32 $0x470, s4;
	v39 =	vld [tilespmem:s18+$0x12290]  }
0x40c: {  	s30 =	sadd.s32 $0x2, s30;
	v11 =	vld [tilespmem:s22+$0xC200]  }
0x40d: {  	p1 =	slt.u32 s30, $0x2E;
	s18 =	sor.u32 $0x460, s4;
	v14 =	vld [tilespmem:s22+$0x12200]  }
0x40e: {  	v17 =	vld [tilespmem:s18+$0xC200]  }
0x40f: {  	s22 =	sor.u32 $0x450, s4;
	v40 =	vld [tilespmem:s18+$0x12200]  }
0x410: {  	v41 =	vld [tilespmem:s22+$0xC200]  }
0x411: {  	s18 =	sor.u32 $0x440, s4;
	v42 =	vld [tilespmem:s22+$0x12200]  }
0x412: {  	v43 =	vld [tilespmem:s18+$0xC200]  }
0x413: {  	v33 =	vmul.f32 v34, v33;
	v0 =	vmul.f32 v35, v0;
	s22 =	sor.u32 $0x430, s4;
	v34 =	vld [tilespmem:s18+$0x12200]  }
0x414: {  	v36 =	vmul.f32 v37, v36;
	v37 =	vmul.f32 v39, v38;
	v35 =	vld [tilespmem:s22+$0xC200]  }
0x415: {  	v29 =	vmul.f32 v30, v29;
	s18 =	sor.u32 $0x420, s4;
	v30 =	vld [tilespmem:s22+$0x12200]  }
0x416: {  	v31 =	vmul.f32 v32, v31;
	v0 =	vadd.f32 v0, v33;
	v36 =	vadd.f32 v37, v36;
	v33 =	vld [tilespmem:s18+$0xC200]  }
0x417: {  	v25 =	vmul.f32 v26, v25;
	s22 =	sor.u32 $0x410, s4;
	v26 =	vld [tilespmem:s18+$0x12200]  }
0x418: {  	v27 =	vmul.f32 v28, v27;
	v0 =	vadd.f32 v29, v0;
	v31 =	vadd.f32 v31, v36;
	v29 =	vld [tilespmem:s22+$0xC200]  }
0x419: {  	v2 =	vmul.f32 v2, v22;
	s4 =	sor.u32 $0x400, s4;
	v22 =	vld [tilespmem:s22+$0x12200]  }
0x41a: {  	v23 =	vmul.f32 v24, v23;
	v0 =	vadd.f32 v25, v0;
	v27 =	vadd.f32 v27, v31;
	s18 =	sadd.s32 $0x180, s19;
	v25 =	vld [tilespmem:s4+$0xC200]  }
0x41b: {  	v18 =	vmul.f32 v19, v18;
	v19 =	vld [tilespmem:s4+$0x12200];
	s4 =	sor.u32 $0x400, s18  }
0x41c: {  	v20 =	vmul.f32 v21, v20;
	v0 =	vadd.f32 v2, v0;
	v2 =	vadd.f32 v23, v27;
	v21 =	vld [tilespmem:s4+$0xC200]  }
0x41d: {  	v12 =	vmul.f32 v15, v12;
	v15 =	vld [tilespmem:s4+$0x12200];
	s4 =	sor.u32 $0x410, s18  }
0x41e: {  	v13 =	vmul.f32 v16, v13;
	v0 =	vadd.f32 v18, v0;
	v2 =	vadd.f32 v20, v2;
	v16 =	vld [tilespmem:s4+$0xC200]  }
0x41f: {  	v7 =	vmul.f32 v9, v7;
	v9 =	vld [tilespmem:s4+$0x12200];
	s4 =	sor.u32 $0x420, s18  }
0x420: {  	v8 =	vmul.f32 v10, v8;
	v0 =	vadd.f32 v12, v0;
	v2 =	vadd.f32 v13, v2;
	v10 =	vld [tilespmem:s4+$0xC200]  }
0x421: {  	v12 =	vmul.f32 v19, v25;
	v13 =	vld [tilespmem:s4+$0x12200];
	s4 =	sor.u32 $0x430, s18  }
0x422: {  	v0 =	vadd.f32 v7, v0;
	v2 =	vadd.f32 v8, v2;
	v7 =	vmul.f32 v15, v21;
	v8 =	vld [tilespmem:s4+$0xC200]  }
0x423: {  	v15 =	vmul.f32 v22, v29;
	v18 =	vld [tilespmem:s4+$0x12200];
	s4 =	sor.u32 $0x440, s18  }
0x424: {  	v0 =	vadd.f32 v12, v0;
	v2 =	vadd.f32 v7, v2;
	v7 =	vmul.f32 v9, v16;
	v9 =	vld [tilespmem:s4+$0xC200]  }
0x425: {  	v12 =	vmul.f32 v26, v33;
	v16 =	vld [tilespmem:s4+$0x12200];
	s4 =	sor.u32 $0x450, s18  }
0x426: {  	v0 =	vadd.f32 v15, v0;
	v2 =	vadd.f32 v7, v2;
	v7 =	vmul.f32 v13, v10;
	v10 =	vld [tilespmem:s4+$0xC200]  }
0x427: {  	v13 =	vmul.f32 v30, v35;
	v15 =	vld [tilespmem:s4+$0x12200];
	s4 =	sor.u32 $0x460, s18  }
0x428: {  	v0 =	vadd.f32 v12, v0;
	v2 =	vadd.f32 v7, v2;
	v7 =	vmul.f32 v18, v8;
	v8 =	vld [tilespmem:s4+$0xC200]  }
0x429: {  	v12 =	vmul.f32 v34, v43;
	v18 =	vld [tilespmem:s4+$0x12200];
	s4 =	sor.u32 $0x470, s18  }
0x42a: {  	v0 =	vadd.f32 v13, v0;
	v2 =	vadd.f32 v7, v2;
	v7 =	vmul.f32 v16, v9;
	v9 =	vld [tilespmem:s4+$0xC200]  }
0x42b: {  	v13 =	vmul.f32 v42, v41;
	v16 =	vld [tilespmem:s4+$0x12200]  }
0x42c: {  	v0 =	vadd.f32 v12, v0;
	v19 =	vld [tilespmem:s17+$0xC200];
	v2 =	vadd.f32 v7, v2;
	v7 =	vmul.f32 v15, v10  }
0x42d: {  	v12 =	vmul.f32 v40, v17;
	v10 =	vld [tilespmem:s17+$0x12200]  }
0x42e: {  	v0 =	vadd.f32 v13, v0;
	v15 =	vld [tilespmem:s17+$0xC210];
	v2 =	vadd.f32 v7, v2;
	v7 =	vmul.f32 v18, v8  }
0x42f: {  	v11 =	vmul.f32 v14, v11;
	v8 =	vld [tilespmem:s17+$0x12210]  }
0x430: {  	v0 =	vadd.f32 v12, v0;
	v13 =	vld [tilespmem:s17+$0xC280];
	v2 =	vadd.f32 v7, v2;
	v7 =	vmul.f32 v16, v9  }
0x431: {  	v9 =	vld [tilespmem:s17+$0x12280]  }
0x432: {  	v0 =	vadd.f32 v11, v0;
	v10 =	vmul.f32 v10, v19;
	v12 =	vld [tilespmem:s17+$0xC290];
	v2 =	vadd.f32 v7, v2  }
0x433: {  	v7 =	vld [tilespmem:s17+$0x12290]  }
0x434: {  	v14 =	vperm.xlane v0, v3;
	v11 =	vld [tilespmem:s17+$0xC220];
	v16 =	vperm.xlane v2, v3  }
0x435: {  	v8 =	vmul.f32 v8, v15;
	v15 =	vld [tilespmem:s17+$0x12220]  }
0x436: {  	v0 =	vadd.f32 v14, v0;
	v9 =	vmul.f32 v9, v13;
	v13 =	vld [tilespmem:s17+$0xC2A0];
	v2 =	vadd.f32 v16, v2  }
0x437: {  	v8 =	vadd.f32 v8, v10;
	v10 =	vld [tilespmem:s17+$0x122A0]  }
0x438: {  	v14 =	vld [tilespmem:s17+$0xC230];
	v7 =	vmul.f32 v7, v12;
	v0 =	vsel vm0, v0, v2  }
0x439: {  	v2 =	vld [tilespmem:s17+$0x12230];
	v12 =	vperm.xlane v0, v4  }
0x43a: {  	v11 =	vmul.f32 v15, v11;
	v7 =	vadd.f32 v7, v9;
	v9 =	vld [tilespmem:s17+$0xC2B0]  }
0x43b: {  	v15 =	vld [tilespmem:s17+$0x122B0];
	v0 =	vadd.f32 v0, v12  }
0x43c: {  	v8 =	vadd.f32 v11, v8;
	v11 =	vld [tilespmem:s17+$0xC240];
	v10 =	vmul.f32 v10, v13  }
0x43d: {  	v12 =	vld [tilespmem:s17+$0x12240];
	v13 =	vperm.xlane v0, v5  }
0x43e: {  	v2 =	vmul.f32 v2, v14;
	v7 =	vadd.f32 v10, v7;
	v10 =	vld [tilespmem:s17+$0xC2C0]  }
0x43f: {  	v14 =	vld [tilespmem:s17+$0x122C0];
	v0 =	vadd.f32 v0, v13  }
0x440: {  	v2 =	vadd.f32 v2, v8;
	v8 =	vld [tilespmem:s17+$0xC250];
	v9 =	vmul.f32 v15, v9  }
0x441: {  	v13 =	vld [tilespmem:s17+$0x12250];
	v15 =	vperm.xlane v0, v6  }
0x442: {  	v11 =	vmul.f32 v12, v11;
	v7 =	vadd.f32 v9, v7;
	v9 =	vld [tilespmem:s17+$0xC2D0]  }
0x443: {  	v12 =	vld [tilespmem:s17+$0x122D0];
	v0 =	vadd.f32 v0, v15  }
0x444: {  	s29 =	sadd.s32 $0x20, s29;
	v2 =	vadd.f32 v11, v2;
	v11 =	vld [tilespmem:s17+$0xC260];
	v10 =	vmul.f32 v14, v10  }
0x445: {  	v14 =	vld [tilespmem:s17+$0x12260];
	[tilespmem:s29+$0x0] =	vst v0  }
0x446: {  	v0 =	vmul.f32 v13, v8;
	v7 =	vadd.f32 v10, v7;
	v8 =	vld [tilespmem:s17+$0xC2E0]  }
0x447: {  	v10 =	vld [tilespmem:s17+$0x122E0]  }
0x448: {  	v0 =	vadd.f32 v0, v2;
	v2 =	vld [tilespmem:s17+$0xC270];
	v9 =	vmul.f32 v12, v9  }
0x449: {  	v12 =	vld [tilespmem:s17+$0x12270]  }
0x44a: {  	v11 =	vmul.f32 v14, v11;
	v7 =	vadd.f32 v9, v7;
	v9 =	vld [tilespmem:s17+$0xC2F0]  }
0x44b: {  	v13 =	vld [tilespmem:s17+$0x122F0]  }
0x44c: {  	v0 =	vadd.f32 v11, v0;
	v8 =	vmul.f32 v10, v8;
	v10 =	vld [tilespmem:s24+$0xC200]  }
0x44d: {  	v11 =	vld [tilespmem:s24+$0x12200]  }
0x44e: {  	v2 =	vmul.f32 v12, v2;
	v12 =	vld [tilespmem:s21+$0xC200];
	v7 =	vadd.f32 v8, v7  }
0x44f: {  	v8 =	vld [tilespmem:s21+$0x12200]  }
0x450: {  	v0 =	vadd.f32 v2, v0;
	v2 =	vmul.f32 v13, v9;
	v9 =	vld [tilespmem:s23+$0xC200]  }
0x451: {  	v13 =	vld [tilespmem:s23+$0x12200]  }
0x452: {  	v14 =	vld [tilespmem:s20+$0xC200];
	v2 =	vadd.f32 v2, v7;
	v7 =	vmul.f32 v11, v10  }
0x453: {  	v10 =	vld [tilespmem:s20+$0x12200]  }
0x454: {  	v8 =	vmul.f32 v8, v12;
	v2 =	vadd.f32 v7, v2;
	v7 =	vld [tilespmem:s10+$0xC200]  }
0x455: {  	v11 =	vld [tilespmem:s10+$0x12200]  }
0x456: {  	v0 =	vadd.f32 v8, v0;
	v8 =	vld [tilespmem:s9+$0xC200];
	v9 =	vmul.f32 v13, v9  }
0x457: {  	v12 =	vld [tilespmem:s9+$0x12200]  }
0x458: {  	v10 =	vmul.f32 v10, v14;
	v2 =	vadd.f32 v9, v2;
	v9 =	vld [tilespmem:s16+$0xC200]  }
0x459: {  	v13 =	vld [tilespmem:s16+$0x12200]  }
0x45a: {  	v0 =	vadd.f32 v10, v0;
	v10 =	vld [tilespmem:s15+$0xC200];
	v7 =	vmul.f32 v11, v7  }
0x45b: {  	v11 =	vld [tilespmem:s15+$0x12200]  }
0x45c: {  	v8 =	vmul.f32 v12, v8;
	v2 =	vadd.f32 v7, v2;
	v12 =	vld [tilespmem:s5+$0xC200]  }
0x45d: {  	v14 =	vld [tilespmem:s5+$0x12200]  }
0x45e: {  	v0 =	vadd.f32 v8, v0;
	v8 =	vld [tilespmem:s14+$0xC200];
	v7 =	vmul.f32 v13, v9  }
0x45f: {  	v9 =	vld [tilespmem:s14+$0x12200]  }
0x460: {  	v10 =	vmul.f32 v11, v10;
	v2 =	vadd.f32 v7, v2;
	v15 =	vld [tilespmem:s13+$0xC200]  }
0x461: {  	v16 =	vld [tilespmem:s13+$0x12200]  }
.Ltmp4:
0x462: {  	v0 =	vadd.f32 v10, v0;
	v7 =	vld [tilespmem:s12+$0xC200];
	v10 =	vmul.f32 v14, v12;
	(pc) =	sbr.rel @p1 .LBB2_11-.Ltmp4, $4  }
0x463: {  	v11 =	vld [tilespmem:s12+$0x12200]  }
0x464: {  	v9 =	vmul.f32 v9, v8;
	v13 =	vadd.f32 v10, v2;
	v8 =	vld [tilespmem:s11+$0xC200]  }
0x465: {  	v10 =	vld [tilespmem:s11+$0x12200]  }
0x466: {  	p0 =	por !p0, !p0;
	v12 =	vadd.f32 v9, v0;
	v9 =	vld [tilespmem:s8+$0xC200];
	v14 =	vmul.f32 v16, v15  }
0x467: {  	v0 =	vld [tilespmem:s8+$0x12200]  }
0x468: {  	v2 =	vld [tilespmem:s7+$0xC200]  }
0x469: {  	v15 =	vld [tilespmem:s7+$0x12200]  }
0x46a: {  	v16 =	vld [tilespmem:s6+$0xC200]  }
0x46b: {  	v17 =	vld [tilespmem:s6+$0x12200]  }
0x46c: {  	v7 =	vmul.f32 v11, v7  }
0x46d: {  	v63 =	vadd.f32 v14, v13;
	v8 =	vmul.f32 v10, v8  }
0x46e: {  	v7 =	vadd.f32 v7, v12;
	v0 =	vmul.f32 v0, v9  }
0x46f: {  	v8 =	vadd.f32 v8, v63  }
0x470: {  	v2 =	vmul.f32 v15, v2;
	v0 =	vadd.f32 v0, v7;
	v7 =	vmul.f32 v17, v16;
	_ =	sdelay $0x1  }
0x471: {  	v2 =	vadd.f32 v2, v8;
	v0 =	vadd.f32 v7, v0;
	_ =	sdelay $0x1  }
0x472: {  	v7 =	vperm.xlane v2, v3;
	v8 =	vperm.xlane v0, v3;
	_ =	sdelay $0x1  }
0x473: {  	v2 =	vadd.f32 v7, v2;
	v0 =	vadd.f32 v8, v0;
	_ =	sdelay $0x1  }
0x474: {  	v0 =	vsel vm0, v0, v2  }
0x475: {  	v2 =	vperm.xlane v0, v4;
	_ =	sdelay $0x1  }
0x476: {  	v0 =	vadd.f32 v0, v2;
	_ =	sdelay $0x1  }
0x477: {  	v2 =	vperm.xlane v0, v5;
	_ =	sdelay $0x1  }
0x478: {  	s26 =	sadd.s32 $0x1, s26;
	v0 =	vadd.f32 v0, v2  }
0x479: {  	p0 =	sne.s32 s26, $0x1A  }
.Ltmp5:
0x47a: {  	v2 =	vperm.xlane v0, v6;
	(pc) =	sbr.rel @p0 .LBB2_2-.Ltmp5, $3  }
0x47b: {  	_ = 	snop  }
0x47c: {  	v0 =	vadd.f32 v0, v2;
	_ =	sdelay $0x1  }
0x47d: {  	s25 =	sadd.s32 $0xC0, s25;
	[tilespmem:s29+$0xFFFFFFF0] =	vst v0  }
0x47e: {  	s0 =	simm.s32 $0x7  }
0x47f: {  	_ =	swait.ge [sflag:s0], $0x60  }
0x480: {  	[sflag:s0] =	ssyncset.done $0x0  }
0x481: {  	s23 =	simm.s32 $0x8;
	[sflag:s0] =	ssyncadd.s32 $0xFFFFFFA0  }
0x482: {  	_ =	swait.ge [sflag:s23], $0x60  }
0x483: {  	[sflag:s23] =	ssyncset.done $0x0  }
0x484: {  	s24 =	simm.s32 $0x1;
	[sflag:s23] =	ssyncadd.s32 $0xFFFFFFA0  }
0x485: {  	_ =	swait.ge [sflag:s24], $0x6000  }
0x486: {  	[sflag:s24] =	ssyncset.done $0x0  }
0x487: {  	s25 =	simm.s32 $0x2;
	[sflag:s24] =	ssyncadd.s32 $0xFFFFA000  }
0x488: {  	_ =	swait.ge [sflag:s25], $0x6000  }
0x489: {  	s4 =	simm.s32 $0x18200;
	s6 =	simm.s32 $0x9;
	[sflag:s25] =	ssyncset.done $0x0  }
0x48a: {  	s0 =	simm.s32 $0x0;
	s2 =	rddreg [dreg:$0xb];
	[sflag:s25] =	ssyncadd.s32 $0xFFFFA000  }
0x48b: {  	[tilespmem:s4], [sflag:$0x9] =	stream.linear.gather [hbm4b:s2+s0], $0x8, $0x38;
	[tilespmem:$0x1AD00] =	vst v63  }
0x48c: {  	_ =	swait.ge [sflag:s6], $0x8  }
0x48d: {  	[sflag:s6] =	ssyncset.done $0x0  }
0x48e: {  	s28 =	simm.s32 $0x18280;
	s26 =	rddreg [dreg:$0xc];
	[sflag:s6] =	ssyncadd.s32 $0xFFFFFFF8  }
0x48f: {  	[tilespmem:s28], [sflag:$0x9] =	stream.linear.gather [hbm4b:s26+s0], $0x8, $0x38;
	[tilespmem:$0x1AD00] =	vst v63  }
0x490: {  	_ =	swait.ge [sflag:s6], $0x8  }
0x491: {  	[sflag:s6] =	ssyncset.done $0x0  }
0x492: {  	[sflag:s6] =	ssyncadd.s32 $0xFFFFFFF8  }
0x493: {  	v0 =	vld.msk [tilespmem:$0x18200], $0xff;
	_ =	sdelay $0x4  }
0x494: {  	v1 =	vld [tilespmem:$0x1FFD0];
	v2 =	vshll.u32 v0, $0x1  }
0x495: {  	v0 =	vand.u32 $0x7, v0;
	v2 =	vand.u32 $0xFFFFFFF0, v2  }
0x496: {  	v0 =	vor.u32 v0, v2  }
0x497: {  	v0 =	vperm.xlane v0, v61;
	_ =	sdelay $0x1  }
0x498: {  	v0 =	vadd.s32 v1, v0;
	_ =	sdelay $0x3  }
0x499: {  	s29 =	simm.s32 $0x18300  }
0x49a: {  	[tilespmem:s29], [sflag:$0x1] =	stream.indirect_vreg.gather [hbm4b:s1+s0], $0x80, v0, vm1, $0xb8;
	[tilespmem:$0x1AD00] =	vst v63  }
0x49b: {  	v0 =	vld.msk [tilespmem:$0x18280], $0xff;
	_ =	sdelay $0x4  }
0x49c: {  	v2 =	vshll.u32 v0, $0x1  }
0x49d: {  	v0 =	vand.u32 $0x7, v0;
	v2 =	vand.u32 $0xFFFFFFF0, v2  }
0x49e: {  	v0 =	vor.u32 v0, v2  }
0x49f: {  	v0 =	vperm.xlane v0, v61;
	_ =	sdelay $0x1  }
0x4a0: {  	v0 =	vadd.s32 v1, v0;
	_ =	sdelay $0x3  }
0x4a1: {  	s30 =	simm.s32 $0x18B00;
	s2 =	simm.s32 $0x1AA40  }
0x4a2: {  	[tilespmem:s30], [sflag:$0x2] =	stream.indirect_vreg.gather [hbm4b:s1+s0], $0x80, v0, vm1, $0xb8;
	[tilespmem:$0x1AD00] =	vst v63  }
0x4a3: {  	v7 =	vld [tilespmem:s2+$0xFFFFFFD0]  }
0x4a4: {  	s5 =	simm.s32 $0x40;
	v8 =	vld [tilespmem:s2+$0xFFFFFFC0]  }
.LBB2_14:
0x4a5: {  	p0 =	sne.s32 s5, $0x140;
	v0 =	vld [tilespmem:s2+$0xFFFFFFE0]  }
0x4a6: {  	v2 =	vld [tilespmem:s2+$0xFFFFFFF0]  }
0x4a7: {  	v9 =	vld [tilespmem:s2+$0x0]  }
0x4a8: {  	v10 =	vld [tilespmem:s2+$0x10]  }
0x4a9: {  	v7 =	vsel vm2, v8, v7;
	v8 =	vld [tilespmem:s2+$0x20]  }
0x4aa: {  	v0 =	vsel vm3, v7, v0;
	v7 =	vld [tilespmem:s2+$0x30]  }
0x4ab: {  	v0 =	vsel vm4, v0, v2  }
0x4ac: {  	v0 =	vsel vm5, v0, v9  }
0x4ad: {  	v0 =	vsel vm6, v0, v10  }
0x4ae: {  	v0 =	vsel vm7, v0, v8  }
0x4af: {  	v0 =	vsel vm8, v0, v7  }
0x4b0: {  	v0 =	vsub.f32 $0.0e+00, v0;
	_ =	sdelay $0x1  }
0x4b1: {  	v0 =	vmul.f32 $1.442695020e+00, v0;
	_ =	sdelay $0x1  }
0x4b2: {  	(erf) = vpow2.f32 v0;
	_ =	sdelay $0x8  }
0x4b3: {  	v0 =	vpop (erf)  }
0x4b4: {  	v0 =	vadd.f32 $1.000000000e+00, v0;
	_ =	sdelay $0x1  }
0x4b5: {  	(erf) = vrcp.f32 v0;
	_ =	sdelay $0x7  }
.Ltmp6:
0x4b6: {  	(pc) =	sbr.rel @p0 .LBB2_14-.Ltmp6, $4  }
0x4b7: {  	s4 =	sshra.s32 s0, $0x2;
	s0 =	smov.u32 s5;
	v0 =	vpop (erf)  }
0x4b8: {  	s2 =	sadd.s32 $0x80, s2;
	[tilespmem:s4+$0x1A620] =	vst v0  }
0x4b9: {  	v7 =	vld [tilespmem:s2+$0xFFFFFFD0]  }
0x4ba: {  	s5 =	sadd.s32 $0x40, s5;
	v8 =	vld [tilespmem:s2+$0xFFFFFFC0]  }
0x4bb: {  	v0 =	vld [tilespmem:s2+$0xFFFFFFE0]  }
0x4bc: {  	v2 =	vld [tilespmem:s2+$0xFFFFFFF0]  }
0x4bd: {  	v9 =	vld [tilespmem:s2+$0x0]  }
0x4be: {  	v10 =	vld [tilespmem:s2+$0x10]  }
0x4bf: {  	v7 =	vsel vm2, v8, v7;
	v8 =	vld [tilespmem:s2+$0x20]  }
0x4c0: {  	v0 =	vsel vm3, v7, v0;
	v7 =	vld [tilespmem:s2+$0x30]  }
0x4c1: {  	v0 =	vsel vm4, v0, v2  }
0x4c2: {  	v0 =	vsel vm5, v0, v9  }
0x4c3: {  	v0 =	vsel vm6, v0, v10  }
0x4c4: {  	v0 =	vsel vm7, v0, v8  }
0x4c5: {  	v0 =	vsel vm8, v0, v7  }
0x4c6: {  	v0 =	vsub.f32 $0.0e+00, v0;
	_ =	sdelay $0x1  }
0x4c7: {  	v0 =	vmul.f32 $1.442695020e+00, v0;
	_ =	sdelay $0x1  }
0x4c8: {  	(erf) = vpow2.f32 v0;
	_ =	sdelay $0x8  }
0x4c9: {  	v0 =	vpop (erf)  }
0x4ca: {  	v0 =	vadd.f32 $1.000000000e+00, v0;
	_ =	sdelay $0x1  }
0x4cb: {  	(erf) = vrcp.f32 v0;
	_ =	sdelay $0x8  }
0x4cc: {  	s0 =	sshra.s32 s0, $0x2;
	v0 =	vpop (erf)  }
0x4cd: {  	s29 =	simm.s32 $0x1;
	[tilespmem:s0+$0x1A620] =	vst v0  }
0x4ce: {  	_ =	swait.ge [sflag:s29], $0x800  }
0x4cf: {  	[sflag:s29] =	ssyncset.done $0x0  }
0x4d0: {  	s30 =	simm.s32 $0x2;
	[sflag:s29] =	ssyncadd.s32 $0xFFFFF800  }
0x4d1: {  	_ =	swait.ge [sflag:s30], $0x800  }
0x4d2: {  	[sflag:s30] =	ssyncset.done $0x0  }
0x4d3: {  	p0 =	por $0x1, $0x1;
	s0 =	simm.s32 $0x0;
	[sflag:s30] =	ssyncadd.s32 $0xFFFFF800  }
.LBB2_16:
0x4d4: {  	s5 =	sshll.u32 s0, $0x8  }
0x4d5: {  	v8 =	vld [tilespmem:s5+$0x18300]  }
0x4d6: {  	v7 =	vld [tilespmem:s5+$0x18B00]  }
0x4d7: {  	v27 =	vld [tilespmem:s5+$0x18310]  }
0x4d8: {  	v28 =	vld [tilespmem:s5+$0x18B10]  }
0x4d9: {  	v29 =	vld [tilespmem:s5+$0x18320]  }
0x4da: {  	v30 =	vld [tilespmem:s5+$0x18B20]  }
0x4db: {  	v0 =	vld [tilespmem:s5+$0x18730]  }
0x4dc: {  	v31 =	vld [tilespmem:s5+$0x18330]  }
0x4dd: {  	v32 =	vld [tilespmem:s5+$0x18B30]  }
0x4de: {  	v35 =	vld [tilespmem:s5+$0x18340]  }
0x4df: {  	v36 =	vld [tilespmem:s5+$0x18B40]  }
0x4e0: {  	[tilespmem:$0x1FCF0] =	vst v0;
	v0 =	vld [tilespmem:s5+$0x18740]  }
0x4e1: {  	v37 =	vld [tilespmem:s5+$0x18350]  }
0x4e2: {  	v38 =	vld [tilespmem:s5+$0x18B50]  }
0x4e3: {  	v39 =	vld [tilespmem:s5+$0x18360]  }
0x4e4: {  	v40 =	vld [tilespmem:s5+$0x18B60]  }
0x4e5: {  	[tilespmem:$0x1FD00] =	vst v0;
	v0 =	vld [tilespmem:s5+$0x18F40]  }
0x4e6: {  	v41 =	vld [tilespmem:s5+$0x18370]  }
0x4e7: {  	v42 =	vld [tilespmem:s5+$0x18B70]  }
0x4e8: {  	v43 =	vld [tilespmem:s5+$0x18700]  }
0x4e9: {  	v44 =	vld [tilespmem:s5+$0x18F00]  }
0x4ea: {  	[tilespmem:$0x1FD10] =	vst v0;
	v0 =	vld [tilespmem:s5+$0x18750]  }
0x4eb: {  	v45 =	vld [tilespmem:s5+$0x18710]  }
0x4ec: {  	v20 =	vld [tilespmem:s5+$0x18F10]  }
0x4ed: {  	v23 =	vld [tilespmem:s5+$0x18720]  }
0x4ee: {  	v21 =	vld [tilespmem:s5+$0x18F20]  }
0x4ef: {  	[tilespmem:$0x1FD60] =	vst v0;
	v0 =	vld [tilespmem:s5+$0x18F50]  }
0x4f0: {  	v50 =	vld [tilespmem:s5+$0x18F30]  }
0x4f1: {  	v51 =	vld [tilespmem:s5+$0x18380]  }
0x4f2: {  	v52 =	vld [tilespmem:s5+$0x18B80]  }
0x4f3: {  	v53 =	vld [tilespmem:s5+$0x18390]  }
0x4f4: {  	[tilespmem:$0x1FD70] =	vst v0;
	v0 =	vld [tilespmem:s5+$0x18760]  }
0x4f5: {  	v54 =	vld [tilespmem:s5+$0x18B90]  }
0x4f6: {  	v55 =	vld [tilespmem:s5+$0x183A0]  }
0x4f7: {  	v56 =	vld [tilespmem:s5+$0x18BA0]  }
0x4f8: {  	v57 =	vld [tilespmem:s5+$0x183B0]  }
0x4f9: {  	[tilespmem:$0x1FDC0] =	vst v0;
	v0 =	vld [tilespmem:s5+$0x18F60]  }
0x4fa: {  	v58 =	vld [tilespmem:s5+$0x18BB0]  }
0x4fb: {  	v59 =	vld [tilespmem:s5+$0x183C0]  }
0x4fc: {  	v60 =	vld [tilespmem:s5+$0x18BC0]  }
0x4fd: {  	v11 =	vld [tilespmem:s5+$0x183D0]  }
0x4fe: {  	[tilespmem:$0x1FDD0] =	vst v0;
	v0 =	vld [tilespmem:s5+$0x18770]  }
0x4ff: {  	v62 =	vld [tilespmem:s5+$0x18BD0]  }
0x500: {  	v17 =	vld [tilespmem:s5+$0x183E0]  }
0x501: {  	v14 =	vld [tilespmem:s5+$0x18BE0]  }
0x502: {  	v22 =	vld [tilespmem:s5+$0x183F0]  }
0x503: {  	[tilespmem:$0x1FE30] =	vst v0;
	v0 =	vld [tilespmem:s5+$0x18F70]  }
0x504: {  	v34 =	vld [tilespmem:s5+$0x18BF0]  }
0x505: {  	s2 =	sor.u32 $0x1, s0;
	v49 =	vld [tilespmem:s5+$0x18780]  }
0x506: {  	v33 =	vld [tilespmem:s5+$0x18F80];
	s28 =	sshll.u32 s2, $0x8  }
0x507: {  	v1 =	vld [tilespmem:s28+$0x18300]  }
0x508: {  	[tilespmem:$0x1FE40] =	vst v0;
	v0 =	vld [tilespmem:s5+$0x18790]  }
0x509: {  	v46 =	vld [tilespmem:s28+$0x18B00]  }
0x50a: {  	v47 =	vld [tilespmem:s28+$0x18310]  }
0x50b: {  	v63 =	vld [tilespmem:s28+$0x18B10]  }
0x50c: {  	v48 =	vld [tilespmem:s28+$0x18320]  }
0x50d: {  	[tilespmem:$0x1FD20] =	vst v0;
	v0 =	vld [tilespmem:s5+$0x18F90]  }
0x50e: {  	v61 =	vld [tilespmem:s28+$0x18B20]  }
0x50f: {  	v2 =	vld [tilespmem:s28+$0x18330]  }
0x510: {  	v10 =	vld [tilespmem:s28+$0x18340]  }
0x511: {  	v9 =	vld [tilespmem:s28+$0x18B40]  }
0x512: {  	[tilespmem:$0x1FD30] =	vst v0;
	v0 =	vld [tilespmem:s5+$0x187A0]  }
0x513: {  	v13 =	vld [tilespmem:s28+$0x18350]  }
0x514: {  	v12 =	vld [tilespmem:s28+$0x18B50]  }
0x515: {  	v16 =	vld [tilespmem:s28+$0x18360]  }
0x516: {  	v15 =	vld [tilespmem:s28+$0x18B60]  }
0x517: {  	[tilespmem:$0x1FD40] =	vst v0;
	v0 =	vld [tilespmem:s5+$0x18FA0]  }
0x518: {  	v19 =	vld [tilespmem:s28+$0x18370]  }
0x519: {  	v18 =	vld [tilespmem:s28+$0x18B70]  }
0x51a: {  	v25 =	vld [tilespmem:s28+$0x18700]  }
0x51b: {  	v24 =	vld [tilespmem:s28+$0x18F00]  }
0x51c: {  	[tilespmem:$0x1FD50] =	vst v0;
	v0 =	vld [tilespmem:s5+$0x187B0]  }
0x51d: {  	v26 =	vld [tilespmem:s28+$0x18710]  }
0x51e: {  	v7 =	vmul.f32 v7, v8;
	v8 =	vmul.f32 v28, v27;
	v27 =	vld [tilespmem:s28+$0x18F10]  }
0x51f: {  	v28 =	vld [tilespmem:s28+$0x18720]  }
0x520: {  	v31 =	vmul.f32 v32, v31;
	v32 =	vld [tilespmem:s28+$0x18F30]  }
0x521: {  	[tilespmem:$0x1FD80] =	vst v0;
	v0 =	vld [tilespmem:s5+$0x18FB0]  }
0x522: {  	v35 =	vmul.f32 v36, v35;
	v36 =	vld [tilespmem:s28+$0x18750]  }
0x523: {  	v39 =	vmul.f32 v40, v39;
	v40 =	vmul.f32 v52, v51;
	v51 =	vld [tilespmem:s28+$0x18380]  }
0x524: {  	v56 =	vmul.f32 v56, v55;
	v55 =	vld [tilespmem:s28+$0x18B80]  }
0x525: {  	v20 =	vmul.f32 v20, v45;
	v45 =	vld [tilespmem:s28+$0x183A0]  }
0x526: {  	[tilespmem:$0x1FD90] =	vst v0;
	v0 =	vld [tilespmem:s5+$0x187C0]  }
0x527: {  	v21 =	vmul.f32 v21, v23;
	v23 =	vld [tilespmem:s28+$0x18BA0]  }
0x528: {  	v52 =	vld [tilespmem:s28+$0x183B0]  }
0x529: {  	v54 =	vmul.f32 v54, v53;
	v53 =	vmul.f32 v63, v47;
	v47 =	vld [tilespmem:s28+$0x18BF0]  }
0x52a: {  	v7 =	vadd.f32 v8, v7;
	v8 =	vmul.f32 v30, v29;
	v29 =	vld [tilespmem:s28+$0x18F20]  }
0x52b: {  	[tilespmem:$0x1FDA0] =	vst v0;
	v0 =	vld [tilespmem:s5+$0x18FC0]  }
0x52c: {  	v30 =	vld [tilespmem:s28+$0x18730];
	v40 =	vadd.f32 v54, v40  }
0x52d: {  	v8 =	vadd.f32 v8, v7;
	v7 =	vld [tilespmem:s28+$0x18740]  }
0x52e: {  	v40 =	vadd.f32 v56, v40;
	v56 =	vmul.f32 v58, v57;
	v57 =	vld [tilespmem:s28+$0x18390]  }
0x52f: {  	v58 =	vld [tilespmem:s28+$0x18B90]  }
0x530: {  	[tilespmem:$0x1FDB0] =	vst v0;
	v0 =	vld [tilespmem:s5+$0x187D0]  }
0x531: {  	v23 =	vmul.f32 v23, v45;
	v45 =	vld [tilespmem:s28+$0x183F0]  }
0x532: {  	v55 =	vmul.f32 v55, v51;
	v51 =	vld [tilespmem:s28+$0x18F80]  }
0x533: {  	v8 =	vadd.f32 v31, v8;
	v31 =	vmul.f32 v38, v37;
	v38 =	vld [tilespmem:s28+$0x18F50]  }
0x534: {  	v40 =	vadd.f32 v56, v40;
	v56 =	vld [tilespmem:s28+$0x183C0]  }
0x535: {  	v59 =	vmul.f32 v60, v59;
	[tilespmem:$0x1FDF0] =	vst v0;
	v0 =	vld [tilespmem:s5+$0x18FD0]  }
0x536: {  	v8 =	vadd.f32 v35, v8;
	v35 =	vld [tilespmem:s28+$0x18760]  }
0x537: {  	v60 =	vadd.f32 v59, v40;
	v59 =	vld [tilespmem:$0x1FCF0]  }
0x538: {  	[tilespmem:$0x1FDE0] =	vst v7;
	v7 =	vld [tilespmem:s28+$0x18F40]  }
0x539: {  	v37 =	vadd.f32 v31, v8;
	v31 =	vld [tilespmem:s28+$0x18F60]  }
0x53a: {  	v11 =	vmul.f32 v62, v11;
	[tilespmem:$0x1FE00] =	vst v0;
	v0 =	vld [tilespmem:s5+$0x187E0]  }
0x53b: {  	v8 =	vld [tilespmem:s28+$0x18770]  }
0x53c: {  	v11 =	vadd.f32 v11, v60;
	v60 =	vld [tilespmem:s28+$0x183D0]  }
0x53d: {  	v1 =	vmul.f32 v46, v1;
	v46 =	vmul.f32 v33, v49;
	v49 =	vld [tilespmem:$0x1FD10]  }
0x53e: {  	v39 =	vadd.f32 v39, v37;
	v37 =	vld [tilespmem:s28+$0x18F70]  }
0x53f: {  	v41 =	vmul.f32 v42, v41;
	[tilespmem:$0x1FE10] =	vst v0;
	v0 =	vld [tilespmem:s5+$0x18FE0]  }
0x540: {  	v54 =	vmul.f32 v44, v43;
	v44 =	vmul.f32 v50, v59;
	v50 =	vld [tilespmem:s28+$0x18780]  }
0x541: {  	v39 =	vadd.f32 v41, v39;
	v41 =	vmul.f32 v58, v57;
	v58 =	vld [tilespmem:s28+$0x18BC0]  }
0x542: {  	v57 =	vmul.f32 v61, v48;
	v61 =	vmul.f32 v34, v22;
	v34 =	vld [tilespmem:s28+$0x183E0]  }
0x543: {  	v14 =	vmul.f32 v14, v17;
	v48 =	vld [tilespmem:$0x1FD00]  }
0x544: {  	v1 =	vadd.f32 v53, v1;
	[tilespmem:$0x1FE20] =	vst v0;
	v0 =	vld [tilespmem:s5+$0x187F0]  }
0x545: {  	v11 =	vadd.f32 v14, v11;
	v39 =	vadd.f32 v54, v39;
	v54 =	vld [tilespmem:s28+$0x18BB0]  }
0x546: {  	v1 =	vadd.f32 v57, v1;
	v57 =	vld [tilespmem:s28+$0x187A0]  }
0x547: {  	v40 =	vadd.f32 v61, v11;
	v61 =	vld [tilespmem:$0x1FD60]  }
0x548: {  	v20 =	vadd.f32 v20, v39;
	v39 =	vadd.f32 v41, v55;
	v55 =	vld [tilespmem:s28+$0x18F90]  }
0x549: {  	[tilespmem:$0x1FE50] =	vst v0;
	v0 =	vld [tilespmem:s5+$0x18FF0]  }
0x54a: {  	v41 =	vld [tilespmem:s28+$0x187D0]  }
0x54b: {  	v20 =	vadd.f32 v21, v20;
	v62 =	vadd.f32 v23, v39;
	v39 =	vld [tilespmem:s28+$0x18BE0];
	v63 =	vmul.f32 v54, v52  }
0x54c: {  	v54 =	vld [tilespmem:s28+$0x18790]  }
0x54d: {  	v20 =	vadd.f32 v44, v20;
	v44 =	vmul.f32 v58, v56;
	v42 =	vadd.f32 v63, v62;
	v62 =	vld [tilespmem:$0x1FD70]  }
0x54e: {  	[tilespmem:$0x1FE60] =	vst v0;
	v0 =	vld [tilespmem:s28+$0x18B30]  }
0x54f: {  	v11 =	vadd.f32 v44, v42;
	v44 =	vld [tilespmem:s28+$0x18FD0]  }
0x550: {  	v56 =	vmul.f32 v47, v45;
	v45 =	vld [tilespmem:$0x1FDC0]  }
0x551: {  	v52 =	vld [tilespmem:$0x1FD20]  }
0x552: {  	v53 =	vld [tilespmem:$0x1FD30]  }
0x553: {  	v58 =	vld [tilespmem:$0x1FD40];
	v0 =	vmul.f32 v0, v2  }
0x554: {  	v59 =	vld [tilespmem:$0x1FD50]  }
0x555: {  	v42 =	vld [tilespmem:$0x1FDA0];
	v0 =	vadd.f32 v0, v1;
	v1 =	vmul.f32 v9, v10  }
0x556: {  	v43 =	vld [tilespmem:$0x1FDB0]  }
0x557: {  	v63 =	vmul.f32 v51, v50;
	v50 =	vld [tilespmem:$0x1FE00];
	v0 =	vadd.f32 v1, v0;
	v1 =	vmul.f32 v12, v13  }
0x558: {  	v2 =	vld [tilespmem:s28+$0x18BD0]  }
0x559: {  	v33 =	vmul.f32 v55, v54;
	v55 =	vld [tilespmem:$0x1FE10];
	v0 =	vadd.f32 v1, v0;
	v1 =	vmul.f32 v15, v16  }
0x55a: {  	v9 =	vmul.f32 v39, v34;
	v34 =	vld [tilespmem:s28+$0x187C0]  }
0x55b: {  	v39 =	vld [tilespmem:s28+$0x18FC0];
	v0 =	vadd.f32 v1, v0;
	v1 =	vmul.f32 v18, v19  }
0x55c: {  	v10 =	vadd.f32 v46, v40;
	v46 =	vld [tilespmem:$0x1FDD0];
	v13 =	vmul.f32 v49, v48  }
0x55d: {  	v48 =	vld [tilespmem:s28+$0x187E0];
	v2 =	vmul.f32 v2, v60;
	v0 =	vadd.f32 v1, v0;
	v1 =	vmul.f32 v24, v25  }
0x55e: {  	v49 =	vld [tilespmem:$0x1FDF0]  }
0x55f: {  	v60 =	vld [tilespmem:s28+$0x18FA0];
	v2 =	vadd.f32 v2, v11;
	v0 =	vadd.f32 v1, v0;
	v1 =	vmul.f32 v27, v26  }
0x560: {  	v16 =	vmul.f32 v53, v52;
	v52 =	vld [tilespmem:s28+$0x187F0]  }
0x561: {  	v2 =	vadd.f32 v9, v2;
	v24 =	vld [tilespmem:s28+$0x187B0];
	v0 =	vadd.f32 v1, v0;
	v1 =	vmul.f32 v29, v28  }
0x562: {  	v26 =	vld [tilespmem:$0x1FD80]  }
0x563: {  	v2 =	vadd.f32 v56, v2;
	v27 =	vld [tilespmem:$0x1FD90];
	v0 =	vadd.f32 v1, v0;
	v1 =	vmul.f32 v32, v30  }
0x564: {  	v25 =	vld [tilespmem:s28+$0x18FB0]  }
0x565: {  	v54 =	vmul.f32 v44, v41;
	v2 =	vadd.f32 v63, v2;
	v0 =	vadd.f32 v1, v0;
	v1 =	vld [tilespmem:$0x1FDE0]  }
0x566: {  	v13 =	vadd.f32 v13, v20;
	v10 =	vadd.f32 v16, v10;
	v16 =	vmul.f32 v59, v58;
	v58 =	vld [tilespmem:$0x1FE40]  }
0x567: {  	v19 =	vmul.f32 v62, v61;
	v61 =	vld [tilespmem:$0x1FE60];
	v40 =	vmul.f32 v60, v57;
	v2 =	vadd.f32 v33, v2  }
0x568: {  	v51 =	vmul.f32 v39, v34;
	v10 =	vadd.f32 v16, v10;
	v56 =	vld [tilespmem:$0x1FE20];
	v16 =	vmul.f32 v27, v26  }
0x569: {  	v15 =	vmul.f32 v50, v49;
	v57 =	vld [tilespmem:$0x1FE30];
	v47 =	vmul.f32 v25, v24;
	v2 =	vadd.f32 v40, v2  }
0x56a: {  	v10 =	vadd.f32 v16, v10;
	v16 =	vmul.f32 v43, v42;
	v1 =	vmul.f32 v7, v1;
	v7 =	vld [tilespmem:s28+$0x18FE0]  }
0x56b: {  	v13 =	vadd.f32 v19, v13;
	v19 =	vmul.f32 v46, v45;
	v60 =	vld [tilespmem:$0x1FE50];
	v2 =	vadd.f32 v47, v2  }
0x56c: {  	v53 =	vld [tilespmem:s28+$0x18FF0];
	v10 =	vadd.f32 v16, v10;
	v0 =	vadd.f32 v1, v0;
	v1 =	vmul.f32 v38, v36  }
0x56d: {  	v13 =	vadd.f32 v19, v13;
	v12 =	vmul.f32 v56, v55;
	v2 =	vadd.f32 v51, v2  }
0x56e: {  	v10 =	vadd.f32 v15, v10;
	v0 =	vadd.f32 v1, v0;
	v1 =	vmul.f32 v31, v35  }
0x56f: {  	v15 =	vmul.f32 v58, v57;
	v2 =	vadd.f32 v54, v2;
	v7 =	vmul.f32 v7, v48  }
0x570: {  	v59 =	vadd.f32 v12, v10;
	v10 =	vmul.f32 v61, v60;
	v0 =	vadd.f32 v1, v0  }
0x571: {  	v1 =	vmul.f32 v37, v8;
	v2 =	vadd.f32 v7, v2;
	v7 =	vmul.f32 v53, v52  }
0x572: {  	v9 =	vadd.f32 v10, v59;
	v8 =	vadd.f32 v15, v13  }
0x573: {  	v0 =	vadd.f32 v1, v0;
	v1 =	vadd.f32 v7, v2  }
0x574: {  	v2 =	vperm.xlane v8, v3;
	v7 =	vperm.xlane v9, v3  }
0x575: {  	v62 =	vperm.xlane v0, v3;
	v63 =	vperm.xlane v1, v3  }
0x576: {  	v2 =	vadd.f32 v2, v8;
	v7 =	vadd.f32 v7, v9  }
0x577: {  	v0 =	vadd.f32 v62, v0;
	v1 =	vadd.f32 v63, v1  }
0x578: {  	v2 =	vsel vm0, v2, v7  }
0x579: {  	v7 =	vperm.xlane v2, v4;
	v0 =	vsel vm0, v0, v1  }
0x57a: {  	v1 =	vperm.xlane v0, v4  }
0x57b: {  	v2 =	vadd.f32 v2, v7  }
0x57c: {  	v0 =	vadd.f32 v0, v1  }
0x57d: {  	v1 =	vperm.xlane v2, v5  }
0x57e: {  	v7 =	vperm.xlane v0, v5  }
0x57f: {  	v1 =	vadd.f32 v2, v1  }
0x580: {  	v0 =	vadd.f32 v0, v7  }
0x581: {  	p1 =	por p0, p0;
	v2 =	vperm.xlane v1, v6  }
.Ltmp7:
0x582: {  	v7 =	vperm.xlane v0, v6;
	(pc) =	sbr.rel @p1 .LBB2_16-.Ltmp7, $4  }
0x583: {  	s29 =	sshll.u32 s0, $0x4;
	v1 =	vadd.f32 v1, v2  }
0x584: {  	s0 =	sand.u32 $0x3FFFFFF0, s29;
	s2 =	sshll.u32 s2, $0x4;
	v0 =	vadd.f32 v0, v7  }
0x585: {  	s30 =	sand.u32 $0x3FFFFFF0, s2;
	[tilespmem:s0+$0x1A700] =	vst v1  }
0x586: {  	p0 =	por $0x0, $0x0;
	s0 =	simm.s32 $0x2;
	[tilespmem:s30+$0x1A700] =	vst v0  }
0x587: {  	v0 =	vld [tilespmem:$0x1A700]  }
0x588: {  	v1 =	vld [tilespmem:$0x1A710]  }
0x589: {  	v2 =	vld [tilespmem:$0x1A720]  }
0x58a: {  	v7 =	vld [tilespmem:$0x1A730]  }
0x58b: {  	v8 =	vld [tilespmem:$0x1A740]  }
0x58c: {  	v9 =	vld [tilespmem:$0x1A750]  }
0x58d: {  	v0 =	vsel vm2, v0, v1;
	v1 =	vld [tilespmem:$0x1A760]  }
0x58e: {  	v0 =	vsel vm3, v0, v2;
	v2 =	vld [tilespmem:$0x1A770]  }
0x58f: {  	v0 =	vsel vm4, v0, v7  }
0x590: {  	v0 =	vsel vm5, v0, v8  }
0x591: {  	v0 =	vsel vm6, v0, v9  }
0x592: {  	v0 =	vsel vm7, v0, v1  }
0x593: {  	v0 =	vsel vm8, v0, v2  }
0x594: {  	v0 =	vsub.f32 $0.0e+00, v0;
	_ =	sdelay $0x1  }
0x595: {  	v0 =	vmul.f32 $1.442695020e+00, v0;
	_ =	sdelay $0x1  }
0x596: {  	(erf) = vpow2.f32 v0;
	_ =	sdelay $0x8  }
0x597: {  	v0 =	vpop (erf)  }
0x598: {  	v0 =	vadd.f32 $1.000000000e+00, v0;
	_ =	sdelay $0x1  }
0x599: {  	(erf) = vrcp.f32 v0;
	_ =	sdelay $0x8  }
0x59a: {  	v0 =	vpop (erf)  }
0x59b: {  	s0 =	rddreg [dreg:$0xd];
	s2 =	simm.s32 $0x19300;
	[tilespmem:$0x1A680] =	vst v0  }
0x59c: {  	[hbm4b:s0+s3] =	stream.linear.scatter [tilespmem:s2], [sflag:$0x9], $0x1388, $0x38;
	[tilespmem:$0x1AD00] =	vst v63  }
0x59d: {  	_ =	swait.ge [sflag:s6], $0x1388  }
0x59e: {  	s29 =	rddreg [dreg:$0xf]  }
0x59f: {  	s30 =	rddreg [dreg:$0xe];
	s2 =	sadd.s32 $0x1, s29  }
0x5a0: {  	p0 =	sne.s32 s2, s30  }
.Ltmp8:
0x5a1: {  	_ = 	snop;
	(pc) =	sbr.rel @p0 .LBB2_1-.Ltmp8, $3  }
0x5a2: {  	_ =	sdelay $0x1  }
0x5a3: {  	[sflag:s6] =	ssyncset.done $0x0  }
0x5a4: {  	v61 =	vld [tilespmem:$0x1FFF0];
	[sflag:s6] =	ssyncadd.s32 $0xFFFFEC78  }
0x5a5: {  	_ =	sfence.sel $0x180000  }
0x5a6: {  	[bflag:$0x0] =	sbarrier.arrive $0xFFFF  }
0x5a7: {  	_ =	strace $0x90000047  }
0x5a8: {  	s0 =	stileid.u32;
	[bflag:$0x2] =	sbarrier.arrive $0xFFFF  }
0x5a9: {  	p0 =	sne.s32 s0, $0x0;
	s0 =	rddreg [dreg:$0x3]  }
0x5aa: {  	s0 =	sadd.s32 @!p0 $0x100000, s0  }
0x5ab: {  	[sflag:s0] =	ssyncadd.tile.s32 @!p0 $0x1;
	_ =	shalt  }
.Lfunc_end2:
_tile_overlayer_lowered:
.L_overlay_start_2:
0x5ac: {  	(tag) =	ssettag $0x2  }
0x5ad: {  	s0 =	rddreg [dreg:$0x0];
	s2 =	stileid.u32  }
0x5ae: {  	s1 =	rddreg [dreg:$0x1];
	p0 =	sne.s32 s2, $0x0  }
0x5af: {  	s3 =	rddreg [dreg:$0x2];
	[bflag:$0x3] =	sbarrier.arrive $0xFFFF;
	s2 =	simm.s32 @!p0 $0x1C09  }
0x5b0: {  	[timem:s3], [sflag:s2] =	dma.local @!p0 [hbm:s0], s1  }
0x5b1: {  	s0 =	simm.s32 @!p0 $0x9  }
0x5b2: {  	_ =	swait.ge @!p0 [sflag:s0], s1  }
0x5b3: {  	s1 =	ssub.s32 @!p0 $0x0, s1;
	[sflag:s0] =	ssyncset.done @!p0 $0x0  }
0x5b4: {  	[sflag:s0] =	ssyncadd.s32 @!p0 s1  }
0x5b5: {  	[bflag:$0x3] =	sbarrier.arrive $0xFFFF  }
0x5b6: {  	_ =	shalt  }

</sc_bundles>
